<compile_context>
chip_gen: v7x
topology: tpu7x:2x2x1
jax: 0.10.2.dev20260603
libtpu: 0.0.44.dev20260713+nightly
codegen_flags: <defaults>
</compile_context>

<pallas_src>
import jax
import jax.numpy as jnp
from jax import lax
from jax.experimental import pallas as pl
from jax.experimental.pallas import tpu as pltpu

N = 32768
D = 2048
K = 512
RB = 1024
NB = N // RB
CAP = 64
M = NB * CAP
CH = 512
DWIN = 16


def _transpose_planes(planes, eye):
    return [lax.dot_general(pln, eye, (((0,), (0,)), ((), ())),
                            preferred_element_type=jnp.float32)
            for pln in planes]


def _score_select_kernel(x_ref, wt_ref, b_ref, idx_ref, p_ref, pf_ref, if_ref):
    g = pl.program_id(0)
    lt = lax.dot_general(wt_ref[...], x_ref[...], (((0,), (1,)), ((), ())),
                         preferred_element_type=jnp.float32) + b_ref[...]
    m = jnp.max(lt, axis=0, keepdims=True)
    e = jnp.exp(lt - m)
    p_ref[g] = e[1:2, :] / (e[0:1, :] + e[1:2, :])

    @pl.when(g == NB - 1)
    def _select():
        u3 = lax.bitcast_convert_type(p_ref[...], jnp.int32)

        def bit_body(t, pfx):
            sh = jnp.int32(28) - 2 * t
            c1 = jnp.sum(jnp.where(u3 >= (pfx | (jnp.int32(1) << sh)),
                                   jnp.int32(1), jnp.int32(0)))
            c2 = jnp.sum(jnp.where(u3 >= (pfx | (jnp.int32(2) << sh)),
                                   jnp.int32(1), jnp.int32(0)))
            c3 = jnp.sum(jnp.where(u3 >= (pfx | (jnp.int32(3) << sh)),
                                   jnp.int32(1), jnp.int32(0)))
            m = (jnp.where(c1 >= K, jnp.int32(1), jnp.int32(0))
                 + jnp.where(c2 >= K, jnp.int32(1), jnp.int32(0))
                 + jnp.where(c3 >= K, jnp.int32(1), jnp.int32(0)))
            return pfx | (m << sh)
        vstar = lax.fori_loop(0, 15, bit_body, jnp.int32(0))

        utri = (lax.broadcasted_iota(jnp.int32, (RB, RB), 0)
                <= lax.broadcasted_iota(jnp.int32, (RB, RB), 1)
                ).astype(jnp.float32)
        c_col = lax.broadcasted_iota(jnp.int32, (CAP, 1), 0).astype(jnp.float32)
        j_row = lax.broadcasted_iota(jnp.int32, (1, RB), 1).astype(jnp.float32)

        for b in range(NB):
            prow = p_ref[b]
            mrow = (lax.bitcast_convert_type(prow, jnp.int32)
                    >= vstar).astype(jnp.float32)
            cs = jnp.dot(mrow, utri,
                         preferred_element_type=jnp.float32)
            destv = jnp.where(mrow > 0, cs - mrow, -1.0)
            comp = (destv == c_col).astype(jnp.float32)
            fil = jnp.sum(comp, axis=1, keepdims=True)
            pf = jnp.sum(comp * prow, axis=1, keepdims=True)
            jf = jnp.sum(comp * j_row, axis=1, keepdims=True)
            pf_ref[b * CAP:(b + 1) * CAP, :] = pf + fil - 1.0
            if_ref[b * CAP:(b + 1) * CAP, :] = jf + float(b * RB) * fil

        p_col = pf_ref[...]
        i_col = if_ref[...]
        u_col = lax.bitcast_convert_type(p_col, jnp.int32)
        i_int = i_col.astype(jnp.int32)

        eye = (lax.broadcasted_iota(jnp.int32, (CH, CH), 0)
               == lax.broadcasted_iota(jnp.int32, (CH, CH), 1)
               ).astype(jnp.float32)
        p_rows, i_rows = [], []
        for t in range(M // CH):
            uc = u_col[t * CH:(t + 1) * CH, :]
            ic = i_int[t * CH:(t + 1) * CH, :]
            ub = [((uc >> s) & 255).astype(jnp.float32) for s in (0, 8, 16, 24)]
            ib = [(ic & 255).astype(jnp.float32),
                  (ic >> 8).astype(jnp.float32)]
            ubr = _transpose_planes(ub, eye)
            ibr = _transpose_planes(ib, eye)
            ur = (ubr[0].astype(jnp.int32)
                  | (ubr[1].astype(jnp.int32) << 8)
                  | (ubr[2].astype(jnp.int32) << 16)
                  | (ubr[3].astype(jnp.int32) << 24))
            p_rows.append(lax.bitcast_convert_type(ur, jnp.float32))
            i_rows.append(ibr[0] + ibr[1] * 256.0)
        p_row = jnp.concatenate(p_rows, axis=1)
        i_row = jnp.concatenate(i_rows, axis=1)

        r_row = lax.broadcasted_iota(jnp.int32, (1, K), 1).astype(jnp.float32)
        acc_hi = jnp.zeros((1, K), jnp.float32)
        acc_lo = jnp.zeros((1, K), jnp.float32)
        for t in range(M // CH):
            pd = p_col[t * CH:(t + 1) * CH, :]
            idd = i_col[t * CH:(t + 1) * CH, :]
            ic = i_int[t * CH:(t + 1) * CH, :]
            cmp = (p_row > pd) | ((p_row == pd) & (i_row < idd))
            rank = jnp.sum(cmp.astype(jnp.float32), axis=1, keepdims=True)
            onehot = (rank == r_row).astype(jnp.float32)
            hi = (ic >> 8).astype(jnp.float32)
            lo = (ic & 255).astype(jnp.float32)
            acc_hi = acc_hi + lax.dot_general(
                hi, onehot, (((0,), (0,)), ((), ())),
                preferred_element_type=jnp.float32)
            acc_lo = acc_lo + lax.dot_general(
                lo, onehot, (((0,), (0,)), ((), ())),
                preferred_element_type=jnp.float32)
        idx_ref[...] = (acc_hi * 256.0 + acc_lo).astype(jnp.int32)


def _gather_kernel(idx_ref, x_ref, o_ref, sem):
    def start(j):
        pltpu.make_async_copy(x_ref.at[pl.ds(idx_ref[j], 1)],
                              o_ref.at[pl.ds(j, 1)],
                              sem.at[j % DWIN]).start()

    for j in range(DWIN):
        start(j)

    def body(i, carry):
        pltpu.make_async_copy(x_ref.at[pl.ds(idx_ref[i], 1)],
                              o_ref.at[pl.ds(i, 1)],
                              sem.at[i % DWIN]).wait()

        @pl.when(i + DWIN < K)
        def _():
            start(i + DWIN)
        return carry
    lax.fori_loop(0, K, body, jnp.int32(0))


_SC_NC, _SC_NS = 2, 16
_SC_NW = _SC_NC * _SC_NS
_SC_BW = K // _SC_NW


def _sc_gather_body(idx_hbm, x_hbm, out_hbm, idx_v, rows_v, sem):
    wid = lax.axis_index("s") * _SC_NC + lax.axis_index("c")
    base = wid * _SC_BW
    pltpu.sync_copy(idx_hbm.at[pl.ds(base, _SC_BW)], idx_v)
    pltpu.async_copy(x_hbm.at[idx_v], rows_v, sem).wait()
    pltpu.sync_copy(rows_v, out_hbm.at[pl.ds(base, _SC_BW)])


def _sc_gather(top_idx, x):
    import functools
    from jax.experimental.pallas import tpu_sc as plsc
    mesh = plsc.VectorSubcoreMesh(core_axis_name="c", subcore_axis_name="s")
    return pl.kernel(
        _sc_gather_body,
        out_type=jax.ShapeDtypeStruct((K, D), jnp.float32),
        mesh=mesh,
        scratch_types=[
            pltpu.VMEM((_SC_BW,), jnp.int32),
            pltpu.VMEM((_SC_BW, D), jnp.float32),
            pltpu.SemaphoreType.DMA,
        ],
    )(top_idx, x)


@jax.jit
def kernel(x, W, b):
    top_idx = pl.pallas_call(
        _score_select_kernel,
        grid=(NB,),
        in_specs=[
            pl.BlockSpec((RB, D), lambda g: (g, 0)),
            pl.BlockSpec((D, 2), lambda g: (0, 0)),
            pl.BlockSpec((2, 1), lambda g: (0, 0)),
        ],
        out_specs=pl.BlockSpec((1, K), lambda g: (0, 0)),
        out_shape=jax.ShapeDtypeStruct((1, K), jnp.int32),
        scratch_shapes=[
            pltpu.VMEM((NB, 1, RB), jnp.float32),
            pltpu.VMEM((M, 1), jnp.float32),
            pltpu.VMEM((M, 1), jnp.float32),
        ],
    )(x, W.T, b.reshape(2, 1))

    return _sc_gather(top_idx.reshape(K), x)

# --- scband reference (transcript-rebuilt; emitter-appended) ---
"""Pipeline reference for scband-inst-selector-60971355734074 (READ-ONLY COPY).

The authoritative reference and input builder live on the scoring server;
editing this copy changes nothing except your own understanding.
"""

import jax, jax.numpy as jnp
import numpy as np

INST_NUM = 512

def setup_inputs(seed: int = 0) -> dict:
    key = jax.random.key(seed)
    k1, k2 = jax.random.split(key, 2)
    x = jax.random.normal(k1, (32768, 2048), dtype=jnp.float32)
    # learned params of nn.Linear(input_dim=2048, 2)
    W = jax.random.normal(k2, (2, 2048), dtype=jnp.float32) * 0.02
    b = jnp.zeros((2,), dtype=jnp.float32)
    return {"x": x, "W": W, "b": b}

def reference(x, W, b):
    # inst_num (512) < len(x) (32768), so selection branch is taken; random=False
    inst_logit = x @ W.T + b                      # [N, 2]
    probs = jax.nn.softmax(inst_logit, axis=1)    # [N, 2]
    _, top_idx = jax.lax.top_k(probs[:, 1], INST_NUM)  # top-k over positive-class prob
    out = jnp.take(x, top_idx, axis=0)            # index_select along dim 0
    return out

if __name__ == "__main__":
    import jax
    _d = setup_inputs()
    print(jax.jit(kernel)(*tuple(_d.values())))

</pallas_src>

<mosaic_0001>
#map = affine_map<(d0, d1) -> (0)>
#map1 = affine_map<(d0, d1) -> (0, 0)>
module attributes {stable_mosaic.version = 14 : i64} {
  func.func @_sc_gather_body(%arg0: i32, %arg1: i32, %arg2: memref<512xi32, #tpu.memory_space<hbm>>, %arg3: memref<32768x2048xf32, #tpu.memory_space<hbm>>, %arg4: memref<512x2048xf32, #tpu.memory_space<hbm>>, %arg5: memref<16xi32, #tpu.memory_space<vmem>>, %arg6: memref<16x2048xf32, #tpu.memory_space<vmem>>, %arg7: memref<!tpu.dma_semaphore, #tpu.memory_space<semaphore_mem>>) attributes {dimension_semantics = [#tpu.dimension_semantics<core_parallel>, #tpu.dimension_semantics<subcore_parallel>], iteration_bounds = array<i64: 2, 16>, scalar_prefetch = 0 : i64, scratch_operands = 3 : i64, tpu.core_type = #tpu.core_type<sc_vector_subcore>, window_params = [{transform_indices = #map}, {transform_indices = #map1}, {transform_indices = #map1}]} {
    %mul3A = arith.constant 2 : i32
    %mul3A_0 = arith.muli %arg1, %mul3A : i32
    %add3A = arith.addi %mul3A_0, %arg0 : i32
    %mul3A_1 = arith.constant 16 : i32
    %mul3A_2 = arith.muli %add3A, %mul3A_1 : i32
    "tpu.region"() ({
      %run_scoped3A = tpu.sem_alloc : memref<!tpu.dma_semaphore, #tpu.memory_space<semaphore_mem>>
      %dma_start3A_7 = tpu.memref_slice %arg2[%mul3A_2] : memref<512xi32, #tpu.memory_space<hbm>> -> memref<16xi32, #tpu.memory_space<hbm>>
      %dma_start3A_8 = tpu.memref_slice %arg2[%mul3A_2] : memref<512xi32, #tpu.memory_space<hbm>> -> memref<16xi32, #tpu.memory_space<hbm>>
      tpu.enqueue_dma source(%dma_start3A_8 : memref<16xi32, #tpu.memory_space<hbm>>) target(%arg5 : memref<16xi32, #tpu.memory_space<vmem>>) target_semaphore(%run_scoped3A : memref<!tpu.dma_semaphore, #tpu.memory_space<semaphore_mem>>)
      %dma_wait3A_9 = tpu.memref_slice %arg2[%mul3A_2] : memref<512xi32, #tpu.memory_space<hbm>> -> memref<16xi32, #tpu.memory_space<hbm>>
      %dma_wait3A_10 = tpu.memref_slice %arg2[%mul3A_2] : memref<512xi32, #tpu.memory_space<hbm>> -> memref<16xi32, #tpu.memory_space<hbm>>
      tpu.wait_dma2 semaphore(%run_scoped3A : memref<!tpu.dma_semaphore, #tpu.memory_space<semaphore_mem>>) src(%dma_wait3A_10 : memref<16xi32, #tpu.memory_space<hbm>>) dst(%arg5 : memref<16xi32, #tpu.memory_space<vmem>>)
      tpu.yield
    }) : () -> ()
    %dma_start3A = arith.constant 0 : i32
    %dma_start3A_3 = arith.constant 0 : i32
    %dma_start3A_4 = tpu.memref_slice %arg3[%dma_start3A, %dma_start3A_3] : memref<32768x2048xf32, #tpu.memory_space<hbm>> -> memref<32768x2048xf32, #tpu.memory_space<hbm>>
    tpu.enqueue_indirect_dma source(%dma_start3A_4 : memref<32768x2048xf32, #tpu.memory_space<hbm>>) target(%arg6 : memref<16x2048xf32, #tpu.memory_space<vmem>>) offsets(%arg5 : memref<16xi32, #tpu.memory_space<vmem>>) semaphore(%arg7 : memref<!tpu.dma_semaphore, #tpu.memory_space<semaphore_mem>>)
    %dma_wait3A = arith.constant 0 : i32
    %dma_wait3A_5 = arith.constant 0 : i32
    %dma_wait3A_6 = tpu.memref_slice %arg3[%dma_wait3A, %dma_wait3A_5] : memref<32768x2048xf32, #tpu.memory_space<hbm>> -> memref<32768x2048xf32, #tpu.memory_space<hbm>>
    tpu.wait_indirect_dma semaphore(%arg7 : memref<!tpu.dma_semaphore, #tpu.memory_space<semaphore_mem>>) src(%dma_wait3A_6 : memref<32768x2048xf32, #tpu.memory_space<hbm>>) dst(%arg6 : memref<16x2048xf32, #tpu.memory_space<vmem>>)
    "tpu.region"() ({
      %run_scoped3A = tpu.sem_alloc : memref<!tpu.dma_semaphore, #tpu.memory_space<semaphore_mem>>
      %dma_start3A_7 = arith.constant 0 : i32
      %dma_start3A_8 = tpu.memref_slice %arg4[%mul3A_2, %dma_start3A_7] : memref<512x2048xf32, #tpu.memory_space<hbm>> -> memref<16x2048xf32, #tpu.memory_space<hbm>>
      %dma_start3A_9 = arith.constant 0 : i32
      %dma_start3A_10 = tpu.memref_slice %arg4[%mul3A_2, %dma_start3A_9] : memref<512x2048xf32, #tpu.memory_space<hbm>> -> memref<16x2048xf32, #tpu.memory_space<hbm>>
      tpu.enqueue_dma source(%arg6 : memref<16x2048xf32, #tpu.memory_space<vmem>>) target(%dma_start3A_10 : memref<16x2048xf32, #tpu.memory_space<hbm>>) target_semaphore(%run_scoped3A : memref<!tpu.dma_semaphore, #tpu.memory_space<semaphore_mem>>)
      %dma_wait3A_11 = arith.constant 0 : i32
      %dma_wait3A_12 = tpu.memref_slice %arg4[%mul3A_2, %dma_wait3A_11] : memref<512x2048xf32, #tpu.memory_space<hbm>> -> memref<16x2048xf32, #tpu.memory_space<hbm>>
      %dma_wait3A_13 = arith.constant 0 : i32
      %dma_wait3A_14 = tpu.memref_slice %arg4[%mul3A_2, %dma_wait3A_13] : memref<512x2048xf32, #tpu.memory_space<hbm>> -> memref<16x2048xf32, #tpu.memory_space<hbm>>
      tpu.wait_dma2 semaphore(%run_scoped3A : memref<!tpu.dma_semaphore, #tpu.memory_space<semaphore_mem>>) src(%arg6 : memref<16x2048xf32, #tpu.memory_space<vmem>>) dst(%dma_wait3A_14 : memref<16x2048xf32, #tpu.memory_space<hbm>>)
      tpu.yield
    }) : () -> ()
    return
  }
}

module attributes {stable_mosaic.version = 14 : i64} {
  func.func @_score_select_kernel(%arg0: i32, %arg1: memref<1024x2048xf32, #tpu.memory_space<vmem>>, %arg2: memref<2048x2xf32, #tpu.memory_space<vmem>>, %arg3: memref<2x1xf32, #tpu.memory_space<vmem>>, %arg4: memref<1x512xi32, #tpu.memory_space<vmem>>, %arg5: memref<32x1x1024xf32, #tpu.memory_space<vmem>>, %arg6: memref<2048x1xf32, #tpu.memory_space<vmem>>, %arg7: memref<2048x1xf32, #tpu.memory_space<vmem>>) attributes {dimension_semantics = [#tpu.dimension_semantics<arbitrary>], iteration_bounds = array<i64: 32>, scalar_prefetch = 0 : i64, scratch_operands = 3 : i64, tpu.core_type = #tpu.core_type<tc>, window_params = [{transform_indices = @transform_0, window_bounds = array<i64: 1024, 2048>}, {pipeline_mode = #tpu.pipeline_mode<synchronous>, transform_indices = @transform_1, window_bounds = array<i64: 2048, 2>}, {pipeline_mode = #tpu.pipeline_mode<synchronous>, transform_indices = @transform_2, window_bounds = array<i64: 2, 1>}, {pipeline_mode = #tpu.pipeline_mode<synchronous>, transform_indices = @transform_3, window_bounds = array<i64: 1, 512>}]} {
    %get3A = arith.constant 0 : index
    %get3A_0 = arith.constant 0 : index
    %get3A_1 = vector.load %arg2[%get3A, %get3A_0] : memref<2048x2xf32, #tpu.memory_space<vmem>>, vector<2048x2xf32>
    %get3A_2 = arith.constant 0 : index
    %get3A_3 = arith.constant 0 : index
    %get3A_4 = vector.load %arg1[%get3A_2, %get3A_3] : memref<1024x2048xf32, #tpu.memory_space<vmem>>, vector<1024x2048xf32>
    %dot_general3A = arith.constant dense<0.000000e+00> : vector<2x1024xf32>
    %dot_general3A_5 = tpu.matmul %get3A_1, %get3A_4, %dot_general3A {dimension_numbers = #tpu.dot_dimension_numbers<[0], [1], [1], [0], [0, 1, 1, 0], [], []>, transpose_lhs_hint = false} : vector<2048x2xf32>, vector<1024x2048xf32>, vector<2x1024xf32> -> vector<2x1024xf32>
    %get3A_6 = arith.constant 0 : index
    %get3A_7 = arith.constant 0 : index
    %get3A_8 = vector.load %arg3[%get3A_6, %get3A_7] : memref<2x1xf32, #tpu.memory_space<vmem>>, vector<2x1xf32>
    %add3A = vector.broadcast %get3A_8 : vector<2x1xf32> to vector<2x1024xf32>
    %add3A_9 = arith.addf %dot_general3A_5, %add3A : vector<2x1024xf32>
    %reduce_max3A = arith.constant dense<0xFF800000> : vector<1024xf32>
    %reduce_max3A_10 = vector.multi_reduction <maximumf>, %add3A_9, %reduce_max3A [0] : vector<2x1024xf32> to vector<1024xf32>
    %broadcast_in_dim3A = vector.shape_cast %reduce_max3A_10 : vector<1024xf32> to vector<1x1024xf32>
    %sub3A = vector.broadcast %broadcast_in_dim3A : vector<1x1024xf32> to vector<2x1024xf32>
    %sub3A_11 = arith.subf %add3A_9, %sub3A : vector<2x1024xf32>
    %exp3A = math.exp %sub3A_11 : vector<2x1024xf32>
    %slice3A = vector.extract_strided_slice %exp3A {offsets = [1, 0], sizes = [1, 1024], strides = [1, 1]} : vector<2x1024xf32> to vector<1x1024xf32>
    %slice3A_12 = vector.extract_strided_slice %exp3A {offsets = [0, 0], sizes = [1, 1024], strides = [1, 1]} : vector<2x1024xf32> to vector<1x1024xf32>
    %slice3A_13 = vector.extract_strided_slice %exp3A {offsets = [1, 0], sizes = [1, 1024], strides = [1, 1]} : vector<2x1024xf32> to vector<1x1024xf32>
    %add3A_14 = arith.addf %slice3A_12, %slice3A_13 : vector<1x1024xf32>
    %div3A = arith.divf %slice3A, %add3A_14 : vector<1x1024xf32>
    %swap3A = arith.index_cast %arg0 : i32 to index
    %swap3A_15 = arith.constant 0 : index
    %swap3A_16 = arith.constant 0 : index
    %swap3A_17 = vector.load %arg5[%swap3A, %swap3A_15, %swap3A_16] : memref<32x1x1024xf32, #tpu.memory_space<vmem>>, vector<1x1x1024xf32>
    %swap3A_18 = vector.shape_cast %swap3A_17 : vector<1x1x1024xf32> to vector<1x1024xf32>
    %swap3A_19 = vector.shape_cast %div3A : vector<1x1024xf32> to vector<1x1x1024xf32>
    tpu.vector_store %arg5[%swap3A, %swap3A_15, %swap3A_16], %swap3A_19 {strides = array<i32>} : memref<32x1x1024xf32, #tpu.memory_space<vmem>>, vector<1x1x1024xf32>,
    %eq3A = arith.constant 31 : i32
    %eq3A_20 = arith.cmpi eq, %arg0, %eq3A : i32
    %convert_element_type3A = arith.extui %eq3A_20 : i1 to i32
    %cond3A = arith.constant 0 : i32
    %cond3A_21 = arith.cmpi ne, %convert_element_type3A, %cond3A : i32
    scf.if %cond3A_21 {
      %get3A_22 = arith.constant 0 : index
      %get3A_23 = arith.constant 0 : index
      %get3A_24 = arith.constant 0 : index
      %get3A_25 = vector.load %arg5[%get3A_22, %get3A_23, %get3A_24] : memref<32x1x1024xf32, #tpu.memory_space<vmem>>, vector<32x1x1024xf32>
      %bitcast_convert_type3A = tpu.bitcast %get3A_25 : vector<32x1x1024xf32> -> vector<32x1x1024xi32>
      %scan3A = arith.constant 0 : i32
      %scan3A_26 = arith.constant 0 : i32
      %scan3A_27 = arith.constant 15 : i32
      %scan3A_28 = arith.addi %scan3A_26, %scan3A_27 : i32
      %scan3A_29 = arith.constant 1 : i32
      %scan3A_30 = scf.for %scan3A_2124 = %scan3A_26 to %scan3A_28 step %scan3A_29 iter_args(%scan3A_2125 = %scan3A) -> (i32)  : i32 {
        %mul3A_2126 = arith.constant 2 : i32
        %mul3A_2127 = arith.muli %mul3A_2126, %scan3A_2124 : i32
        %sub3A_2128 = arith.constant 28 : i32
        %sub3A_2129 = arith.subi %sub3A_2128, %mul3A_2127 : i32
        %shift_left3A_2130 = arith.constant 1 : i32
        %shift_left3A_2131 = arith.shli %shift_left3A_2130, %sub3A_2129 : i32
        %or3A_2132 = arith.ori %scan3A_2125, %shift_left3A_2131 : i32
        %ge3A_2133 = vector.broadcast %or3A_2132 : i32 to vector<32x1x1024xi32>
        %ge3A_2134 = arith.cmpi sge, %bitcast_convert_type3A, %ge3A_2133 : vector<32x1x1024xi32>
        %jit3A_2135 = arith.constant 1 : i32
        %jit3A_2136 = arith.constant 0 : i32
        %broadcast_in_dim3A_2137 = vector.broadcast %jit3A_2135 : i32 to vector<32x1x1024xi32>
        %broadcast_in_dim3A_2138 = vector.broadcast %jit3A_2136 : i32 to vector<32x1x1024xi32>
        %select_n3A_2139 = arith.select %ge3A_2134, %broadcast_in_dim3A_2137, %broadcast_in_dim3A_2138 : vector<32x1x1024xi1>, vector<32x1x1024xi32>
        %reduce_sum3A_2140 = vector.shape_cast %select_n3A_2139 : vector<32x1x1024xi32> to vector<1x32x1x1024xi32>
        %reduce_sum3A_2141 = arith.constant dense<0> : vector<1xi32>
        %reduce_sum3A_2142 = vector.multi_reduction <add>, %reduce_sum3A_2140, %reduce_sum3A_2141 [1, 2, 3] : vector<1x32x1x1024xi32> to vector<1xi32>
        %reduce_sum3A_2143 = vector.shape_cast %reduce_sum3A_2142 : vector<1xi32> to vector<1x1x1x1xi32>
        %reduce_sum3A_2144 = vector.extract %reduce_sum3A_2143[0, 0, 0, 0] : i32 from vector<1x1x1x1xi32>
        %shift_left3A_2145 = arith.constant 2 : i32
        %shift_left3A_2146 = arith.shli %shift_left3A_2145, %sub3A_2129 : i32
        %or3A_2147 = arith.ori %scan3A_2125, %shift_left3A_2146 : i32
        %ge3A_2148 = vector.broadcast %or3A_2147 : i32 to vector<32x1x1024xi32>
        %ge3A_2149 = arith.cmpi sge, %bitcast_convert_type3A, %ge3A_2148 : vector<32x1x1024xi32>
        %jit3A_2150 = arith.constant 1 : i32
        %jit3A_2151 = arith.constant 0 : i32
        %broadcast_in_dim3A_2152 = vector.broadcast %jit3A_2150 : i32 to vector<32x1x1024xi32>
        %broadcast_in_dim3A_2153 = vector.broadcast %jit3A_2151 : i32 to vector<32x1x1024xi32>
        %select_n3A_2154 = arith.select %ge3A_2149, %broadcast_in_dim3A_2152, %broadcast_in_dim3A_2153 : vector<32x1x1024xi1>, vector<32x1x1024xi32>
        %reduce_sum3A_2155 = vector.shape_cast %select_n3A_2154 : vector<32x1x1024xi32> to vector<1x32x1x1024xi32>
        %reduce_sum3A_2156 = arith.constant dense<0> : vector<1xi32>
        %reduce_sum3A_2157 = vector.multi_reduction <add>, %reduce_sum3A_2155, %reduce_sum3A_2156 [1, 2, 3] : vector<1x32x1x1024xi32> to vector<1xi32>
        %reduce_sum3A_2158 = vector.shape_cast %reduce_sum3A_2157 : vector<1xi32> to vector<1x1x1x1xi32>
        %reduce_sum3A_2159 = vector.extract %reduce_sum3A_2158[0, 0, 0, 0] : i32 from vector<1x1x1x1xi32>
        %shift_left3A_2160 = arith.constant 3 : i32
        %shift_left3A_2161 = arith.shli %shift_left3A_2160, %sub3A_2129 : i32
        %or3A_2162 = arith.ori %scan3A_2125, %shift_left3A_2161 : i32
        %ge3A_2163 = vector.broadcast %or3A_2162 : i32 to vector<32x1x1024xi32>
        %ge3A_2164 = arith.cmpi sge, %bitcast_convert_type3A, %ge3A_2163 : vector<32x1x1024xi32>
        %jit3A_2165 = arith.constant 1 : i32
        %jit3A_2166 = arith.constant 0 : i32
        %broadcast_in_dim3A_2167 = vector.broadcast %jit3A_2165 : i32 to vector<32x1x1024xi32>
        %broadcast_in_dim3A_2168 = vector.broadcast %jit3A_2166 : i32 to vector<32x1x1024xi32>
        %select_n3A_2169 = arith.select %ge3A_2164, %broadcast_in_dim3A_2167, %broadcast_in_dim3A_2168 : vector<32x1x1024xi1>, vector<32x1x1024xi32>
        %reduce_sum3A_2170 = vector.shape_cast %select_n3A_2169 : vector<32x1x1024xi32> to vector<1x32x1x1024xi32>
        %reduce_sum3A_2171 = arith.constant dense<0> : vector<1xi32>
        %reduce_sum3A_2172 = vector.multi_reduction <add>, %reduce_sum3A_2170, %reduce_sum3A_2171 [1, 2, 3] : vector<1x32x1x1024xi32> to vector<1xi32>
        %reduce_sum3A_2173 = vector.shape_cast %reduce_sum3A_2172 : vector<1xi32> to vector<1x1x1x1xi32>
        %reduce_sum3A_2174 = vector.extract %reduce_sum3A_2173[0, 0, 0, 0] : i32 from vector<1x1x1x1xi32>
        %ge3A_2175 = arith.constant 512 : i32
        %ge3A_2176 = arith.cmpi sge, %reduce_sum3A_2144, %ge3A_2175 : i32
        %jit3A_2177 = arith.constant 1 : i32
        %jit3A_2178 = arith.constant 0 : i32
        %select_n3A_2179 = arith.select %ge3A_2176, %jit3A_2177, %jit3A_2178 : i32
        %ge3A_2180 = arith.constant 512 : i32
        %ge3A_2181 = arith.cmpi sge, %reduce_sum3A_2159, %ge3A_2180 : i32
        %jit3A_2182 = arith.constant 1 : i32
        %jit3A_2183 = arith.constant 0 : i32
        %select_n3A_2184 = arith.select %ge3A_2181, %jit3A_2182, %jit3A_2183 : i32
        %add3A_2185 = arith.addi %select_n3A_2179, %select_n3A_2184 : i32
        %ge3A_2186 = arith.constant 512 : i32
        %ge3A_2187 = arith.cmpi sge, %reduce_sum3A_2174, %ge3A_2186 : i32
        %jit3A_2188 = arith.constant 1 : i32
        %jit3A_2189 = arith.constant 0 : i32
        %select_n3A_2190 = arith.select %ge3A_2187, %jit3A_2188, %jit3A_2189 : i32
        %add3A_2191 = arith.addi %add3A_2185, %select_n3A_2190 : i32
        %shift_left3A_2192 = arith.shli %add3A_2191, %sub3A_2129 : i32
        %or3A_2193 = arith.ori %scan3A_2125, %shift_left3A_2192 : i32
        scf.yield %or3A_2193 : i32
      }
      %scan3A_31 = arith.constant 15 : i32
      %iota3A = tpu.iota {dimensions = array<i32: 0>} : vector<1024x1024xi32>
      %iota3A_32 = tpu.iota {dimensions = array<i32: 1>} : vector<1024x1024xi32>
      %le3A = arith.cmpi sle, %iota3A, %iota3A_32 : vector<1024x1024xi32>
      %convert_element_type3A_33 = arith.extui %le3A : vector<1024x1024xi1> to vector<1024x1024xi32>
      %convert_element_type3A_34 = arith.sitofp %convert_element_type3A_33 : vector<1024x1024xi32> to vector<1024x1024xf32>
      %iota3A_35 = tpu.iota {dimensions = array<i32: 0>} : vector<64x1xi32>
      %convert_element_type3A_36 = arith.sitofp %iota3A_35 : vector<64x1xi32> to vector<64x1xf32>
      %iota3A_37 = tpu.iota {dimensions = array<i32: 1>} : vector<1x1024xi32>
      %convert_element_type3A_38 = arith.sitofp %iota3A_37 : vector<1x1024xi32> to vector<1x1024xf32>
      %get3A_39 = arith.constant 0 : index
      %get3A_40 = arith.constant 0 : index
      %get3A_41 = arith.constant 0 : index
      %get3A_42 = vector.load %arg5[%get3A_39, %get3A_40, %get3A_41] : memref<32x1x1024xf32, #tpu.memory_space<vmem>>, vector<1x1x1024xf32>
      %get3A_43 = vector.shape_cast %get3A_42 : vector<1x1x1024xf32> to vector<1x1024xf32>
      %bitcast_convert_type3A_44 = tpu.bitcast %get3A_43 : vector<1x1024xf32> -> vector<1x1024xi32>
      %ge3A = vector.broadcast %scan3A_30 : i32 to vector<1x1024xi32>
      %ge3A_45 = arith.cmpi sge, %bitcast_convert_type3A_44, %ge3A : vector<1x1024xi32>
      %convert_element_type3A_46 = arith.extui %ge3A_45 : vector<1x1024xi1> to vector<1x1024xi32>
      %convert_element_type3A_47 = arith.sitofp %convert_element_type3A_46 : vector<1x1024xi32> to vector<1x1024xf32>
      %dot_general3A_48 = arith.constant dense<0.000000e+00> : vector<1x1024xf32>
      %dot_general3A_49 = tpu.matmul %convert_element_type3A_47, %convert_element_type3A_34, %dot_general3A_48 {dimension_numbers = #tpu.dot_dimension_numbers<[1], [0], [0], [1], [0, 0, 1, 1], [], []>, transpose_lhs_hint = false} : vector<1x1024xf32>, vector<1024x1024xf32>, vector<1x1024xf32> -> vector<1x1024xf32>
      %gt3A = arith.constant 0.000000e+00 : f32
      %gt3A_50 = vector.broadcast %gt3A : f32 to vector<1x1024xf32>
      %gt3A_51 = arith.cmpf ogt, %convert_element_type3A_47, %gt3A_50 : vector<1x1024xf32>
      %sub3A_52 = arith.subf %dot_general3A_49, %convert_element_type3A_47 : vector<1x1024xf32>
      %jit3A = arith.constant -1.000000e+00 : f32
      %broadcast_in_dim3A_53 = vector.broadcast %jit3A : f32 to vector<1x1024xf32>
      %select_n3A = arith.select %gt3A_51, %sub3A_52, %broadcast_in_dim3A_53 : vector<1x1024xi1>, vector<1x1024xf32>
      %eq3A_54 = vector.broadcast %select_n3A : vector<1x1024xf32> to vector<64x1024xf32>
      %eq3A_55 = vector.broadcast %convert_element_type3A_36 : vector<64x1xf32> to vector<64x1024xf32>
      %eq3A_56 = arith.cmpf oeq, %eq3A_54, %eq3A_55 : vector<64x1024xf32>
      %convert_element_type3A_57 = arith.extui %eq3A_56 : vector<64x1024xi1> to vector<64x1024xi32>
      %convert_element_type3A_58 = arith.sitofp %convert_element_type3A_57 : vector<64x1024xi32> to vector<64x1024xf32>
      %reduce_sum3A = arith.constant dense<0.000000e+00> : vector<64xf32>
      %reduce_sum3A_59 = vector.multi_reduction <add>, %convert_element_type3A_58, %reduce_sum3A [1] : vector<64x1024xf32> to vector<64xf32>
      %broadcast_in_dim3A_60 = vector.shape_cast %reduce_sum3A_59 : vector<64xf32> to vector<64x1xf32>
      %mul3A = vector.broadcast %get3A_43 : vector<1x1024xf32> to vector<64x1024xf32>
      %mul3A_61 = arith.mulf %convert_element_type3A_58, %mul3A : vector<64x1024xf32>
      %reduce_sum3A_62 = arith.constant dense<0.000000e+00> : vector<64xf32>
      %reduce_sum3A_63 = vector.multi_reduction <add>, %mul3A_61, %reduce_sum3A_62 [1] : vector<64x1024xf32> to vector<64xf32>
      %broadcast_in_dim3A_64 = vector.shape_cast %reduce_sum3A_63 : vector<64xf32> to vector<64x1xf32>
      %mul3A_65 = vector.broadcast %convert_element_type3A_38 : vector<1x1024xf32> to vector<64x1024xf32>
      %mul3A_66 = arith.mulf %convert_element_type3A_58, %mul3A_65 : vector<64x1024xf32>
      %reduce_sum3A_67 = arith.constant dense<0.000000e+00> : vector<64xf32>
      %reduce_sum3A_68 = vector.multi_reduction <add>, %mul3A_66, %reduce_sum3A_67 [1] : vector<64x1024xf32> to vector<64xf32>
      %broadcast_in_dim3A_69 = vector.shape_cast %reduce_sum3A_68 : vector<64xf32> to vector<64x1xf32>
      %add3A_70 = arith.addf %broadcast_in_dim3A_64, %broadcast_in_dim3A_60 : vector<64x1xf32>
      %sub3A_71 = arith.constant 1.000000e+00 : f32
      %sub3A_72 = vector.broadcast %sub3A_71 : f32 to vector<64x1xf32>
      %sub3A_73 = arith.subf %add3A_70, %sub3A_72 : vector<64x1xf32>
      %swap3A_74 = arith.constant 0 : index
      %swap3A_75 = arith.constant 0 : index
      %swap3A_76 = vector.load %arg6[%swap3A_74, %swap3A_75] : memref<2048x1xf32, #tpu.memory_space<vmem>>, vector<64x1xf32>
      tpu.vector_store %arg6[%swap3A_74, %swap3A_75], %sub3A_73 {strides = array<i32>} : memref<2048x1xf32, #tpu.memory_space<vmem>>, vector<64x1xf32>,
      %mul3A_77 = arith.constant 0.000000e+00 : f32
      %mul3A_78 = vector.broadcast %mul3A_77 : f32 to vector<64x1xf32>
      %mul3A_79 = arith.mulf %mul3A_78, %broadcast_in_dim3A_60 : vector<64x1xf32>
      %add3A_80 = arith.addf %broadcast_in_dim3A_69, %mul3A_79 : vector<64x1xf32>
      %swap3A_81 = arith.constant 0 : index
      %swap3A_82 = arith.constant 0 : index
      %swap3A_83 = vector.load %arg7[%swap3A_81, %swap3A_82] : memref<2048x1xf32, #tpu.memory_space<vmem>>, vector<64x1xf32>
      tpu.vector_store %arg7[%swap3A_81, %swap3A_82], %add3A_80 {strides = array<i32>} : memref<2048x1xf32, #tpu.memory_space<vmem>>, vector<64x1xf32>,
      %get3A_84 = arith.constant 1 : index
      %get3A_85 = arith.constant 0 : index
      %get3A_86 = arith.constant 0 : index
      %get3A_87 = vector.load %arg5[%get3A_84, %get3A_85, %get3A_86] : memref<32x1x1024xf32, #tpu.memory_space<vmem>>, vector<1x1x1024xf32>
      %get3A_88 = vector.shape_cast %get3A_87 : vector<1x1x1024xf32> to vector<1x1024xf32>
      %bitcast_convert_type3A_89 = tpu.bitcast %get3A_88 : vector<1x1024xf32> -> vector<1x1024xi32>
      %ge3A_90 = vector.broadcast %scan3A_30 : i32 to vector<1x1024xi32>
      %ge3A_91 = arith.cmpi sge, %bitcast_convert_type3A_89, %ge3A_90 : vector<1x1024xi32>
      %convert_element_type3A_92 = arith.extui %ge3A_91 : vector<1x1024xi1> to vector<1x1024xi32>
      %convert_element_type3A_93 = arith.sitofp %convert_element_type3A_92 : vector<1x1024xi32> to vector<1x1024xf32>
      %dot_general3A_94 = arith.constant dense<0.000000e+00> : vector<1x1024xf32>
      %dot_general3A_95 = tpu.matmul %convert_element_type3A_93, %convert_element_type3A_34, %dot_general3A_94 {dimension_numbers = #tpu.dot_dimension_numbers<[1], [0], [0], [1], [0, 0, 1, 1], [], []>, transpose_lhs_hint = false} : vector<1x1024xf32>, vector<1024x1024xf32>, vector<1x1024xf32> -> vector<1x1024xf32>
      %gt3A_96 = arith.constant 0.000000e+00 : f32
      %gt3A_97 = vector.broadcast %gt3A_96 : f32 to vector<1x1024xf32>
      %gt3A_98 = arith.cmpf ogt, %convert_element_type3A_93, %gt3A_97 : vector<1x1024xf32>
      %sub3A_99 = arith.subf %dot_general3A_95, %convert_element_type3A_93 : vector<1x1024xf32>
      %jit3A_100 = arith.constant -1.000000e+00 : f32
      %broadcast_in_dim3A_101 = vector.broadcast %jit3A_100 : f32 to vector<1x1024xf32>
      %select_n3A_102 = arith.select %gt3A_98, %sub3A_99, %broadcast_in_dim3A_101 : vector<1x1024xi1>, vector<1x1024xf32>
      %eq3A_103 = vector.broadcast %select_n3A_102 : vector<1x1024xf32> to vector<64x1024xf32>
      %eq3A_104 = vector.broadcast %convert_element_type3A_36 : vector<64x1xf32> to vector<64x1024xf32>
      %eq3A_105 = arith.cmpf oeq, %eq3A_103, %eq3A_104 : vector<64x1024xf32>
      %convert_element_type3A_106 = arith.extui %eq3A_105 : vector<64x1024xi1> to vector<64x1024xi32>
      %convert_element_type3A_107 = arith.sitofp %convert_element_type3A_106 : vector<64x1024xi32> to vector<64x1024xf32>
      %reduce_sum3A_108 = arith.constant dense<0.000000e+00> : vector<64xf32>
      %reduce_sum3A_109 = vector.multi_reduction <add>, %convert_element_type3A_107, %reduce_sum3A_108 [1] : vector<64x1024xf32> to vector<64xf32>
      %broadcast_in_dim3A_110 = vector.shape_cast %reduce_sum3A_109 : vector<64xf32> to vector<64x1xf32>
      %mul3A_111 = vector.broadcast %get3A_88 : vector<1x1024xf32> to vector<64x1024xf32>
      %mul3A_112 = arith.mulf %convert_element_type3A_107, %mul3A_111 : vector<64x1024xf32>
      %reduce_sum3A_113 = arith.constant dense<0.000000e+00> : vector<64xf32>
      %reduce_sum3A_114 = vector.multi_reduction <add>, %mul3A_112, %reduce_sum3A_113 [1] : vector<64x1024xf32> to vector<64xf32>
      %broadcast_in_dim3A_115 = vector.shape_cast %reduce_sum3A_114 : vector<64xf32> to vector<64x1xf32>
      %mul3A_116 = vector.broadcast %convert_element_type3A_38 : vector<1x1024xf32> to vector<64x1024xf32>
      %mul3A_117 = arith.mulf %convert_element_type3A_107, %mul3A_116 : vector<64x1024xf32>
      %reduce_sum3A_118 = arith.constant dense<0.000000e+00> : vector<64xf32>
      %reduce_sum3A_119 = vector.multi_reduction <add>, %mul3A_117, %reduce_sum3A_118 [1] : vector<64x1024xf32> to vector<64xf32>
      %broadcast_in_dim3A_120 = vector.shape_cast %reduce_sum3A_119 : vector<64xf32> to vector<64x1xf32>
      %add3A_121 = arith.addf %broadcast_in_dim3A_115, %broadcast_in_dim3A_110 : vector<64x1xf32>
      %sub3A_122 = arith.constant 1.000000e+00 : f32
      %sub3A_123 = vector.broadcast %sub3A_122 : f32 to vector<64x1xf32>
      %sub3A_124 = arith.subf %add3A_121, %sub3A_123 : vector<64x1xf32>
      %swap3A_125 = arith.constant 64 : index
      %swap3A_126 = arith.constant 0 : index
      %swap3A_127 = vector.load %arg6[%swap3A_125, %swap3A_126] : memref<2048x1xf32, #tpu.memory_space<vmem>>, vector<64x1xf32>
      tpu.vector_store %arg6[%swap3A_125, %swap3A_126], %sub3A_124 {strides = array<i32>} : memref<2048x1xf32, #tpu.memory_space<vmem>>, vector<64x1xf32>,
      %mul3A_128 = arith.constant 1.024000e+03 : f32
      %mul3A_129 = vector.broadcast %mul3A_128 : f32 to vector<64x1xf32>
      %mul3A_130 = arith.mulf %mul3A_129, %broadcast_in_dim3A_110 : vector<64x1xf32>
      %add3A_131 = arith.addf %broadcast_in_dim3A_120, %mul3A_130 : vector<64x1xf32>
      %swap3A_132 = arith.constant 64 : index
      %swap3A_133 = arith.constant 0 : index
      %swap3A_134 = vector.load %arg7[%swap3A_132, %swap3A_133] : memref<2048x1xf32, #tpu.memory_space<vmem>>, vector<64x1xf32>
      tpu.vector_store %arg7[%swap3A_132, %swap3A_133], %add3A_131 {strides = array<i32>} : memref<2048x1xf32, #tpu.memory_space<vmem>>, vector<64x1xf32>,
      %get3A_135 = arith.constant 2 : index
      %get3A_136 = arith.constant 0 : index
      %get3A_137 = arith.constant 0 : index
      %get3A_138 = vector.load %arg5[%get3A_135, %get3A_136, %get3A_137] : memref<32x1x1024xf32, #tpu.memory_space<vmem>>, vector<1x1x1024xf32>
      %get3A_139 = vector.shape_cast %get3A_138 : vector<1x1x1024xf32> to vector<1x1024xf32>
      %bitcast_convert_type3A_140 = tpu.bitcast %get3A_139 : vector<1x1024xf32> -> vector<1x1024xi32>
      %ge3A_141 = vector.broadcast %scan3A_30 : i32 to vector<1x1024xi32>
      %ge3A_142 = arith.cmpi sge, %bitcast_convert_type3A_140, %ge3A_141 : vector<1x1024xi32>
      %convert_element_type3A_143 = arith.extui %ge3A_142 : vector<1x1024xi1> to vector<1x1024xi32>
      %convert_element_type3A_144 = arith.sitofp %convert_element_type3A_143 : vector<1x1024xi32> to vector<1x1024xf32>
      %dot_general3A_145 = arith.constant dense<0.000000e+00> : vector<1x1024xf32>
      %dot_general3A_146 = tpu.matmul %convert_element_type3A_144, %convert_element_type3A_34, %dot_general3A_145 {dimension_numbers = #tpu.dot_dimension_numbers<[1], [0], [0], [1], [0, 0, 1, 1], [], []>, transpose_lhs_hint = false} : vector<1x1024xf32>, vector<1024x1024xf32>, vector<1x1024xf32> -> vector<1x1024xf32>
      %gt3A_147 = arith.constant 0.000000e+00 : f32
      %gt3A_148 = vector.broadcast %gt3A_147 : f32 to vector<1x1024xf32>
      %gt3A_149 = arith.cmpf ogt, %convert_element_type3A_144, %gt3A_148 : vector<1x1024xf32>
      %sub3A_150 = arith.subf %dot_general3A_146, %convert_element_type3A_144 : vector<1x1024xf32>
      %jit3A_151 = arith.constant -1.000000e+00 : f32
      %broadcast_in_dim3A_152 = vector.broadcast %jit3A_151 : f32 to vector<1x1024xf32>
      %select_n3A_153 = arith.select %gt3A_149, %sub3A_150, %broadcast_in_dim3A_152 : vector<1x1024xi1>, vector<1x1024xf32>
      %eq3A_154 = vector.broadcast %select_n3A_153 : vector<1x1024xf32> to vector<64x1024xf32>
      %eq3A_155 = vector.broadcast %convert_element_type3A_36 : vector<64x1xf32> to vector<64x1024xf32>
      %eq3A_156 = arith.cmpf oeq, %eq3A_154, %eq3A_155 : vector<64x1024xf32>
      %convert_element_type3A_157 = arith.extui %eq3A_156 : vector<64x1024xi1> to vector<64x1024xi32>
      %convert_element_type3A_158 = arith.sitofp %convert_element_type3A_157 : vector<64x1024xi32> to vector<64x1024xf32>
      %reduce_sum3A_159 = arith.constant dense<0.000000e+00> : vector<64xf32>
      %reduce_sum3A_160 = vector.multi_reduction <add>, %convert_element_type3A_158, %reduce_sum3A_159 [1] : vector<64x1024xf32> to vector<64xf32>
      %broadcast_in_dim3A_161 = vector.shape_cast %reduce_sum3A_160 : vector<64xf32> to vector<64x1xf32>
      %mul3A_162 = vector.broadcast %get3A_139 : vector<1x1024xf32> to vector<64x1024xf32>
      %mul3A_163 = arith.mulf %convert_element_type3A_158, %mul3A_162 : vector<64x1024xf32>
      %reduce_sum3A_164 = arith.constant dense<0.000000e+00> : vector<64xf32>
      %reduce_sum3A_165 = vector.multi_reduction <add>, %mul3A_163, %reduce_sum3A_164 [1] : vector<64x1024xf32> to vector<64xf32>
      %broadcast_in_dim3A_166 = vector.shape_cast %reduce_sum3A_165 : vector<64xf32> to vector<64x1xf32>
      %mul3A_167 = vector.broadcast %convert_element_type3A_38 : vector<1x1024xf32> to vector<64x1024xf32>
      %mul3A_168 = arith.mulf %convert_element_type3A_158, %mul3A_167 : vector<64x1024xf32>
      %reduce_sum3A_169 = arith.constant dense<0.000000e+00> : vector<64xf32>
      %reduce_sum3A_170 = vector.multi_reduction <add>, %mul3A_168, %reduce_sum3A_169 [1] : vector<64x1024xf32> to vector<64xf32>
      %broadcast_in_dim3A_171 = vector.shape_cast %reduce_sum3A_170 : vector<64xf32> to vector<64x1xf32>
      %add3A_172 = arith.addf %broadcast_in_dim3A_166, %broadcast_in_dim3A_161 : vector<64x1xf32>
      %sub3A_173 = arith.constant 1.000000e+00 : f32
      %sub3A_174 = vector.broadcast %sub3A_173 : f32 to vector<64x1xf32>
      %sub3A_175 = arith.subf %add3A_172, %sub3A_174 : vector<64x1xf32>
      %swap3A_176 = arith.constant 128 : index
      %swap3A_177 = arith.constant 0 : index
      %swap3A_178 = vector.load %arg6[%swap3A_176, %swap3A_177] : memref<2048x1xf32, #tpu.memory_space<vmem>>, vector<64x1xf32>
      tpu.vector_store %arg6[%swap3A_176, %swap3A_177], %sub3A_175 {strides = array<i32>} : memref<2048x1xf32, #tpu.memory_space<vmem>>, vector<64x1xf32>,
      %mul3A_179 = arith.constant 2.048000e+03 : f32
      %mul3A_180 = vector.broadcast %mul3A_179 : f32 to vector<64x1xf32>
      %mul3A_181 = arith.mulf %mul3A_180, %broadcast_in_dim3A_161 : vector<64x1xf32>
      %add3A_182 = arith.addf %broadcast_in_dim3A_171, %mul3A_181 : vector<64x1xf32>
      %swap3A_183 = arith.constant 128 : index
      %swap3A_184 = arith.constant 0 : index
      %swap3A_185 = vector.load %arg7[%swap3A_183, %swap3A_184] : memref<2048x1xf32, #tpu.memory_space<vmem>>, vector<64x1xf32>
      tpu.vector_store %arg7[%swap3A_183, %swap3A_184], %add3A_182 {strides = array<i32>} : memref<2048x1xf32, #tpu.memory_space<vmem>>, vector<64x1xf32>,
      %get3A_186 = arith.constant 3 : index
      %get3A_187 = arith.constant 0 : index
      %get3A_188 = arith.constant 0 : index
      %get3A_189 = vector.load %arg5[%get3A_186, %get3A_187, %get3A_188] : memref<32x1x1024xf32, #tpu.memory_space<vmem>>, vector<1x1x1024xf32>
      %get3A_190 = vector.shape_cast %get3A_189 : vector<1x1x1024xf32> to vector<1x1024xf32>
      %bitcast_convert_type3A_191 = tpu.bitcast %get3A_190 : vector<1x1024xf32> -> vector<1x1024xi32>
      %ge3A_192 = vector.broadcast %scan3A_30 : i32 to vector<1x1024xi32>
      %ge3A_193 = arith.cmpi sge, %bitcast_convert_type3A_191, %ge3A_192 : vector<1x1024xi32>
      %convert_element_type3A_194 = arith.extui %ge3A_193 : vector<1x1024xi1> to vector<1x1024xi32>
      %convert_element_type3A_195 = arith.sitofp %convert_element_type3A_194 : vector<1x1024xi32> to vector<1x1024xf32>
      %dot_general3A_196 = arith.constant dense<0.000000e+00> : vector<1x1024xf32>
      %dot_general3A_197 = tpu.matmul %convert_element_type3A_195, %convert_element_type3A_34, %dot_general3A_196 {dimension_numbers = #tpu.dot_dimension_numbers<[1], [0], [0], [1], [0, 0, 1, 1], [], []>, transpose_lhs_hint = false} : vector<1x1024xf32>, vector<1024x1024xf32>, vector<1x1024xf32> -> vector<1x1024xf32>
      %gt3A_198 = arith.constant 0.000000e+00 : f32
      %gt3A_199 = vector.broadcast %gt3A_198 : f32 to vector<1x1024xf32>
      %gt3A_200 = arith.cmpf ogt, %convert_element_type3A_195, %gt3A_199 : vector<1x1024xf32>
      %sub3A_201 = arith.subf %dot_general3A_197, %convert_element_type3A_195 : vector<1x1024xf32>
      %jit3A_202 = arith.constant -1.000000e+00 : f32
      %broadcast_in_dim3A_203 = vector.broadcast %jit3A_202 : f32 to vector<1x1024xf32>
      %select_n3A_204 = arith.select %gt3A_200, %sub3A_201, %broadcast_in_dim3A_203 : vector<1x1024xi1>, vector<1x1024xf32>
      %eq3A_205 = vector.broadcast %select_n3A_204 : vector<1x1024xf32> to vector<64x1024xf32>
      %eq3A_206 = vector.broadcast %convert_element_type3A_36 : vector<64x1xf32> to vector<64x1024xf32>
      %eq3A_207 = arith.cmpf oeq, %eq3A_205, %eq3A_206 : vector<64x1024xf32>
      %convert_element_type3A_208 = arith.extui %eq3A_207 : vector<64x1024xi1> to vector<64x1024xi32>
      %convert_element_type3A_209 = arith.sitofp %convert_element_type3A_208 : vector<64x1024xi32> to vector<64x1024xf32>
      %reduce_sum3A_210 = arith.constant dense<0.000000e+00> : vector<64xf32>
      %reduce_sum3A_211 = vector.multi_reduction <add>, %convert_element_type3A_209, %reduce_sum3A_210 [1] : vector<64x1024xf32> to vector<64xf32>
      %broadcast_in_dim3A_212 = vector.shape_cast %reduce_sum3A_211 : vector<64xf32> to vector<64x1xf32>
      %mul3A_213 = vector.broadcast %get3A_190 : vector<1x1024xf32> to vector<64x1024xf32>
      %mul3A_214 = arith.mulf %convert_element_type3A_209, %mul3A_213 : vector<64x1024xf32>
      %reduce_sum3A_215 = arith.constant dense<0.000000e+00> : vector<64xf32>
      %reduce_sum3A_216 = vector.multi_reduction <add>, %mul3A_214, %reduce_sum3A_215 [1] : vector<64x1024xf32> to vector<64xf32>
      %broadcast_in_dim3A_217 = vector.shape_cast %reduce_sum3A_216 : vector<64xf32> to vector<64x1xf32>
      %mul3A_218 = vector.broadcast %convert_element_type3A_38 : vector<1x1024xf32> to vector<64x1024xf32>
      %mul3A_219 = arith.mulf %convert_element_type3A_209, %mul3A_218 : vector<64x1024xf32>
      %reduce_sum3A_220 = arith.constant dense<0.000000e+00> : vector<64xf32>
      %reduce_sum3A_221 = vector.multi_reduction <add>, %mul3A_219, %reduce_sum3A_220 [1] : vector<64x1024xf32> to vector<64xf32>
      %broadcast_in_dim3A_222 = vector.shape_cast %reduce_sum3A_221 : vector<64xf32> to vector<64x1xf32>
      %add3A_223 = arith.addf %broadcast_in_dim3A_217, %broadcast_in_dim3A_212 : vector<64x1xf32>
      %sub3A_224 = arith.constant 1.000000e+00 : f32
      %sub3A_225 = vector.broadcast %sub3A_224 : f32 to vector<64x1xf32>
      %sub3A_226 = arith.subf %add3A_223, %sub3A_225 : vector<64x1xf32>
      %swap3A_227 = arith.constant 192 : index
      %swap3A_228 = arith.constant 0 : index
      %swap3A_229 = vector.load %arg6[%swap3A_227, %swap3A_228] : memref<2048x1xf32, #tpu.memory_space<vmem>>, vector<64x1xf32>
      tpu.vector_store %arg6[%swap3A_227, %swap3A_228], %sub3A_226 {strides = array<i32>} : memref<2048x1xf32, #tpu.memory_space<vmem>>, vector<64x1xf32>,
      %mul3A_230 = arith.constant 3.072000e+03 : f32
      %mul3A_231 = vector.broadcast %mul3A_230 : f32 to vector<64x1xf32>
      %mul3A_232 = arith.mulf %mul3A_231, %broadcast_in_dim3A_212 : vector<64x1xf32>
      %add3A_233 = arith.addf %broadcast_in_dim3A_222, %mul3A_232 : vector<64x1xf32>
      %swap3A_234 = arith.constant 192 : index
      %swap3A_235 = arith.constant 0 : index
      %swap3A_236 = vector.load %arg7[%swap3A_234, %swap3A_235] : memref<2048x1xf32, #tpu.memory_space<vmem>>, vector<64x1xf32>
      tpu.vector_store %arg7[%swap3A_234, %swap3A_235], %add3A_233 {strides = array<i32>} : memref<2048x1xf32, #tpu.memory_space<vmem>>, vector<64x1xf32>,
      %get3A_237 = arith.constant 4 : index
      %get3A_238 = arith.constant 0 : index
      %get3A_239 = arith.constant 0 : index
      %get3A_240 = vector.load %arg5[%get3A_237, %get3A_238, %get3A_239] : memref<32x1x1024xf32, #tpu.memory_space<vmem>>, vector<1x1x1024xf32>
      %get3A_241 = vector.shape_cast %get3A_240 : vector<1x1x1024xf32> to vector<1x1024xf32>
      %bitcast_convert_type3A_242 = tpu.bitcast %get3A_241 : vector<1x1024xf32> -> vector<1x1024xi32>
      %ge3A_243 = vector.broadcast %scan3A_30 : i32 to vector<1x1024xi32>
      %ge3A_244 = arith.cmpi sge, %bitcast_convert_type3A_242, %ge3A_243 : vector<1x1024xi32>
      %convert_element_type3A_245 = arith.extui %ge3A_244 : vector<1x1024xi1> to vector<1x1024xi32>
      %convert_element_type3A_246 = arith.sitofp %convert_element_type3A_245 : vector<1x1024xi32> to vector<1x1024xf32>
      %dot_general3A_247 = arith.constant dense<0.000000e+00> : vector<1x1024xf32>
      %dot_general3A_248 = tpu.matmul %convert_element_type3A_246, %convert_element_type3A_34, %dot_general3A_247 {dimension_numbers = #tpu.dot_dimension_numbers<[1], [0], [0], [1], [0, 0, 1, 1], [], []>, transpose_lhs_hint = false} : vector<1x1024xf32>, vector<1024x1024xf32>, vector<1x1024xf32> -> vector<1x1024xf32>
      %gt3A_249 = arith.constant 0.000000e+00 : f32
      %gt3A_250 = vector.broadcast %gt3A_249 : f32 to vector<1x1024xf32>
      %gt3A_251 = arith.cmpf ogt, %convert_element_type3A_246, %gt3A_250 : vector<1x1024xf32>
      %sub3A_252 = arith.subf %dot_general3A_248, %convert_element_type3A_246 : vector<1x1024xf32>
      %jit3A_253 = arith.constant -1.000000e+00 : f32
      %broadcast_in_dim3A_254 = vector.broadcast %jit3A_253 : f32 to vector<1x1024xf32>
      %select_n3A_255 = arith.select %gt3A_251, %sub3A_252, %broadcast_in_dim3A_254 : vector<1x1024xi1>, vector<1x1024xf32>
      %eq3A_256 = vector.broadcast %select_n3A_255 : vector<1x1024xf32> to vector<64x1024xf32>
      %eq3A_257 = vector.broadcast %convert_element_type3A_36 : vector<64x1xf32> to vector<64x1024xf32>
      %eq3A_258 = arith.cmpf oeq, %eq3A_256, %eq3A_257 : vector<64x1024xf32>
      %convert_element_type3A_259 = arith.extui %eq3A_258 : vector<64x1024xi1> to vector<64x1024xi32>
      %convert_element_type3A_260 = arith.sitofp %convert_element_type3A_259 : vector<64x1024xi32> to vector<64x1024xf32>
      %reduce_sum3A_261 = arith.constant dense<0.000000e+00> : vector<64xf32>
      %reduce_sum3A_262 = vector.multi_reduction <add>, %convert_element_type3A_260, %reduce_sum3A_261 [1] : vector<64x1024xf32> to vector<64xf32>
      %broadcast_in_dim3A_263 = vector.shape_cast %reduce_sum3A_262 : vector<64xf32> to vector<64x1xf32>
      %mul3A_264 = vector.broadcast %get3A_241 : vector<1x1024xf32> to vector<64x1024xf32>
      %mul3A_265 = arith.mulf %convert_element_type3A_260, %mul3A_264 : vector<64x1024xf32>
      %reduce_sum3A_266 = arith.constant dense<0.000000e+00> : vector<64xf32>
      %reduce_sum3A_267 = vector.multi_reduction <add>, %mul3A_265, %reduce_sum3A_266 [1] : vector<64x1024xf32> to vector<64xf32>
      %broadcast_in_dim3A_268 = vector.shape_cast %reduce_sum3A_267 : vector<64xf32> to vector<64x1xf32>
      %mul3A_269 = vector.broadcast %convert_element_type3A_38 : vector<1x1024xf32> to vector<64x1024xf32>
      %mul3A_270 = arith.mulf %convert_element_type3A_260, %mul3A_269 : vector<64x1024xf32>
      %reduce_sum3A_271 = arith.constant dense<0.000000e+00> : vector<64xf32>
      %reduce_sum3A_272 = vector.multi_reduction <add>, %mul3A_270, %reduce_sum3A_271 [1] : vector<64x1024xf32> to vector<64xf32>
      %broadcast_in_dim3A_273 = vector.shape_cast %reduce_sum3A_272 : vector<64xf32> to vector<64x1xf32>
      %add3A_274 = arith.addf %broadcast_in_dim3A_268, %broadcast_in_dim3A_263 : vector<64x1xf32>
      %sub3A_275 = arith.constant 1.000000e+00 : f32
      %sub3A_276 = vector.broadcast %sub3A_275 : f32 to vector<64x1xf32>
      %sub3A_277 = arith.subf %add3A_274, %sub3A_276 : vector<64x1xf32>
      %swap3A_278 = arith.constant 256 : index
      %swap3A_279 = arith.constant 0 : index
      %swap3A_280 = vector.load %arg6[%swap3A_278, %swap3A_279] : memref<2048x1xf32, #tpu.memory_space<vmem>>, vector<64x1xf32>
      tpu.vector_store %arg6[%swap3A_278, %swap3A_279], %sub3A_277 {strides = array<i32>} : memref<2048x1xf32, #tpu.memory_space<vmem>>, vector<64x1xf32>,
      %mul3A_281 = arith.constant 4.096000e+03 : f32
      %mul3A_282 = vector.broadcast %mul3A_281 : f32 to vector<64x1xf32>
      %mul3A_283 = arith.mulf %mul3A_282, %broadcast_in_dim3A_263 : vector<64x1xf32>
      %add3A_284 = arith.addf %broadcast_in_dim3A_273, %mul3A_283 : vector<64x1xf32>
      %swap3A_285 = arith.constant 256 : index
      %swap3A_286 = arith.constant 0 : index
      %swap3A_287 = vector.load %arg7[%swap3A_285, %swap3A_286] : memref<2048x1xf32, #tpu.memory_space<vmem>>, vector<64x1xf32>
      tpu.vector_store %arg7[%swap3A_285, %swap3A_286], %add3A_284 {strides = array<i32>} : memref<2048x1xf32, #tpu.memory_space<vmem>>, vector<64x1xf32>,
      %get3A_288 = arith.constant 5 : index
      %get3A_289 = arith.constant 0 : index
      %get3A_290 = arith.constant 0 : index
      %get3A_291 = vector.load %arg5[%get3A_288, %get3A_289, %get3A_290] : memref<32x1x1024xf32, #tpu.memory_space<vmem>>, vector<1x1x1024xf32>
      %get3A_292 = vector.shape_cast %get3A_291 : vector<1x1x1024xf32> to vector<1x1024xf32>
      %bitcast_convert_type3A_293 = tpu.bitcast %get3A_292 : vector<1x1024xf32> -> vector<1x1024xi32>
      %ge3A_294 = vector.broadcast %scan3A_30 : i32 to vector<1x1024xi32>
      %ge3A_295 = arith.cmpi sge, %bitcast_convert_type3A_293, %ge3A_294 : vector<1x1024xi32>
      %convert_element_type3A_296 = arith.extui %ge3A_295 : vector<1x1024xi1> to vector<1x1024xi32>
      %convert_element_type3A_297 = arith.sitofp %convert_element_type3A_296 : vector<1x1024xi32> to vector<1x1024xf32>
      %dot_general3A_298 = arith.constant dense<0.000000e+00> : vector<1x1024xf32>
      %dot_general3A_299 = tpu.matmul %convert_element_type3A_297, %convert_element_type3A_34, %dot_general3A_298 {dimension_numbers = #tpu.dot_dimension_numbers<[1], [0], [0], [1], [0, 0, 1, 1], [], []>, transpose_lhs_hint = false} : vector<1x1024xf32>, vector<1024x1024xf32>, vector<1x1024xf32> -> vector<1x1024xf32>
      %gt3A_300 = arith.constant 0.000000e+00 : f32
      %gt3A_301 = vector.broadcast %gt3A_300 : f32 to vector<1x1024xf32>
      %gt3A_302 = arith.cmpf ogt, %convert_element_type3A_297, %gt3A_301 : vector<1x1024xf32>
      %sub3A_303 = arith.subf %dot_general3A_299, %convert_element_type3A_297 : vector<1x1024xf32>
      %jit3A_304 = arith.constant -1.000000e+00 : f32
      %broadcast_in_dim3A_305 = vector.broadcast %jit3A_304 : f32 to vector<1x1024xf32>
      %select_n3A_306 = arith.select %gt3A_302, %sub3A_303, %broadcast_in_dim3A_305 : vector<1x1024xi1>, vector<1x1024xf32>
      %eq3A_307 = vector.broadcast %select_n3A_306 : vector<1x1024xf32> to vector<64x1024xf32>
      %eq3A_308 = vector.broadcast %convert_element_type3A_36 : vector<64x1xf32> to vector<64x1024xf32>
      %eq3A_309 = arith.cmpf oeq, %eq3A_307, %eq3A_308 : vector<64x1024xf32>
      %convert_element_type3A_310 = arith.extui %eq3A_309 : vector<64x1024xi1> to vector<64x1024xi32>
      %convert_element_type3A_311 = arith.sitofp %convert_element_type3A_310 : vector<64x1024xi32> to vector<64x1024xf32>
      %reduce_sum3A_312 = arith.constant dense<0.000000e+00> : vector<64xf32>
      %reduce_sum3A_313 = vector.multi_reduction <add>, %convert_element_type3A_311, %reduce_sum3A_312 [1] : vector<64x1024xf32> to vector<64xf32>
      %broadcast_in_dim3A_314 = vector.shape_cast %reduce_sum3A_313 : vector<64xf32> to vector<64x1xf32>
      %mul3A_315 = vector.broadcast %get3A_292 : vector<1x1024xf32> to vector<64x1024xf32>
      %mul3A_316 = arith.mulf %convert_element_type3A_311, %mul3A_315 : vector<64x1024xf32>
      %reduce_sum3A_317 = arith.constant dense<0.000000e+00> : vector<64xf32>
      %reduce_sum3A_318 = vector.multi_reduction <add>, %mul3A_316, %reduce_sum3A_317 [1] : vector<64x1024xf32> to vector<64xf32>
      %broadcast_in_dim3A_319 = vector.shape_cast %reduce_sum3A_318 : vector<64xf32> to vector<64x1xf32>
      %mul3A_320 = vector.broadcast %convert_element_type3A_38 : vector<1x1024xf32> to vector<64x1024xf32>
      %mul3A_321 = arith.mulf %convert_element_type3A_311, %mul3A_320 : vector<64x1024xf32>
      %reduce_sum3A_322 = arith.constant dense<0.000000e+00> : vector<64xf32>
      %reduce_sum3A_323 = vector.multi_reduction <add>, %mul3A_321, %reduce_sum3A_322 [1] : vector<64x1024xf32> to vector<64xf32>
      %broadcast_in_dim3A_324 = vector.shape_cast %reduce_sum3A_323 : vector<64xf32> to vector<64x1xf32>
      %add3A_325 = arith.addf %broadcast_in_dim3A_319, %broadcast_in_dim3A_314 : vector<64x1xf32>
      %sub3A_326 = arith.constant 1.000000e+00 : f32
      %sub3A_327 = vector.broadcast %sub3A_326 : f32 to vector<64x1xf32>
      %sub3A_328 = arith.subf %add3A_325, %sub3A_327 : vector<64x1xf32>
      %swap3A_329 = arith.constant 320 : index
      %swap3A_330 = arith.constant 0 : index
      %swap3A_331 = vector.load %arg6[%swap3A_329, %swap3A_330] : memref<2048x1xf32, #tpu.memory_space<vmem>>, vector<64x1xf32>
      tpu.vector_store %arg6[%swap3A_329, %swap3A_330], %sub3A_328 {strides = array<i32>} : memref<2048x1xf32, #tpu.memory_space<vmem>>, vector<64x1xf32>,
      %mul3A_332 = arith.constant 5.120000e+03 : f32
      %mul3A_333 = vector.broadcast %mul3A_332 : f32 to vector<64x1xf32>
      %mul3A_334 = arith.mulf %mul3A_333, %broadcast_in_dim3A_314 : vector<64x1xf32>
      %add3A_335 = arith.addf %broadcast_in_dim3A_324, %mul3A_334 : vector<64x1xf32>
      %swap3A_336 = arith.constant 320 : index
      %swap3A_337 = arith.constant 0 : index
      %swap3A_338 = vector.load %arg7[%swap3A_336, %swap3A_337] : memref<2048x1xf32, #tpu.memory_space<vmem>>, vector<64x1xf32>
      tpu.vector_store %arg7[%swap3A_336, %swap3A_337], %add3A_335 {strides = array<i32>} : memref<2048x1xf32, #tpu.memory_space<vmem>>, vector<64x1xf32>,
      %get3A_339 = arith.constant 6 : index
      %get3A_340 = arith.constant 0 : index
      %get3A_341 = arith.constant 0 : index
      %get3A_342 = vector.load %arg5[%get3A_339, %get3A_340, %get3A_341] : memref<32x1x1024xf32, #tpu.memory_space<vmem>>, vector<1x1x1024xf32>
      %get3A_343 = vector.shape_cast %get3A_342 : vector<1x1x1024xf32> to vector<1x1024xf32>
      %bitcast_convert_type3A_344 = tpu.bitcast %get3A_343 : vector<1x1024xf32> -> vector<1x1024xi32>
      %ge3A_345 = vector.broadcast %scan3A_30 : i32 to vector<1x1024xi32>
      %ge3A_346 = arith.cmpi sge, %bitcast_convert_type3A_344, %ge3A_345 : vector<1x1024xi32>
      %convert_element_type3A_347 = arith.extui %ge3A_346 : vector<1x1024xi1> to vector<1x1024xi32>
      %convert_element_type3A_348 = arith.sitofp %convert_element_type3A_347 : vector<1x1024xi32> to vector<1x1024xf32>
      %dot_general3A_349 = arith.constant dense<0.000000e+00> : vector<1x1024xf32>
      %dot_general3A_350 = tpu.matmul %convert_element_type3A_348, %convert_element_type3A_34, %dot_general3A_349 {dimension_numbers = #tpu.dot_dimension_numbers<[1], [0], [0], [1], [0, 0, 1, 1], [], []>, transpose_lhs_hint = false} : vector<1x1024xf32>, vector<1024x1024xf32>, vector<1x1024xf32> -> vector<1x1024xf32>
      %gt3A_351 = arith.constant 0.000000e+00 : f32
      %gt3A_352 = vector.broadcast %gt3A_351 : f32 to vector<1x1024xf32>
      %gt3A_353 = arith.cmpf ogt, %convert_element_type3A_348, %gt3A_352 : vector<1x1024xf32>
      %sub3A_354 = arith.subf %dot_general3A_350, %convert_element_type3A_348 : vector<1x1024xf32>
      %jit3A_355 = arith.constant -1.000000e+00 : f32
      %broadcast_in_dim3A_356 = vector.broadcast %jit3A_355 : f32 to vector<1x1024xf32>
      %select_n3A_357 = arith.select %gt3A_353, %sub3A_354, %broadcast_in_dim3A_356 : vector<1x1024xi1>, vector<1x1024xf32>
      %eq3A_358 = vector.broadcast %select_n3A_357 : vector<1x1024xf32> to vector<64x1024xf32>
      %eq3A_359 = vector.broadcast %convert_element_type3A_36 : vector<64x1xf32> to vector<64x1024xf32>
      %eq3A_360 = arith.cmpf oeq, %eq3A_358, %eq3A_359 : vector<64x1024xf32>
      %convert_element_type3A_361 = arith.extui %eq3A_360 : vector<64x1024xi1> to vector<64x1024xi32>
      %convert_element_type3A_362 = arith.sitofp %convert_element_type3A_361 : vector<64x1024xi32> to vector<64x1024xf32>
      %reduce_sum3A_363 = arith.constant dense<0.000000e+00> : vector<64xf32>
      %reduce_sum3A_364 = vector.multi_reduction <add>, %convert_element_type3A_362, %reduce_sum3A_363 [1] : vector<64x1024xf32> to vector<64xf32>
      %broadcast_in_dim3A_365 = vector.shape_cast %reduce_sum3A_364 : vector<64xf32> to vector<64x1xf32>
      %mul3A_366 = vector.broadcast %get3A_343 : vector<1x1024xf32> to vector<64x1024xf32>
      %mul3A_367 = arith.mulf %convert_element_type3A_362, %mul3A_366 : vector<64x1024xf32>
      %reduce_sum3A_368 = arith.constant dense<0.000000e+00> : vector<64xf32>
      %reduce_sum3A_369 = vector.multi_reduction <add>, %mul3A_367, %reduce_sum3A_368 [1] : vector<64x1024xf32> to vector<64xf32>
      %broadcast_in_dim3A_370 = vector.shape_cast %reduce_sum3A_369 : vector<64xf32> to vector<64x1xf32>
      %mul3A_371 = vector.broadcast %convert_element_type3A_38 : vector<1x1024xf32> to vector<64x1024xf32>
      %mul3A_372 = arith.mulf %convert_element_type3A_362, %mul3A_371 : vector<64x1024xf32>
      %reduce_sum3A_373 = arith.constant dense<0.000000e+00> : vector<64xf32>
      %reduce_sum3A_374 = vector.multi_reduction <add>, %mul3A_372, %reduce_sum3A_373 [1] : vector<64x1024xf32> to vector<64xf32>
      %broadcast_in_dim3A_375 = vector.shape_cast %reduce_sum3A_374 : vector<64xf32> to vector<64x1xf32>
      %add3A_376 = arith.addf %broadcast_in_dim3A_370, %broadcast_in_dim3A_365 : vector<64x1xf32>
      %sub3A_377 = arith.constant 1.000000e+00 : f32
      %sub3A_378 = vector.broadcast %sub3A_377 : f32 to vector<64x1xf32>
      %sub3A_379 = arith.subf %add3A_376, %sub3A_378 : vector<64x1xf32>
      %swap3A_380 = arith.constant 384 : index
      %swap3A_381 = arith.constant 0 : index
      %swap3A_382 = vector.load %arg6[%swap3A_380, %swap3A_381] : memref<2048x1xf32, #tpu.memory_space<vmem>>, vector<64x1xf32>
      tpu.vector_store %arg6[%swap3A_380, %swap3A_381], %sub3A_379 {strides = array<i32>} : memref<2048x1xf32, #tpu.memory_space<vmem>>, vector<64x1xf32>,
      %mul3A_383 = arith.constant 6.144000e+03 : f32
      %mul3A_384 = vector.broadcast %mul3A_383 : f32 to vector<64x1xf32>
      %mul3A_385 = arith.mulf %mul3A_384, %broadcast_in_dim3A_365 : vector<64x1xf32>
      %add3A_386 = arith.addf %broadcast_in_dim3A_375, %mul3A_385 : vector<64x1xf32>
      %swap3A_387 = arith.constant 384 : index
      %swap3A_388 = arith.constant 0 : index
      %swap3A_389 = vector.load %arg7[%swap3A_387, %swap3A_388] : memref<2048x1xf32, #tpu.memory_space<vmem>>, vector<64x1xf32>
      tpu.vector_store %arg7[%swap3A_387, %swap3A_388], %add3A_386 {strides = array<i32>} : memref<2048x1xf32, #tpu.memory_space<vmem>>, vector<64x1xf32>,
      %get3A_390 = arith.constant 7 : index
      %get3A_391 = arith.constant 0 : index
      %get3A_392 = arith.constant 0 : index
      %get3A_393 = vector.load %arg5[%get3A_390, %get3A_391, %get3A_392] : memref<32x1x1024xf32, #tpu.memory_space<vmem>>, vector<1x1x1024xf32>
      %get3A_394 = vector.shape_cast %get3A_393 : vector<1x1x1024xf32> to vector<1x1024xf32>
      %bitcast_convert_type3A_395 = tpu.bitcast %get3A_394 : vector<1x1024xf32> -> vector<1x1024xi32>
      %ge3A_396 = vector.broadcast %scan3A_30 : i32 to vector<1x1024xi32>
      %ge3A_397 = arith.cmpi sge, %bitcast_convert_type3A_395, %ge3A_396 : vector<1x1024xi32>
      %convert_element_type3A_398 = arith.extui %ge3A_397 : vector<1x1024xi1> to vector<1x1024xi32>
      %convert_element_type3A_399 = arith.sitofp %convert_element_type3A_398 : vector<1x1024xi32> to vector<1x1024xf32>
      %dot_general3A_400 = arith.constant dense<0.000000e+00> : vector<1x1024xf32>
      %dot_general3A_401 = tpu.matmul %convert_element_type3A_399, %convert_element_type3A_34, %dot_general3A_400 {dimension_numbers = #tpu.dot_dimension_numbers<[1], [0], [0], [1], [0, 0, 1, 1], [], []>, transpose_lhs_hint = false} : vector<1x1024xf32>, vector<1024x1024xf32>, vector<1x1024xf32> -> vector<1x1024xf32>
      %gt3A_402 = arith.constant 0.000000e+00 : f32
      %gt3A_403 = vector.broadcast %gt3A_402 : f32 to vector<1x1024xf32>
      %gt3A_404 = arith.cmpf ogt, %convert_element_type3A_399, %gt3A_403 : vector<1x1024xf32>
      %sub3A_405 = arith.subf %dot_general3A_401, %convert_element_type3A_399 : vector<1x1024xf32>
      %jit3A_406 = arith.constant -1.000000e+00 : f32
      %broadcast_in_dim3A_407 = vector.broadcast %jit3A_406 : f32 to vector<1x1024xf32>
      %select_n3A_408 = arith.select %gt3A_404, %sub3A_405, %broadcast_in_dim3A_407 : vector<1x1024xi1>, vector<1x1024xf32>
      %eq3A_409 = vector.broadcast %select_n3A_408 : vector<1x1024xf32> to vector<64x1024xf32>
      %eq3A_410 = vector.broadcast %convert_element_type3A_36 : vector<64x1xf32> to vector<64x1024xf32>
      %eq3A_411 = arith.cmpf oeq, %eq3A_409, %eq3A_410 : vector<64x1024xf32>
      %convert_element_type3A_412 = arith.extui %eq3A_411 : vector<64x1024xi1> to vector<64x1024xi32>
      %convert_element_type3A_413 = arith.sitofp %convert_element_type3A_412 : vector<64x1024xi32> to vector<64x1024xf32>
      %reduce_sum3A_414 = arith.constant dense<0.000000e+00> : vector<64xf32>
      %reduce_sum3A_415 = vector.multi_reduction <add>, %convert_element_type3A_413, %reduce_sum3A_414 [1] : vector<64x1024xf32> to vector<64xf32>
      %broadcast_in_dim3A_416 = vector.shape_cast %reduce_sum3A_415 : vector<64xf32> to vector<64x1xf32>
      %mul3A_417 = vector.broadcast %get3A_394 : vector<1x1024xf32> to vector<64x1024xf32>
      %mul3A_418 = arith.mulf %convert_element_type3A_413, %mul3A_417 : vector<64x1024xf32>
      %reduce_sum3A_419 = arith.constant dense<0.000000e+00> : vector<64xf32>
      %reduce_sum3A_420 = vector.multi_reduction <add>, %mul3A_418, %reduce_sum3A_419 [1] : vector<64x1024xf32> to vector<64xf32>
      %broadcast_in_dim3A_421 = vector.shape_cast %reduce_sum3A_420 : vector<64xf32> to vector<64x1xf32>
      %mul3A_422 = vector.broadcast %convert_element_type3A_38 : vector<1x1024xf32> to vector<64x1024xf32>
      %mul3A_423 = arith.mulf %convert_element_type3A_413, %mul3A_422 : vector<64x1024xf32>
      %reduce_sum3A_424 = arith.constant dense<0.000000e+00> : vector<64xf32>
      %reduce_sum3A_425 = vector.multi_reduction <add>, %mul3A_423, %reduce_sum3A_424 [1] : vector<64x1024xf32> to vector<64xf32>
      %broadcast_in_dim3A_426 = vector.shape_cast %reduce_sum3A_425 : vector<64xf32> to vector<64x1xf32>
      %add3A_427 = arith.addf %broadcast_in_dim3A_421, %broadcast_in_dim3A_416 : vector<64x1xf32>
      %sub3A_428 = arith.constant 1.000000e+00 : f32
      %sub3A_429 = vector.broadcast %sub3A_428 : f32 to vector<64x1xf32>
      %sub3A_430 = arith.subf %add3A_427, %sub3A_429 : vector<64x1xf32>
      %swap3A_431 = arith.constant 448 : index
      %swap3A_432 = arith.constant 0 : index
      %swap3A_433 = vector.load %arg6[%swap3A_431, %swap3A_432] : memref<2048x1xf32, #tpu.memory_space<vmem>>, vector<64x1xf32>
      tpu.vector_store %arg6[%swap3A_431, %swap3A_432], %sub3A_430 {strides = array<i32>} : memref<2048x1xf32, #tpu.memory_space<vmem>>, vector<64x1xf32>,
      %mul3A_434 = arith.constant 7.168000e+03 : f32
      %mul3A_435 = vector.broadcast %mul3A_434 : f32 to vector<64x1xf32>
      %mul3A_436 = arith.mulf %mul3A_435, %broadcast_in_dim3A_416 : vector<64x1xf32>
      %add3A_437 = arith.addf %broadcast_in_dim3A_426, %mul3A_436 : vector<64x1xf32>
      %swap3A_438 = arith.constant 448 : index
      %swap3A_439 = arith.constant 0 : index
      %swap3A_440 = vector.load %arg7[%swap3A_438, %swap3A_439] : memref<2048x1xf32, #tpu.memory_space<vmem>>, vector<64x1xf32>
      tpu.vector_store %arg7[%swap3A_438, %swap3A_439], %add3A_437 {strides = array<i32>} : memref<2048x1xf32, #tpu.memory_space<vmem>>, vector<64x1xf32>,
      %get3A_441 = arith.constant 8 : index
      %get3A_442 = arith.constant 0 : index
      %get3A_443 = arith.constant 0 : index
      %get3A_444 = vector.load %arg5[%get3A_441, %get3A_442, %get3A_443] : memref<32x1x1024xf32, #tpu.memory_space<vmem>>, vector<1x1x1024xf32>
      %get3A_445 = vector.shape_cast %get3A_444 : vector<1x1x1024xf32> to vector<1x1024xf32>
      %bitcast_convert_type3A_446 = tpu.bitcast %get3A_445 : vector<1x1024xf32> -> vector<1x1024xi32>
      %ge3A_447 = vector.broadcast %scan3A_30 : i32 to vector<1x1024xi32>
      %ge3A_448 = arith.cmpi sge, %bitcast_convert_type3A_446, %ge3A_447 : vector<1x1024xi32>
      %convert_element_type3A_449 = arith.extui %ge3A_448 : vector<1x1024xi1> to vector<1x1024xi32>
      %convert_element_type3A_450 = arith.sitofp %convert_element_type3A_449 : vector<1x1024xi32> to vector<1x1024xf32>
      %dot_general3A_451 = arith.constant dense<0.000000e+00> : vector<1x1024xf32>
      %dot_general3A_452 = tpu.matmul %convert_element_type3A_450, %convert_element_type3A_34, %dot_general3A_451 {dimension_numbers = #tpu.dot_dimension_numbers<[1], [0], [0], [1], [0, 0, 1, 1], [], []>, transpose_lhs_hint = false} : vector<1x1024xf32>, vector<1024x1024xf32>, vector<1x1024xf32> -> vector<1x1024xf32>
      %gt3A_453 = arith.constant 0.000000e+00 : f32
      %gt3A_454 = vector.broadcast %gt3A_453 : f32 to vector<1x1024xf32>
      %gt3A_455 = arith.cmpf ogt, %convert_element_type3A_450, %gt3A_454 : vector<1x1024xf32>
      %sub3A_456 = arith.subf %dot_general3A_452, %convert_element_type3A_450 : vector<1x1024xf32>
      %jit3A_457 = arith.constant -1.000000e+00 : f32
      %broadcast_in_dim3A_458 = vector.broadcast %jit3A_457 : f32 to vector<1x1024xf32>
      %select_n3A_459 = arith.select %gt3A_455, %sub3A_456, %broadcast_in_dim3A_458 : vector<1x1024xi1>, vector<1x1024xf32>
      %eq3A_460 = vector.broadcast %select_n3A_459 : vector<1x1024xf32> to vector<64x1024xf32>
      %eq3A_461 = vector.broadcast %convert_element_type3A_36 : vector<64x1xf32> to vector<64x1024xf32>
      %eq3A_462 = arith.cmpf oeq, %eq3A_460, %eq3A_461 : vector<64x1024xf32>
      %convert_element_type3A_463 = arith.extui %eq3A_462 : vector<64x1024xi1> to vector<64x1024xi32>
      %convert_element_type3A_464 = arith.sitofp %convert_element_type3A_463 : vector<64x1024xi32> to vector<64x1024xf32>
      %reduce_sum3A_465 = arith.constant dense<0.000000e+00> : vector<64xf32>
      %reduce_sum3A_466 = vector.multi_reduction <add>, %convert_element_type3A_464, %reduce_sum3A_465 [1] : vector<64x1024xf32> to vector<64xf32>
      %broadcast_in_dim3A_467 = vector.shape_cast %reduce_sum3A_466 : vector<64xf32> to vector<64x1xf32>
      %mul3A_468 = vector.broadcast %get3A_445 : vector<1x1024xf32> to vector<64x1024xf32>
      %mul3A_469 = arith.mulf %convert_element_type3A_464, %mul3A_468 : vector<64x1024xf32>
      %reduce_sum3A_470 = arith.constant dense<0.000000e+00> : vector<64xf32>
      %reduce_sum3A_471 = vector.multi_reduction <add>, %mul3A_469, %reduce_sum3A_470 [1] : vector<64x1024xf32> to vector<64xf32>
      %broadcast_in_dim3A_472 = vector.shape_cast %reduce_sum3A_471 : vector<64xf32> to vector<64x1xf32>
      %mul3A_473 = vector.broadcast %convert_element_type3A_38 : vector<1x1024xf32> to vector<64x1024xf32>
      %mul3A_474 = arith.mulf %convert_element_type3A_464, %mul3A_473 : vector<64x1024xf32>
      %reduce_sum3A_475 = arith.constant dense<0.000000e+00> : vector<64xf32>
      %reduce_sum3A_476 = vector.multi_reduction <add>, %mul3A_474, %reduce_sum3A_475 [1] : vector<64x1024xf32> to vector<64xf32>
      %broadcast_in_dim3A_477 = vector.shape_cast %reduce_sum3A_476 : vector<64xf32> to vector<64x1xf32>
      %add3A_478 = arith.addf %broadcast_in_dim3A_472, %broadcast_in_dim3A_467 : vector<64x1xf32>
      %sub3A_479 = arith.constant 1.000000e+00 : f32
      %sub3A_480 = vector.broadcast %sub3A_479 : f32 to vector<64x1xf32>
      %sub3A_481 = arith.subf %add3A_478, %sub3A_480 : vector<64x1xf32>
      %swap3A_482 = arith.constant 512 : index
      %swap3A_483 = arith.constant 0 : index
      %swap3A_484 = vector.load %arg6[%swap3A_482, %swap3A_483] : memref<2048x1xf32, #tpu.memory_space<vmem>>, vector<64x1xf32>
      tpu.vector_store %arg6[%swap3A_482, %swap3A_483], %sub3A_481 {strides = array<i32>} : memref<2048x1xf32, #tpu.memory_space<vmem>>, vector<64x1xf32>,
      %mul3A_485 = arith.constant 8.192000e+03 : f32
      %mul3A_486 = vector.broadcast %mul3A_485 : f32 to vector<64x1xf32>
      %mul3A_487 = arith.mulf %mul3A_486, %broadcast_in_dim3A_467 : vector<64x1xf32>
      %add3A_488 = arith.addf %broadcast_in_dim3A_477, %mul3A_487 : vector<64x1xf32>
      %swap3A_489 = arith.constant 512 : index
      %swap3A_490 = arith.constant 0 : index
      %swap3A_491 = vector.load %arg7[%swap3A_489, %swap3A_490] : memref<2048x1xf32, #tpu.memory_space<vmem>>, vector<64x1xf32>
      tpu.vector_store %arg7[%swap3A_489, %swap3A_490], %add3A_488 {strides = array<i32>} : memref<2048x1xf32, #tpu.memory_space<vmem>>, vector<64x1xf32>,
      %get3A_492 = arith.constant 9 : index
      %get3A_493 = arith.constant 0 : index
      %get3A_494 = arith.constant 0 : index
      %get3A_495 = vector.load %arg5[%get3A_492, %get3A_493, %get3A_494] : memref<32x1x1024xf32, #tpu.memory_space<vmem>>, vector<1x1x1024xf32>
      %get3A_496 = vector.shape_cast %get3A_495 : vector<1x1x1024xf32> to vector<1x1024xf32>
      %bitcast_convert_type3A_497 = tpu.bitcast %get3A_496 : vector<1x1024xf32> -> vector<1x1024xi32>
      %ge3A_498 = vector.broadcast %scan3A_30 : i32 to vector<1x1024xi32>
      %ge3A_499 = arith.cmpi sge, %bitcast_convert_type3A_497, %ge3A_498 : vector<1x1024xi32>
      %convert_element_type3A_500 = arith.extui %ge3A_499 : vector<1x1024xi1> to vector<1x1024xi32>
      %convert_element_type3A_501 = arith.sitofp %convert_element_type3A_500 : vector<1x1024xi32> to vector<1x1024xf32>
      %dot_general3A_502 = arith.constant dense<0.000000e+00> : vector<1x1024xf32>
      %dot_general3A_503 = tpu.matmul %convert_element_type3A_501, %convert_element_type3A_34, %dot_general3A_502 {dimension_numbers = #tpu.dot_dimension_numbers<[1], [0], [0], [1], [0, 0, 1, 1], [], []>, transpose_lhs_hint = false} : vector<1x1024xf32>, vector<1024x1024xf32>, vector<1x1024xf32> -> vector<1x1024xf32>
      %gt3A_504 = arith.constant 0.000000e+00 : f32
      %gt3A_505 = vector.broadcast %gt3A_504 : f32 to vector<1x1024xf32>
      %gt3A_506 = arith.cmpf ogt, %convert_element_type3A_501, %gt3A_505 : vector<1x1024xf32>
      %sub3A_507 = arith.subf %dot_general3A_503, %convert_element_type3A_501 : vector<1x1024xf32>
      %jit3A_508 = arith.constant -1.000000e+00 : f32
      %broadcast_in_dim3A_509 = vector.broadcast %jit3A_508 : f32 to vector<1x1024xf32>
      %select_n3A_510 = arith.select %gt3A_506, %sub3A_507, %broadcast_in_dim3A_509 : vector<1x1024xi1>, vector<1x1024xf32>
      %eq3A_511 = vector.broadcast %select_n3A_510 : vector<1x1024xf32> to vector<64x1024xf32>
      %eq3A_512 = vector.broadcast %convert_element_type3A_36 : vector<64x1xf32> to vector<64x1024xf32>
      %eq3A_513 = arith.cmpf oeq, %eq3A_511, %eq3A_512 : vector<64x1024xf32>
      %convert_element_type3A_514 = arith.extui %eq3A_513 : vector<64x1024xi1> to vector<64x1024xi32>
      %convert_element_type3A_515 = arith.sitofp %convert_element_type3A_514 : vector<64x1024xi32> to vector<64x1024xf32>
      %reduce_sum3A_516 = arith.constant dense<0.000000e+00> : vector<64xf32>
      %reduce_sum3A_517 = vector.multi_reduction <add>, %convert_element_type3A_515, %reduce_sum3A_516 [1] : vector<64x1024xf32> to vector<64xf32>
      %broadcast_in_dim3A_518 = vector.shape_cast %reduce_sum3A_517 : vector<64xf32> to vector<64x1xf32>
      %mul3A_519 = vector.broadcast %get3A_496 : vector<1x1024xf32> to vector<64x1024xf32>
      %mul3A_520 = arith.mulf %convert_element_type3A_515, %mul3A_519 : vector<64x1024xf32>
      %reduce_sum3A_521 = arith.constant dense<0.000000e+00> : vector<64xf32>
      %reduce_sum3A_522 = vector.multi_reduction <add>, %mul3A_520, %reduce_sum3A_521 [1] : vector<64x1024xf32> to vector<64xf32>
      %broadcast_in_dim3A_523 = vector.shape_cast %reduce_sum3A_522 : vector<64xf32> to vector<64x1xf32>
      %mul3A_524 = vector.broadcast %convert_element_type3A_38 : vector<1x1024xf32> to vector<64x1024xf32>
      %mul3A_525 = arith.mulf %convert_element_type3A_515, %mul3A_524 : vector<64x1024xf32>
      %reduce_sum3A_526 = arith.constant dense<0.000000e+00> : vector<64xf32>
      %reduce_sum3A_527 = vector.multi_reduction <add>, %mul3A_525, %reduce_sum3A_526 [1] : vector<64x1024xf32> to vector<64xf32>
      %broadcast_in_dim3A_528 = vector.shape_cast %reduce_sum3A_527 : vector<64xf32> to vector<64x1xf32>
      %add3A_529 = arith.addf %broadcast_in_dim3A_523, %broadcast_in_dim3A_518 : vector<64x1xf32>
      %sub3A_530 = arith.constant 1.000000e+00 : f32
      %sub3A_531 = vector.broadcast %sub3A_530 : f32 to vector<64x1xf32>
      %sub3A_532 = arith.subf %add3A_529, %sub3A_531 : vector<64x1xf32>
      %swap3A_533 = arith.constant 576 : index
      %swap3A_534 = arith.constant 0 : index
      %swap3A_535 = vector.load %arg6[%swap3A_533, %swap3A_534] : memref<2048x1xf32, #tpu.memory_space<vmem>>, vector<64x1xf32>
      tpu.vector_store %arg6[%swap3A_533, %swap3A_534], %sub3A_532 {strides = array<i32>} : memref<2048x1xf32, #tpu.memory_space<vmem>>, vector<64x1xf32>,
      %mul3A_536 = arith.constant 9.216000e+03 : f32
      %mul3A_537 = vector.broadcast %mul3A_536 : f32 to vector<64x1xf32>
      %mul3A_538 = arith.mulf %mul3A_537, %broadcast_in_dim3A_518 : vector<64x1xf32>
      %add3A_539 = arith.addf %broadcast_in_dim3A_528, %mul3A_538 : vector<64x1xf32>
      %swap3A_540 = arith.constant 576 : index
      %swap3A_541 = arith.constant 0 : index
      %swap3A_542 = vector.load %arg7[%swap3A_540, %swap3A_541] : memref<2048x1xf32, #tpu.memory_space<vmem>>, vector<64x1xf32>
      tpu.vector_store %arg7[%swap3A_540, %swap3A_541], %add3A_539 {strides = array<i32>} : memref<2048x1xf32, #tpu.memory_space<vmem>>, vector<64x1xf32>,
      %get3A_543 = arith.constant 10 : index
      %get3A_544 = arith.constant 0 : index
      %get3A_545 = arith.constant 0 : index
      %get3A_546 = vector.load %arg5[%get3A_543, %get3A_544, %get3A_545] : memref<32x1x1024xf32, #tpu.memory_space<vmem>>, vector<1x1x1024xf32>
      %get3A_547 = vector.shape_cast %get3A_546 : vector<1x1x1024xf32> to vector<1x1024xf32>
      %bitcast_convert_type3A_548 = tpu.bitcast %get3A_547 : vector<1x1024xf32> -> vector<1x1024xi32>
      %ge3A_549 = vector.broadcast %scan3A_30 : i32 to vector<1x1024xi32>
      %ge3A_550 = arith.cmpi sge, %bitcast_convert_type3A_548, %ge3A_549 : vector<1x1024xi32>
      %convert_element_type3A_551 = arith.extui %ge3A_550 : vector<1x1024xi1> to vector<1x1024xi32>
      %convert_element_type3A_552 = arith.sitofp %convert_element_type3A_551 : vector<1x1024xi32> to vector<1x1024xf32>
      %dot_general3A_553 = arith.constant dense<0.000000e+00> : vector<1x1024xf32>
      %dot_general3A_554 = tpu.matmul %convert_element_type3A_552, %convert_element_type3A_34, %dot_general3A_553 {dimension_numbers = #tpu.dot_dimension_numbers<[1], [0], [0], [1], [0, 0, 1, 1], [], []>, transpose_lhs_hint = false} : vector<1x1024xf32>, vector<1024x1024xf32>, vector<1x1024xf32> -> vector<1x1024xf32>
      %gt3A_555 = arith.constant 0.000000e+00 : f32
      %gt3A_556 = vector.broadcast %gt3A_555 : f32 to vector<1x1024xf32>
      %gt3A_557 = arith.cmpf ogt, %convert_element_type3A_552, %gt3A_556 : vector<1x1024xf32>
      %sub3A_558 = arith.subf %dot_general3A_554, %convert_element_type3A_552 : vector<1x1024xf32>
      %jit3A_559 = arith.constant -1.000000e+00 : f32
      %broadcast_in_dim3A_560 = vector.broadcast %jit3A_559 : f32 to vector<1x1024xf32>
      %select_n3A_561 = arith.select %gt3A_557, %sub3A_558, %broadcast_in_dim3A_560 : vector<1x1024xi1>, vector<1x1024xf32>
      %eq3A_562 = vector.broadcast %select_n3A_561 : vector<1x1024xf32> to vector<64x1024xf32>
      %eq3A_563 = vector.broadcast %convert_element_type3A_36 : vector<64x1xf32> to vector<64x1024xf32>
      %eq3A_564 = arith.cmpf oeq, %eq3A_562, %eq3A_563 : vector<64x1024xf32>
      %convert_element_type3A_565 = arith.extui %eq3A_564 : vector<64x1024xi1> to vector<64x1024xi32>
      %convert_element_type3A_566 = arith.sitofp %convert_element_type3A_565 : vector<64x1024xi32> to vector<64x1024xf32>
      %reduce_sum3A_567 = arith.constant dense<0.000000e+00> : vector<64xf32>
      %reduce_sum3A_568 = vector.multi_reduction <add>, %convert_element_type3A_566, %reduce_sum3A_567 [1] : vector<64x1024xf32> to vector<64xf32>
      %broadcast_in_dim3A_569 = vector.shape_cast %reduce_sum3A_568 : vector<64xf32> to vector<64x1xf32>
      %mul3A_570 = vector.broadcast %get3A_547 : vector<1x1024xf32> to vector<64x1024xf32>
      %mul3A_571 = arith.mulf %convert_element_type3A_566, %mul3A_570 : vector<64x1024xf32>
      %reduce_sum3A_572 = arith.constant dense<0.000000e+00> : vector<64xf32>
      %reduce_sum3A_573 = vector.multi_reduction <add>, %mul3A_571, %reduce_sum3A_572 [1] : vector<64x1024xf32> to vector<64xf32>
      %broadcast_in_dim3A_574 = vector.shape_cast %reduce_sum3A_573 : vector<64xf32> to vector<64x1xf32>
      %mul3A_575 = vector.broadcast %convert_element_type3A_38 : vector<1x1024xf32> to vector<64x1024xf32>
      %mul3A_576 = arith.mulf %convert_element_type3A_566, %mul3A_575 : vector<64x1024xf32>
      %reduce_sum3A_577 = arith.constant dense<0.000000e+00> : vector<64xf32>
      %reduce_sum3A_578 = vector.multi_reduction <add>, %mul3A_576, %reduce_sum3A_577 [1] : vector<64x1024xf32> to vector<64xf32>
      %broadcast_in_dim3A_579 = vector.shape_cast %reduce_sum3A_578 : vector<64xf32> to vector<64x1xf32>
      %add3A_580 = arith.addf %broadcast_in_dim3A_574, %broadcast_in_dim3A_569 : vector<64x1xf32>
      %sub3A_581 = arith.constant 1.000000e+00 : f32
      %sub3A_582 = vector.broadcast %sub3A_581 : f32 to vector<64x1xf32>
      %sub3A_583 = arith.subf %add3A_580, %sub3A_582 : vector<64x1xf32>
      %swap3A_584 = arith.constant 640 : index
      %swap3A_585 = arith.constant 0 : index
      %swap3A_586 = vector.load %arg6[%swap3A_584, %swap3A_585] : memref<2048x1xf32, #tpu.memory_space<vmem>>, vector<64x1xf32>
      tpu.vector_store %arg6[%swap3A_584, %swap3A_585], %sub3A_583 {strides = array<i32>} : memref<2048x1xf32, #tpu.memory_space<vmem>>, vector<64x1xf32>,
      %mul3A_587 = arith.constant 1.024000e+04 : f32
      %mul3A_588 = vector.broadcast %mul3A_587 : f32 to vector<64x1xf32>
      %mul3A_589 = arith.mulf %mul3A_588, %broadcast_in_dim3A_569 : vector<64x1xf32>
      %add3A_590 = arith.addf %broadcast_in_dim3A_579, %mul3A_589 : vector<64x1xf32>
      %swap3A_591 = arith.constant 640 : index
      %swap3A_592 = arith.constant 0 : index
      %swap3A_593 = vector.load %arg7[%swap3A_591, %swap3A_592] : memref<2048x1xf32, #tpu.memory_space<vmem>>, vector<64x1xf32>
      tpu.vector_store %arg7[%swap3A_591, %swap3A_592], %add3A_590 {strides = array<i32>} : memref<2048x1xf32, #tpu.memory_space<vmem>>, vector<64x1xf32>,
      %get3A_594 = arith.constant 11 : index
      %get3A_595 = arith.constant 0 : index
      %get3A_596 = arith.constant 0 : index
      %get3A_597 = vector.load %arg5[%get3A_594, %get3A_595, %get3A_596] : memref<32x1x1024xf32, #tpu.memory_space<vmem>>, vector<1x1x1024xf32>
      %get3A_598 = vector.shape_cast %get3A_597 : vector<1x1x1024xf32> to vector<1x1024xf32>
      %bitcast_convert_type3A_599 = tpu.bitcast %get3A_598 : vector<1x1024xf32> -> vector<1x1024xi32>
      %ge3A_600 = vector.broadcast %scan3A_30 : i32 to vector<1x1024xi32>
      %ge3A_601 = arith.cmpi sge, %bitcast_convert_type3A_599, %ge3A_600 : vector<1x1024xi32>
      %convert_element_type3A_602 = arith.extui %ge3A_601 : vector<1x1024xi1> to vector<1x1024xi32>
      %convert_element_type3A_603 = arith.sitofp %convert_element_type3A_602 : vector<1x1024xi32> to vector<1x1024xf32>
      %dot_general3A_604 = arith.constant dense<0.000000e+00> : vector<1x1024xf32>
      %dot_general3A_605 = tpu.matmul %convert_element_type3A_603, %convert_element_type3A_34, %dot_general3A_604 {dimension_numbers = #tpu.dot_dimension_numbers<[1], [0], [0], [1], [0, 0, 1, 1], [], []>, transpose_lhs_hint = false} : vector<1x1024xf32>, vector<1024x1024xf32>, vector<1x1024xf32> -> vector<1x1024xf32>
      %gt3A_606 = arith.constant 0.000000e+00 : f32
      %gt3A_607 = vector.broadcast %gt3A_606 : f32 to vector<1x1024xf32>
      %gt3A_608 = arith.cmpf ogt, %convert_element_type3A_603, %gt3A_607 : vector<1x1024xf32>
      %sub3A_609 = arith.subf %dot_general3A_605, %convert_element_type3A_603 : vector<1x1024xf32>
      %jit3A_610 = arith.constant -1.000000e+00 : f32
      %broadcast_in_dim3A_611 = vector.broadcast %jit3A_610 : f32 to vector<1x1024xf32>
      %select_n3A_612 = arith.select %gt3A_608, %sub3A_609, %broadcast_in_dim3A_611 : vector<1x1024xi1>, vector<1x1024xf32>
      %eq3A_613 = vector.broadcast %select_n3A_612 : vector<1x1024xf32> to vector<64x1024xf32>
      %eq3A_614 = vector.broadcast %convert_element_type3A_36 : vector<64x1xf32> to vector<64x1024xf32>
      %eq3A_615 = arith.cmpf oeq, %eq3A_613, %eq3A_614 : vector<64x1024xf32>
      %convert_element_type3A_616 = arith.extui %eq3A_615 : vector<64x1024xi1> to vector<64x1024xi32>
      %convert_element_type3A_617 = arith.sitofp %convert_element_type3A_616 : vector<64x1024xi32> to vector<64x1024xf32>
      %reduce_sum3A_618 = arith.constant dense<0.000000e+00> : vector<64xf32>
      %reduce_sum3A_619 = vector.multi_reduction <add>, %convert_element_type3A_617, %reduce_sum3A_618 [1] : vector<64x1024xf32> to vector<64xf32>
      %broadcast_in_dim3A_620 = vector.shape_cast %reduce_sum3A_619 : vector<64xf32> to vector<64x1xf32>
      %mul3A_621 = vector.broadcast %get3A_598 : vector<1x1024xf32> to vector<64x1024xf32>
      %mul3A_622 = arith.mulf %convert_element_type3A_617, %mul3A_621 : vector<64x1024xf32>
      %reduce_sum3A_623 = arith.constant dense<0.000000e+00> : vector<64xf32>
      %reduce_sum3A_624 = vector.multi_reduction <add>, %mul3A_622, %reduce_sum3A_623 [1] : vector<64x1024xf32> to vector<64xf32>
      %broadcast_in_dim3A_625 = vector.shape_cast %reduce_sum3A_624 : vector<64xf32> to vector<64x1xf32>
      %mul3A_626 = vector.broadcast %convert_element_type3A_38 : vector<1x1024xf32> to vector<64x1024xf32>
      %mul3A_627 = arith.mulf %convert_element_type3A_617, %mul3A_626 : vector<64x1024xf32>
      %reduce_sum3A_628 = arith.constant dense<0.000000e+00> : vector<64xf32>
      %reduce_sum3A_629 = vector.multi_reduction <add>, %mul3A_627, %reduce_sum3A_628 [1] : vector<64x1024xf32> to vector<64xf32>
      %broadcast_in_dim3A_630 = vector.shape_cast %reduce_sum3A_629 : vector<64xf32> to vector<64x1xf32>
      %add3A_631 = arith.addf %broadcast_in_dim3A_625, %broadcast_in_dim3A_620 : vector<64x1xf32>
      %sub3A_632 = arith.constant 1.000000e+00 : f32
      %sub3A_633 = vector.broadcast %sub3A_632 : f32 to vector<64x1xf32>
      %sub3A_634 = arith.subf %add3A_631, %sub3A_633 : vector<64x1xf32>
      %swap3A_635 = arith.constant 704 : index
      %swap3A_636 = arith.constant 0 : index
      %swap3A_637 = vector.load %arg6[%swap3A_635, %swap3A_636] : memref<2048x1xf32, #tpu.memory_space<vmem>>, vector<64x1xf32>
      tpu.vector_store %arg6[%swap3A_635, %swap3A_636], %sub3A_634 {strides = array<i32>} : memref<2048x1xf32, #tpu.memory_space<vmem>>, vector<64x1xf32>,
      %mul3A_638 = arith.constant 1.126400e+04 : f32
      %mul3A_639 = vector.broadcast %mul3A_638 : f32 to vector<64x1xf32>
      %mul3A_640 = arith.mulf %mul3A_639, %broadcast_in_dim3A_620 : vector<64x1xf32>
      %add3A_641 = arith.addf %broadcast_in_dim3A_630, %mul3A_640 : vector<64x1xf32>
      %swap3A_642 = arith.constant 704 : index
      %swap3A_643 = arith.constant 0 : index
      %swap3A_644 = vector.load %arg7[%swap3A_642, %swap3A_643] : memref<2048x1xf32, #tpu.memory_space<vmem>>, vector<64x1xf32>
      tpu.vector_store %arg7[%swap3A_642, %swap3A_643], %add3A_641 {strides = array<i32>} : memref<2048x1xf32, #tpu.memory_space<vmem>>, vector<64x1xf32>,
      %get3A_645 = arith.constant 12 : index
      %get3A_646 = arith.constant 0 : index
      %get3A_647 = arith.constant 0 : index
      %get3A_648 = vector.load %arg5[%get3A_645, %get3A_646, %get3A_647] : memref<32x1x1024xf32, #tpu.memory_space<vmem>>, vector<1x1x1024xf32>
      %get3A_649 = vector.shape_cast %get3A_648 : vector<1x1x1024xf32> to vector<1x1024xf32>
      %bitcast_convert_type3A_650 = tpu.bitcast %get3A_649 : vector<1x1024xf32> -> vector<1x1024xi32>
      %ge3A_651 = vector.broadcast %scan3A_30 : i32 to vector<1x1024xi32>
      %ge3A_652 = arith.cmpi sge, %bitcast_convert_type3A_650, %ge3A_651 : vector<1x1024xi32>
      %convert_element_type3A_653 = arith.extui %ge3A_652 : vector<1x1024xi1> to vector<1x1024xi32>
      %convert_element_type3A_654 = arith.sitofp %convert_element_type3A_653 : vector<1x1024xi32> to vector<1x1024xf32>
      %dot_general3A_655 = arith.constant dense<0.000000e+00> : vector<1x1024xf32>
      %dot_general3A_656 = tpu.matmul %convert_element_type3A_654, %convert_element_type3A_34, %dot_general3A_655 {dimension_numbers = #tpu.dot_dimension_numbers<[1], [0], [0], [1], [0, 0, 1, 1], [], []>, transpose_lhs_hint = false} : vector<1x1024xf32>, vector<1024x1024xf32>, vector<1x1024xf32> -> vector<1x1024xf32>
      %gt3A_657 = arith.constant 0.000000e+00 : f32
      %gt3A_658 = vector.broadcast %gt3A_657 : f32 to vector<1x1024xf32>
      %gt3A_659 = arith.cmpf ogt, %convert_element_type3A_654, %gt3A_658 : vector<1x1024xf32>
      %sub3A_660 = arith.subf %dot_general3A_656, %convert_element_type3A_654 : vector<1x1024xf32>
      %jit3A_661 = arith.constant -1.000000e+00 : f32
      %broadcast_in_dim3A_662 = vector.broadcast %jit3A_661 : f32 to vector<1x1024xf32>
      %select_n3A_663 = arith.select %gt3A_659, %sub3A_660, %broadcast_in_dim3A_662 : vector<1x1024xi1>, vector<1x1024xf32>
      %eq3A_664 = vector.broadcast %select_n3A_663 : vector<1x1024xf32> to vector<64x1024xf32>
      %eq3A_665 = vector.broadcast %convert_element_type3A_36 : vector<64x1xf32> to vector<64x1024xf32>
      %eq3A_666 = arith.cmpf oeq, %eq3A_664, %eq3A_665 : vector<64x1024xf32>
      %convert_element_type3A_667 = arith.extui %eq3A_666 : vector<64x1024xi1> to vector<64x1024xi32>
      %convert_element_type3A_668 = arith.sitofp %convert_element_type3A_667 : vector<64x1024xi32> to vector<64x1024xf32>
      %reduce_sum3A_669 = arith.constant dense<0.000000e+00> : vector<64xf32>
      %reduce_sum3A_670 = vector.multi_reduction <add>, %convert_element_type3A_668, %reduce_sum3A_669 [1] : vector<64x1024xf32> to vector<64xf32>
      %broadcast_in_dim3A_671 = vector.shape_cast %reduce_sum3A_670 : vector<64xf32> to vector<64x1xf32>
      %mul3A_672 = vector.broadcast %get3A_649 : vector<1x1024xf32> to vector<64x1024xf32>
      %mul3A_673 = arith.mulf %convert_element_type3A_668, %mul3A_672 : vector<64x1024xf32>
      %reduce_sum3A_674 = arith.constant dense<0.000000e+00> : vector<64xf32>
      %reduce_sum3A_675 = vector.multi_reduction <add>, %mul3A_673, %reduce_sum3A_674 [1] : vector<64x1024xf32> to vector<64xf32>
      %broadcast_in_dim3A_676 = vector.shape_cast %reduce_sum3A_675 : vector<64xf32> to vector<64x1xf32>
      %mul3A_677 = vector.broadcast %convert_element_type3A_38 : vector<1x1024xf32> to vector<64x1024xf32>
      %mul3A_678 = arith.mulf %convert_element_type3A_668, %mul3A_677 : vector<64x1024xf32>
      %reduce_sum3A_679 = arith.constant dense<0.000000e+00> : vector<64xf32>
      %reduce_sum3A_680 = vector.multi_reduction <add>, %mul3A_678, %reduce_sum3A_679 [1] : vector<64x1024xf32> to vector<64xf32>
      %broadcast_in_dim3A_681 = vector.shape_cast %reduce_sum3A_680 : vector<64xf32> to vector<64x1xf32>
      %add3A_682 = arith.addf %broadcast_in_dim3A_676, %broadcast_in_dim3A_671 : vector<64x1xf32>
      %sub3A_683 = arith.constant 1.000000e+00 : f32
      %sub3A_684 = vector.broadcast %sub3A_683 : f32 to vector<64x1xf32>
      %sub3A_685 = arith.subf %add3A_682, %sub3A_684 : vector<64x1xf32>
      %swap3A_686 = arith.constant 768 : index
      %swap3A_687 = arith.constant 0 : index
      %swap3A_688 = vector.load %arg6[%swap3A_686, %swap3A_687] : memref<2048x1xf32, #tpu.memory_space<vmem>>, vector<64x1xf32>
      tpu.vector_store %arg6[%swap3A_686, %swap3A_687], %sub3A_685 {strides = array<i32>} : memref<2048x1xf32, #tpu.memory_space<vmem>>, vector<64x1xf32>,
      %mul3A_689 = arith.constant 1.228800e+04 : f32
      %mul3A_690 = vector.broadcast %mul3A_689 : f32 to vector<64x1xf32>
      %mul3A_691 = arith.mulf %mul3A_690, %broadcast_in_dim3A_671 : vector<64x1xf32>
      %add3A_692 = arith.addf %broadcast_in_dim3A_681, %mul3A_691 : vector<64x1xf32>
      %swap3A_693 = arith.constant 768 : index
      %swap3A_694 = arith.constant 0 : index
      %swap3A_695 = vector.load %arg7[%swap3A_693, %swap3A_694] : memref<2048x1xf32, #tpu.memory_space<vmem>>, vector<64x1xf32>
      tpu.vector_store %arg7[%swap3A_693, %swap3A_694], %add3A_692 {strides = array<i32>} : memref<2048x1xf32, #tpu.memory_space<vmem>>, vector<64x1xf32>,
      %get3A_696 = arith.constant 13 : index
      %get3A_697 = arith.constant 0 : index
      %get3A_698 = arith.constant 0 : index
      %get3A_699 = vector.load %arg5[%get3A_696, %get3A_697, %get3A_698] : memref<32x1x1024xf32, #tpu.memory_space<vmem>>, vector<1x1x1024xf32>
      %get3A_700 = vector.shape_cast %get3A_699 : vector<1x1x1024xf32> to vector<1x1024xf32>
      %bitcast_convert_type3A_701 = tpu.bitcast %get3A_700 : vector<1x1024xf32> -> vector<1x1024xi32>
      %ge3A_702 = vector.broadcast %scan3A_30 : i32 to vector<1x1024xi32>
      %ge3A_703 = arith.cmpi sge, %bitcast_convert_type3A_701, %ge3A_702 : vector<1x1024xi32>
      %convert_element_type3A_704 = arith.extui %ge3A_703 : vector<1x1024xi1> to vector<1x1024xi32>
      %convert_element_type3A_705 = arith.sitofp %convert_element_type3A_704 : vector<1x1024xi32> to vector<1x1024xf32>
      %dot_general3A_706 = arith.constant dense<0.000000e+00> : vector<1x1024xf32>
      %dot_general3A_707 = tpu.matmul %convert_element_type3A_705, %convert_element_type3A_34, %dot_general3A_706 {dimension_numbers = #tpu.dot_dimension_numbers<[1], [0], [0], [1], [0, 0, 1, 1], [], []>, transpose_lhs_hint = false} : vector<1x1024xf32>, vector<1024x1024xf32>, vector<1x1024xf32> -> vector<1x1024xf32>
      %gt3A_708 = arith.constant 0.000000e+00 : f32
      %gt3A_709 = vector.broadcast %gt3A_708 : f32 to vector<1x1024xf32>
      %gt3A_710 = arith.cmpf ogt, %convert_element_type3A_705, %gt3A_709 : vector<1x1024xf32>
      %sub3A_711 = arith.subf %dot_general3A_707, %convert_element_type3A_705 : vector<1x1024xf32>
      %jit3A_712 = arith.constant -1.000000e+00 : f32
      %broadcast_in_dim3A_713 = vector.broadcast %jit3A_712 : f32 to vector<1x1024xf32>
      %select_n3A_714 = arith.select %gt3A_710, %sub3A_711, %broadcast_in_dim3A_713 : vector<1x1024xi1>, vector<1x1024xf32>
      %eq3A_715 = vector.broadcast %select_n3A_714 : vector<1x1024xf32> to vector<64x1024xf32>
      %eq3A_716 = vector.broadcast %convert_element_type3A_36 : vector<64x1xf32> to vector<64x1024xf32>
      %eq3A_717 = arith.cmpf oeq, %eq3A_715, %eq3A_716 : vector<64x1024xf32>
      %convert_element_type3A_718 = arith.extui %eq3A_717 : vector<64x1024xi1> to vector<64x1024xi32>
      %convert_element_type3A_719 = arith.sitofp %convert_element_type3A_718 : vector<64x1024xi32> to vector<64x1024xf32>
      %reduce_sum3A_720 = arith.constant dense<0.000000e+00> : vector<64xf32>
      %reduce_sum3A_721 = vector.multi_reduction <add>, %convert_element_type3A_719, %reduce_sum3A_720 [1] : vector<64x1024xf32> to vector<64xf32>
      %broadcast_in_dim3A_722 = vector.shape_cast %reduce_sum3A_721 : vector<64xf32> to vector<64x1xf32>
      %mul3A_723 = vector.broadcast %get3A_700 : vector<1x1024xf32> to vector<64x1024xf32>
      %mul3A_724 = arith.mulf %convert_element_type3A_719, %mul3A_723 : vector<64x1024xf32>
      %reduce_sum3A_725 = arith.constant dense<0.000000e+00> : vector<64xf32>
      %reduce_sum3A_726 = vector.multi_reduction <add>, %mul3A_724, %reduce_sum3A_725 [1] : vector<64x1024xf32> to vector<64xf32>
      %broadcast_in_dim3A_727 = vector.shape_cast %reduce_sum3A_726 : vector<64xf32> to vector<64x1xf32>
      %mul3A_728 = vector.broadcast %convert_element_type3A_38 : vector<1x1024xf32> to vector<64x1024xf32>
      %mul3A_729 = arith.mulf %convert_element_type3A_719, %mul3A_728 : vector<64x1024xf32>
      %reduce_sum3A_730 = arith.constant dense<0.000000e+00> : vector<64xf32>
      %reduce_sum3A_731 = vector.multi_reduction <add>, %mul3A_729, %reduce_sum3A_730 [1] : vector<64x1024xf32> to vector<64xf32>
      %broadcast_in_dim3A_732 = vector.shape_cast %reduce_sum3A_731 : vector<64xf32> to vector<64x1xf32>
      %add3A_733 = arith.addf %broadcast_in_dim3A_727, %broadcast_in_dim3A_722 : vector<64x1xf32>
      %sub3A_734 = arith.constant 1.000000e+00 : f32
      %sub3A_735 = vector.broadcast %sub3A_734 : f32 to vector<64x1xf32>
      %sub3A_736 = arith.subf %add3A_733, %sub3A_735 : vector<64x1xf32>
      %swap3A_737 = arith.constant 832 : index
      %swap3A_738 = arith.constant 0 : index
      %swap3A_739 = vector.load %arg6[%swap3A_737, %swap3A_738] : memref<2048x1xf32, #tpu.memory_space<vmem>>, vector<64x1xf32>
      tpu.vector_store %arg6[%swap3A_737, %swap3A_738], %sub3A_736 {strides = array<i32>} : memref<2048x1xf32, #tpu.memory_space<vmem>>, vector<64x1xf32>,
      %mul3A_740 = arith.constant 1.331200e+04 : f32
      %mul3A_741 = vector.broadcast %mul3A_740 : f32 to vector<64x1xf32>
      %mul3A_742 = arith.mulf %mul3A_741, %broadcast_in_dim3A_722 : vector<64x1xf32>
      %add3A_743 = arith.addf %broadcast_in_dim3A_732, %mul3A_742 : vector<64x1xf32>
      %swap3A_744 = arith.constant 832 : index
      %swap3A_745 = arith.constant 0 : index
      %swap3A_746 = vector.load %arg7[%swap3A_744, %swap3A_745] : memref<2048x1xf32, #tpu.memory_space<vmem>>, vector<64x1xf32>
      tpu.vector_store %arg7[%swap3A_744, %swap3A_745], %add3A_743 {strides = array<i32>} : memref<2048x1xf32, #tpu.memory_space<vmem>>, vector<64x1xf32>,
      %get3A_747 = arith.constant 14 : index
      %get3A_748 = arith.constant 0 : index
      %get3A_749 = arith.constant 0 : index
      %get3A_750 = vector.load %arg5[%get3A_747, %get3A_748, %get3A_749] : memref<32x1x1024xf32, #tpu.memory_space<vmem>>, vector<1x1x1024xf32>
      %get3A_751 = vector.shape_cast %get3A_750 : vector<1x1x1024xf32> to vector<1x1024xf32>
      %bitcast_convert_type3A_752 = tpu.bitcast %get3A_751 : vector<1x1024xf32> -> vector<1x1024xi32>
      %ge3A_753 = vector.broadcast %scan3A_30 : i32 to vector<1x1024xi32>
      %ge3A_754 = arith.cmpi sge, %bitcast_convert_type3A_752, %ge3A_753 : vector<1x1024xi32>
      %convert_element_type3A_755 = arith.extui %ge3A_754 : vector<1x1024xi1> to vector<1x1024xi32>
      %convert_element_type3A_756 = arith.sitofp %convert_element_type3A_755 : vector<1x1024xi32> to vector<1x1024xf32>
      %dot_general3A_757 = arith.constant dense<0.000000e+00> : vector<1x1024xf32>
      %dot_general3A_758 = tpu.matmul %convert_element_type3A_756, %convert_element_type3A_34, %dot_general3A_757 {dimension_numbers = #tpu.dot_dimension_numbers<[1], [0], [0], [1], [0, 0, 1, 1], [], []>, transpose_lhs_hint = false} : vector<1x1024xf32>, vector<1024x1024xf32>, vector<1x1024xf32> -> vector<1x1024xf32>
      %gt3A_759 = arith.constant 0.000000e+00 : f32
      %gt3A_760 = vector.broadcast %gt3A_759 : f32 to vector<1x1024xf32>
      %gt3A_761 = arith.cmpf ogt, %convert_element_type3A_756, %gt3A_760 : vector<1x1024xf32>
      %sub3A_762 = arith.subf %dot_general3A_758, %convert_element_type3A_756 : vector<1x1024xf32>
      %jit3A_763 = arith.constant -1.000000e+00 : f32
      %broadcast_in_dim3A_764 = vector.broadcast %jit3A_763 : f32 to vector<1x1024xf32>
      %select_n3A_765 = arith.select %gt3A_761, %sub3A_762, %broadcast_in_dim3A_764 : vector<1x1024xi1>, vector<1x1024xf32>
      %eq3A_766 = vector.broadcast %select_n3A_765 : vector<1x1024xf32> to vector<64x1024xf32>
      %eq3A_767 = vector.broadcast %convert_element_type3A_36 : vector<64x1xf32> to vector<64x1024xf32>
      %eq3A_768 = arith.cmpf oeq, %eq3A_766, %eq3A_767 : vector<64x1024xf32>
      %convert_element_type3A_769 = arith.extui %eq3A_768 : vector<64x1024xi1> to vector<64x1024xi32>
      %convert_element_type3A_770 = arith.sitofp %convert_element_type3A_769 : vector<64x1024xi32> to vector<64x1024xf32>
      %reduce_sum3A_771 = arith.constant dense<0.000000e+00> : vector<64xf32>
      %reduce_sum3A_772 = vector.multi_reduction <add>, %convert_element_type3A_770, %reduce_sum3A_771 [1] : vector<64x1024xf32> to vector<64xf32>
      %broadcast_in_dim3A_773 = vector.shape_cast %reduce_sum3A_772 : vector<64xf32> to vector<64x1xf32>
      %mul3A_774 = vector.broadcast %get3A_751 : vector<1x1024xf32> to vector<64x1024xf32>
      %mul3A_775 = arith.mulf %convert_element_type3A_770, %mul3A_774 : vector<64x1024xf32>
      %reduce_sum3A_776 = arith.constant dense<0.000000e+00> : vector<64xf32>
      %reduce_sum3A_777 = vector.multi_reduction <add>, %mul3A_775, %reduce_sum3A_776 [1] : vector<64x1024xf32> to vector<64xf32>
      %broadcast_in_dim3A_778 = vector.shape_cast %reduce_sum3A_777 : vector<64xf32> to vector<64x1xf32>
      %mul3A_779 = vector.broadcast %convert_element_type3A_38 : vector<1x1024xf32> to vector<64x1024xf32>
      %mul3A_780 = arith.mulf %convert_element_type3A_770, %mul3A_779 : vector<64x1024xf32>
      %reduce_sum3A_781 = arith.constant dense<0.000000e+00> : vector<64xf32>
      %reduce_sum3A_782 = vector.multi_reduction <add>, %mul3A_780, %reduce_sum3A_781 [1] : vector<64x1024xf32> to vector<64xf32>
      %broadcast_in_dim3A_783 = vector.shape_cast %reduce_sum3A_782 : vector<64xf32> to vector<64x1xf32>
      %add3A_784 = arith.addf %broadcast_in_dim3A_778, %broadcast_in_dim3A_773 : vector<64x1xf32>
      %sub3A_785 = arith.constant 1.000000e+00 : f32
      %sub3A_786 = vector.broadcast %sub3A_785 : f32 to vector<64x1xf32>
      %sub3A_787 = arith.subf %add3A_784, %sub3A_786 : vector<64x1xf32>
      %swap3A_788 = arith.constant 896 : index
      %swap3A_789 = arith.constant 0 : index
      %swap3A_790 = vector.load %arg6[%swap3A_788, %swap3A_789] : memref<2048x1xf32, #tpu.memory_space<vmem>>, vector<64x1xf32>
      tpu.vector_store %arg6[%swap3A_788, %swap3A_789], %sub3A_787 {strides = array<i32>} : memref<2048x1xf32, #tpu.memory_space<vmem>>, vector<64x1xf32>,
      %mul3A_791 = arith.constant 1.433600e+04 : f32
      %mul3A_792 = vector.broadcast %mul3A_791 : f32 to vector<64x1xf32>
      %mul3A_793 = arith.mulf %mul3A_792, %broadcast_in_dim3A_773 : vector<64x1xf32>
      %add3A_794 = arith.addf %broadcast_in_dim3A_783, %mul3A_793 : vector<64x1xf32>
      %swap3A_795 = arith.constant 896 : index
      %swap3A_796 = arith.constant 0 : index
      %swap3A_797 = vector.load %arg7[%swap3A_795, %swap3A_796] : memref<2048x1xf32, #tpu.memory_space<vmem>>, vector<64x1xf32>
      tpu.vector_store %arg7[%swap3A_795, %swap3A_796], %add3A_794 {strides = array<i32>} : memref<2048x1xf32, #tpu.memory_space<vmem>>, vector<64x1xf32>,
      %get3A_798 = arith.constant 15 : index
      %get3A_799 = arith.constant 0 : index
      %get3A_800 = arith.constant 0 : index
      %get3A_801 = vector.load %arg5[%get3A_798, %get3A_799, %get3A_800] : memref<32x1x1024xf32, #tpu.memory_space<vmem>>, vector<1x1x1024xf32>
      %get3A_802 = vector.shape_cast %get3A_801 : vector<1x1x1024xf32> to vector<1x1024xf32>
      %bitcast_convert_type3A_803 = tpu.bitcast %get3A_802 : vector<1x1024xf32> -> vector<1x1024xi32>
      %ge3A_804 = vector.broadcast %scan3A_30 : i32 to vector<1x1024xi32>
      %ge3A_805 = arith.cmpi sge, %bitcast_convert_type3A_803, %ge3A_804 : vector<1x1024xi32>
      %convert_element_type3A_806 = arith.extui %ge3A_805 : vector<1x1024xi1> to vector<1x1024xi32>
      %convert_element_type3A_807 = arith.sitofp %convert_element_type3A_806 : vector<1x1024xi32> to vector<1x1024xf32>
      %dot_general3A_808 = arith.constant dense<0.000000e+00> : vector<1x1024xf32>
      %dot_general3A_809 = tpu.matmul %convert_element_type3A_807, %convert_element_type3A_34, %dot_general3A_808 {dimension_numbers = #tpu.dot_dimension_numbers<[1], [0], [0], [1], [0, 0, 1, 1], [], []>, transpose_lhs_hint = false} : vector<1x1024xf32>, vector<1024x1024xf32>, vector<1x1024xf32> -> vector<1x1024xf32>
      %gt3A_810 = arith.constant 0.000000e+00 : f32
      %gt3A_811 = vector.broadcast %gt3A_810 : f32 to vector<1x1024xf32>
      %gt3A_812 = arith.cmpf ogt, %convert_element_type3A_807, %gt3A_811 : vector<1x1024xf32>
      %sub3A_813 = arith.subf %dot_general3A_809, %convert_element_type3A_807 : vector<1x1024xf32>
      %jit3A_814 = arith.constant -1.000000e+00 : f32
      %broadcast_in_dim3A_815 = vector.broadcast %jit3A_814 : f32 to vector<1x1024xf32>
      %select_n3A_816 = arith.select %gt3A_812, %sub3A_813, %broadcast_in_dim3A_815 : vector<1x1024xi1>, vector<1x1024xf32>
      %eq3A_817 = vector.broadcast %select_n3A_816 : vector<1x1024xf32> to vector<64x1024xf32>
      %eq3A_818 = vector.broadcast %convert_element_type3A_36 : vector<64x1xf32> to vector<64x1024xf32>
      %eq3A_819 = arith.cmpf oeq, %eq3A_817, %eq3A_818 : vector<64x1024xf32>
      %convert_element_type3A_820 = arith.extui %eq3A_819 : vector<64x1024xi1> to vector<64x1024xi32>
      %convert_element_type3A_821 = arith.sitofp %convert_element_type3A_820 : vector<64x1024xi32> to vector<64x1024xf32>
      %reduce_sum3A_822 = arith.constant dense<0.000000e+00> : vector<64xf32>
      %reduce_sum3A_823 = vector.multi_reduction <add>, %convert_element_type3A_821, %reduce_sum3A_822 [1] : vector<64x1024xf32> to vector<64xf32>
      %broadcast_in_dim3A_824 = vector.shape_cast %reduce_sum3A_823 : vector<64xf32> to vector<64x1xf32>
      %mul3A_825 = vector.broadcast %get3A_802 : vector<1x1024xf32> to vector<64x1024xf32>
      %mul3A_826 = arith.mulf %convert_element_type3A_821, %mul3A_825 : vector<64x1024xf32>
      %reduce_sum3A_827 = arith.constant dense<0.000000e+00> : vector<64xf32>
      %reduce_sum3A_828 = vector.multi_reduction <add>, %mul3A_826, %reduce_sum3A_827 [1] : vector<64x1024xf32> to vector<64xf32>
      %broadcast_in_dim3A_829 = vector.shape_cast %reduce_sum3A_828 : vector<64xf32> to vector<64x1xf32>
      %mul3A_830 = vector.broadcast %convert_element_type3A_38 : vector<1x1024xf32> to vector<64x1024xf32>
      %mul3A_831 = arith.mulf %convert_element_type3A_821, %mul3A_830 : vector<64x1024xf32>
      %reduce_sum3A_832 = arith.constant dense<0.000000e+00> : vector<64xf32>
      %reduce_sum3A_833 = vector.multi_reduction <add>, %mul3A_831, %reduce_sum3A_832 [1] : vector<64x1024xf32> to vector<64xf32>
      %broadcast_in_dim3A_834 = vector.shape_cast %reduce_sum3A_833 : vector<64xf32> to vector<64x1xf32>
      %add3A_835 = arith.addf %broadcast_in_dim3A_829, %broadcast_in_dim3A_824 : vector<64x1xf32>
      %sub3A_836 = arith.constant 1.000000e+00 : f32
      %sub3A_837 = vector.broadcast %sub3A_836 : f32 to vector<64x1xf32>
      %sub3A_838 = arith.subf %add3A_835, %sub3A_837 : vector<64x1xf32>
      %swap3A_839 = arith.constant 960 : index
      %swap3A_840 = arith.constant 0 : index
      %swap3A_841 = vector.load %arg6[%swap3A_839, %swap3A_840] : memref<2048x1xf32, #tpu.memory_space<vmem>>, vector<64x1xf32>
      tpu.vector_store %arg6[%swap3A_839, %swap3A_840], %sub3A_838 {strides = array<i32>} : memref<2048x1xf32, #tpu.memory_space<vmem>>, vector<64x1xf32>,
      %mul3A_842 = arith.constant 1.536000e+04 : f32
      %mul3A_843 = vector.broadcast %mul3A_842 : f32 to vector<64x1xf32>
      %mul3A_844 = arith.mulf %mul3A_843, %broadcast_in_dim3A_824 : vector<64x1xf32>
      %add3A_845 = arith.addf %broadcast_in_dim3A_834, %mul3A_844 : vector<64x1xf32>
      %swap3A_846 = arith.constant 960 : index
      %swap3A_847 = arith.constant 0 : index
      %swap3A_848 = vector.load %arg7[%swap3A_846, %swap3A_847] : memref<2048x1xf32, #tpu.memory_space<vmem>>, vector<64x1xf32>
      tpu.vector_store %arg7[%swap3A_846, %swap3A_847], %add3A_845 {strides = array<i32>} : memref<2048x1xf32, #tpu.memory_space<vmem>>, vector<64x1xf32>,
      %get3A_849 = arith.constant 16 : index
      %get3A_850 = arith.constant 0 : index
      %get3A_851 = arith.constant 0 : index
      %get3A_852 = vector.load %arg5[%get3A_849, %get3A_850, %get3A_851] : memref<32x1x1024xf32, #tpu.memory_space<vmem>>, vector<1x1x1024xf32>
      %get3A_853 = vector.shape_cast %get3A_852 : vector<1x1x1024xf32> to vector<1x1024xf32>
      %bitcast_convert_type3A_854 = tpu.bitcast %get3A_853 : vector<1x1024xf32> -> vector<1x1024xi32>
      %ge3A_855 = vector.broadcast %scan3A_30 : i32 to vector<1x1024xi32>
      %ge3A_856 = arith.cmpi sge, %bitcast_convert_type3A_854, %ge3A_855 : vector<1x1024xi32>
      %convert_element_type3A_857 = arith.extui %ge3A_856 : vector<1x1024xi1> to vector<1x1024xi32>
      %convert_element_type3A_858 = arith.sitofp %convert_element_type3A_857 : vector<1x1024xi32> to vector<1x1024xf32>
      %dot_general3A_859 = arith.constant dense<0.000000e+00> : vector<1x1024xf32>
      %dot_general3A_860 = tpu.matmul %convert_element_type3A_858, %convert_element_type3A_34, %dot_general3A_859 {dimension_numbers = #tpu.dot_dimension_numbers<[1], [0], [0], [1], [0, 0, 1, 1], [], []>, transpose_lhs_hint = false} : vector<1x1024xf32>, vector<1024x1024xf32>, vector<1x1024xf32> -> vector<1x1024xf32>
      %gt3A_861 = arith.constant 0.000000e+00 : f32
      %gt3A_862 = vector.broadcast %gt3A_861 : f32 to vector<1x1024xf32>
      %gt3A_863 = arith.cmpf ogt, %convert_element_type3A_858, %gt3A_862 : vector<1x1024xf32>
      %sub3A_864 = arith.subf %dot_general3A_860, %convert_element_type3A_858 : vector<1x1024xf32>
      %jit3A_865 = arith.constant -1.000000e+00 : f32
      %broadcast_in_dim3A_866 = vector.broadcast %jit3A_865 : f32 to vector<1x1024xf32>
      %select_n3A_867 = arith.select %gt3A_863, %sub3A_864, %broadcast_in_dim3A_866 : vector<1x1024xi1>, vector<1x1024xf32>
      %eq3A_868 = vector.broadcast %select_n3A_867 : vector<1x1024xf32> to vector<64x1024xf32>
      %eq3A_869 = vector.broadcast %convert_element_type3A_36 : vector<64x1xf32> to vector<64x1024xf32>
      %eq3A_870 = arith.cmpf oeq, %eq3A_868, %eq3A_869 : vector<64x1024xf32>
      %convert_element_type3A_871 = arith.extui %eq3A_870 : vector<64x1024xi1> to vector<64x1024xi32>
      %convert_element_type3A_872 = arith.sitofp %convert_element_type3A_871 : vector<64x1024xi32> to vector<64x1024xf32>
      %reduce_sum3A_873 = arith.constant dense<0.000000e+00> : vector<64xf32>
      %reduce_sum3A_874 = vector.multi_reduction <add>, %convert_element_type3A_872, %reduce_sum3A_873 [1] : vector<64x1024xf32> to vector<64xf32>
      %broadcast_in_dim3A_875 = vector.shape_cast %reduce_sum3A_874 : vector<64xf32> to vector<64x1xf32>
      %mul3A_876 = vector.broadcast %get3A_853 : vector<1x1024xf32> to vector<64x1024xf32>
      %mul3A_877 = arith.mulf %convert_element_type3A_872, %mul3A_876 : vector<64x1024xf32>
      %reduce_sum3A_878 = arith.constant dense<0.000000e+00> : vector<64xf32>
      %reduce_sum3A_879 = vector.multi_reduction <add>, %mul3A_877, %reduce_sum3A_878 [1] : vector<64x1024xf32> to vector<64xf32>
      %broadcast_in_dim3A_880 = vector.shape_cast %reduce_sum3A_879 : vector<64xf32> to vector<64x1xf32>
      %mul3A_881 = vector.broadcast %convert_element_type3A_38 : vector<1x1024xf32> to vector<64x1024xf32>
      %mul3A_882 = arith.mulf %convert_element_type3A_872, %mul3A_881 : vector<64x1024xf32>
      %reduce_sum3A_883 = arith.constant dense<0.000000e+00> : vector<64xf32>
      %reduce_sum3A_884 = vector.multi_reduction <add>, %mul3A_882, %reduce_sum3A_883 [1] : vector<64x1024xf32> to vector<64xf32>
      %broadcast_in_dim3A_885 = vector.shape_cast %reduce_sum3A_884 : vector<64xf32> to vector<64x1xf32>
      %add3A_886 = arith.addf %broadcast_in_dim3A_880, %broadcast_in_dim3A_875 : vector<64x1xf32>
      %sub3A_887 = arith.constant 1.000000e+00 : f32
      %sub3A_888 = vector.broadcast %sub3A_887 : f32 to vector<64x1xf32>
      %sub3A_889 = arith.subf %add3A_886, %sub3A_888 : vector<64x1xf32>
      %swap3A_890 = arith.constant 1024 : index
      %swap3A_891 = arith.constant 0 : index
      %swap3A_892 = vector.load %arg6[%swap3A_890, %swap3A_891] : memref<2048x1xf32, #tpu.memory_space<vmem>>, vector<64x1xf32>
      tpu.vector_store %arg6[%swap3A_890, %swap3A_891], %sub3A_889 {strides = array<i32>} : memref<2048x1xf32, #tpu.memory_space<vmem>>, vector<64x1xf32>,
      %mul3A_893 = arith.constant 1.638400e+04 : f32
      %mul3A_894 = vector.broadcast %mul3A_893 : f32 to vector<64x1xf32>
      %mul3A_895 = arith.mulf %mul3A_894, %broadcast_in_dim3A_875 : vector<64x1xf32>
      %add3A_896 = arith.addf %broadcast_in_dim3A_885, %mul3A_895 : vector<64x1xf32>
      %swap3A_897 = arith.constant 1024 : index
      %swap3A_898 = arith.constant 0 : index
      %swap3A_899 = vector.load %arg7[%swap3A_897, %swap3A_898] : memref<2048x1xf32, #tpu.memory_space<vmem>>, vector<64x1xf32>
      tpu.vector_store %arg7[%swap3A_897, %swap3A_898], %add3A_896 {strides = array<i32>} : memref<2048x1xf32, #tpu.memory_space<vmem>>, vector<64x1xf32>,
      %get3A_900 = arith.constant 17 : index
      %get3A_901 = arith.constant 0 : index
      %get3A_902 = arith.constant 0 : index
      %get3A_903 = vector.load %arg5[%get3A_900, %get3A_901, %get3A_902] : memref<32x1x1024xf32, #tpu.memory_space<vmem>>, vector<1x1x1024xf32>
      %get3A_904 = vector.shape_cast %get3A_903 : vector<1x1x1024xf32> to vector<1x1024xf32>
      %bitcast_convert_type3A_905 = tpu.bitcast %get3A_904 : vector<1x1024xf32> -> vector<1x1024xi32>
      %ge3A_906 = vector.broadcast %scan3A_30 : i32 to vector<1x1024xi32>
      %ge3A_907 = arith.cmpi sge, %bitcast_convert_type3A_905, %ge3A_906 : vector<1x1024xi32>
      %convert_element_type3A_908 = arith.extui %ge3A_907 : vector<1x1024xi1> to vector<1x1024xi32>
      %convert_element_type3A_909 = arith.sitofp %convert_element_type3A_908 : vector<1x1024xi32> to vector<1x1024xf32>
      %dot_general3A_910 = arith.constant dense<0.000000e+00> : vector<1x1024xf32>
      %dot_general3A_911 = tpu.matmul %convert_element_type3A_909, %convert_element_type3A_34, %dot_general3A_910 {dimension_numbers = #tpu.dot_dimension_numbers<[1], [0], [0], [1], [0, 0, 1, 1], [], []>, transpose_lhs_hint = false} : vector<1x1024xf32>, vector<1024x1024xf32>, vector<1x1024xf32> -> vector<1x1024xf32>
      %gt3A_912 = arith.constant 0.000000e+00 : f32
      %gt3A_913 = vector.broadcast %gt3A_912 : f32 to vector<1x1024xf32>
      %gt3A_914 = arith.cmpf ogt, %convert_element_type3A_909, %gt3A_913 : vector<1x1024xf32>
      %sub3A_915 = arith.subf %dot_general3A_911, %convert_element_type3A_909 : vector<1x1024xf32>
      %jit3A_916 = arith.constant -1.000000e+00 : f32
      %broadcast_in_dim3A_917 = vector.broadcast %jit3A_916 : f32 to vector<1x1024xf32>
      %select_n3A_918 = arith.select %gt3A_914, %sub3A_915, %broadcast_in_dim3A_917 : vector<1x1024xi1>, vector<1x1024xf32>
      %eq3A_919 = vector.broadcast %select_n3A_918 : vector<1x1024xf32> to vector<64x1024xf32>
      %eq3A_920 = vector.broadcast %convert_element_type3A_36 : vector<64x1xf32> to vector<64x1024xf32>
      %eq3A_921 = arith.cmpf oeq, %eq3A_919, %eq3A_920 : vector<64x1024xf32>
      %convert_element_type3A_922 = arith.extui %eq3A_921 : vector<64x1024xi1> to vector<64x1024xi32>
      %convert_element_type3A_923 = arith.sitofp %convert_element_type3A_922 : vector<64x1024xi32> to vector<64x1024xf32>
      %reduce_sum3A_924 = arith.constant dense<0.000000e+00> : vector<64xf32>
      %reduce_sum3A_925 = vector.multi_reduction <add>, %convert_element_type3A_923, %reduce_sum3A_924 [1] : vector<64x1024xf32> to vector<64xf32>
      %broadcast_in_dim3A_926 = vector.shape_cast %reduce_sum3A_925 : vector<64xf32> to vector<64x1xf32>
      %mul3A_927 = vector.broadcast %get3A_904 : vector<1x1024xf32> to vector<64x1024xf32>
      %mul3A_928 = arith.mulf %convert_element_type3A_923, %mul3A_927 : vector<64x1024xf32>
      %reduce_sum3A_929 = arith.constant dense<0.000000e+00> : vector<64xf32>
      %reduce_sum3A_930 = vector.multi_reduction <add>, %mul3A_928, %reduce_sum3A_929 [1] : vector<64x1024xf32> to vector<64xf32>
      %broadcast_in_dim3A_931 = vector.shape_cast %reduce_sum3A_930 : vector<64xf32> to vector<64x1xf32>
      %mul3A_932 = vector.broadcast %convert_element_type3A_38 : vector<1x1024xf32> to vector<64x1024xf32>
      %mul3A_933 = arith.mulf %convert_element_type3A_923, %mul3A_932 : vector<64x1024xf32>
      %reduce_sum3A_934 = arith.constant dense<0.000000e+00> : vector<64xf32>
      %reduce_sum3A_935 = vector.multi_reduction <add>, %mul3A_933, %reduce_sum3A_934 [1] : vector<64x1024xf32> to vector<64xf32>
      %broadcast_in_dim3A_936 = vector.shape_cast %reduce_sum3A_935 : vector<64xf32> to vector<64x1xf32>
      %add3A_937 = arith.addf %broadcast_in_dim3A_931, %broadcast_in_dim3A_926 : vector<64x1xf32>
      %sub3A_938 = arith.constant 1.000000e+00 : f32
      %sub3A_939 = vector.broadcast %sub3A_938 : f32 to vector<64x1xf32>
      %sub3A_940 = arith.subf %add3A_937, %sub3A_939 : vector<64x1xf32>
      %swap3A_941 = arith.constant 1088 : index
      %swap3A_942 = arith.constant 0 : index
      %swap3A_943 = vector.load %arg6[%swap3A_941, %swap3A_942] : memref<2048x1xf32, #tpu.memory_space<vmem>>, vector<64x1xf32>
      tpu.vector_store %arg6[%swap3A_941, %swap3A_942], %sub3A_940 {strides = array<i32>} : memref<2048x1xf32, #tpu.memory_space<vmem>>, vector<64x1xf32>,
      %mul3A_944 = arith.constant 1.740800e+04 : f32
      %mul3A_945 = vector.broadcast %mul3A_944 : f32 to vector<64x1xf32>
      %mul3A_946 = arith.mulf %mul3A_945, %broadcast_in_dim3A_926 : vector<64x1xf32>
      %add3A_947 = arith.addf %broadcast_in_dim3A_936, %mul3A_946 : vector<64x1xf32>
      %swap3A_948 = arith.constant 1088 : index
      %swap3A_949 = arith.constant 0 : index
      %swap3A_950 = vector.load %arg7[%swap3A_948, %swap3A_949] : memref<2048x1xf32, #tpu.memory_space<vmem>>, vector<64x1xf32>
      tpu.vector_store %arg7[%swap3A_948, %swap3A_949], %add3A_947 {strides = array<i32>} : memref<2048x1xf32, #tpu.memory_space<vmem>>, vector<64x1xf32>,
      %get3A_951 = arith.constant 18 : index
      %get3A_952 = arith.constant 0 : index
      %get3A_953 = arith.constant 0 : index
      %get3A_954 = vector.load %arg5[%get3A_951, %get3A_952, %get3A_953] : memref<32x1x1024xf32, #tpu.memory_space<vmem>>, vector<1x1x1024xf32>
      %get3A_955 = vector.shape_cast %get3A_954 : vector<1x1x1024xf32> to vector<1x1024xf32>
      %bitcast_convert_type3A_956 = tpu.bitcast %get3A_955 : vector<1x1024xf32> -> vector<1x1024xi32>
      %ge3A_957 = vector.broadcast %scan3A_30 : i32 to vector<1x1024xi32>
      %ge3A_958 = arith.cmpi sge, %bitcast_convert_type3A_956, %ge3A_957 : vector<1x1024xi32>
      %convert_element_type3A_959 = arith.extui %ge3A_958 : vector<1x1024xi1> to vector<1x1024xi32>
      %convert_element_type3A_960 = arith.sitofp %convert_element_type3A_959 : vector<1x1024xi32> to vector<1x1024xf32>
      %dot_general3A_961 = arith.constant dense<0.000000e+00> : vector<1x1024xf32>
      %dot_general3A_962 = tpu.matmul %convert_element_type3A_960, %convert_element_type3A_34, %dot_general3A_961 {dimension_numbers = #tpu.dot_dimension_numbers<[1], [0], [0], [1], [0, 0, 1, 1], [], []>, transpose_lhs_hint = false} : vector<1x1024xf32>, vector<1024x1024xf32>, vector<1x1024xf32> -> vector<1x1024xf32>
      %gt3A_963 = arith.constant 0.000000e+00 : f32
      %gt3A_964 = vector.broadcast %gt3A_963 : f32 to vector<1x1024xf32>
      %gt3A_965 = arith.cmpf ogt, %convert_element_type3A_960, %gt3A_964 : vector<1x1024xf32>
      %sub3A_966 = arith.subf %dot_general3A_962, %convert_element_type3A_960 : vector<1x1024xf32>
      %jit3A_967 = arith.constant -1.000000e+00 : f32
      %broadcast_in_dim3A_968 = vector.broadcast %jit3A_967 : f32 to vector<1x1024xf32>
      %select_n3A_969 = arith.select %gt3A_965, %sub3A_966, %broadcast_in_dim3A_968 : vector<1x1024xi1>, vector<1x1024xf32>
      %eq3A_970 = vector.broadcast %select_n3A_969 : vector<1x1024xf32> to vector<64x1024xf32>
      %eq3A_971 = vector.broadcast %convert_element_type3A_36 : vector<64x1xf32> to vector<64x1024xf32>
      %eq3A_972 = arith.cmpf oeq, %eq3A_970, %eq3A_971 : vector<64x1024xf32>
      %convert_element_type3A_973 = arith.extui %eq3A_972 : vector<64x1024xi1> to vector<64x1024xi32>
      %convert_element_type3A_974 = arith.sitofp %convert_element_type3A_973 : vector<64x1024xi32> to vector<64x1024xf32>
      %reduce_sum3A_975 = arith.constant dense<0.000000e+00> : vector<64xf32>
      %reduce_sum3A_976 = vector.multi_reduction <add>, %convert_element_type3A_974, %reduce_sum3A_975 [1] : vector<64x1024xf32> to vector<64xf32>
      %broadcast_in_dim3A_977 = vector.shape_cast %reduce_sum3A_976 : vector<64xf32> to vector<64x1xf32>
      %mul3A_978 = vector.broadcast %get3A_955 : vector<1x1024xf32> to vector<64x1024xf32>
      %mul3A_979 = arith.mulf %convert_element_type3A_974, %mul3A_978 : vector<64x1024xf32>
      %reduce_sum3A_980 = arith.constant dense<0.000000e+00> : vector<64xf32>
      %reduce_sum3A_981 = vector.multi_reduction <add>, %mul3A_979, %reduce_sum3A_980 [1] : vector<64x1024xf32> to vector<64xf32>
      %broadcast_in_dim3A_982 = vector.shape_cast %reduce_sum3A_981 : vector<64xf32> to vector<64x1xf32>
      %mul3A_983 = vector.broadcast %convert_element_type3A_38 : vector<1x1024xf32> to vector<64x1024xf32>
      %mul3A_984 = arith.mulf %convert_element_type3A_974, %mul3A_983 : vector<64x1024xf32>
      %reduce_sum3A_985 = arith.constant dense<0.000000e+00> : vector<64xf32>
      %reduce_sum3A_986 = vector.multi_reduction <add>, %mul3A_984, %reduce_sum3A_985 [1] : vector<64x1024xf32> to vector<64xf32>
      %broadcast_in_dim3A_987 = vector.shape_cast %reduce_sum3A_986 : vector<64xf32> to vector<64x1xf32>
      %add3A_988 = arith.addf %broadcast_in_dim3A_982, %broadcast_in_dim3A_977 : vector<64x1xf32>
      %sub3A_989 = arith.constant 1.000000e+00 : f32
      %sub3A_990 = vector.broadcast %sub3A_989 : f32 to vector<64x1xf32>
      %sub3A_991 = arith.subf %add3A_988, %sub3A_990 : vector<64x1xf32>
      %swap3A_992 = arith.constant 1152 : index
      %swap3A_993 = arith.constant 0 : index
      %swap3A_994 = vector.load %arg6[%swap3A_992, %swap3A_993] : memref<2048x1xf32, #tpu.memory_space<vmem>>, vector<64x1xf32>
      tpu.vector_store %arg6[%swap3A_992, %swap3A_993], %sub3A_991 {strides = array<i32>} : memref<2048x1xf32, #tpu.memory_space<vmem>>, vector<64x1xf32>,
      %mul3A_995 = arith.constant 1.843200e+04 : f32
      %mul3A_996 = vector.broadcast %mul3A_995 : f32 to vector<64x1xf32>
      %mul3A_997 = arith.mulf %mul3A_996, %broadcast_in_dim3A_977 : vector<64x1xf32>
      %add3A_998 = arith.addf %broadcast_in_dim3A_987, %mul3A_997 : vector<64x1xf32>
      %swap3A_999 = arith.constant 1152 : index
      %swap3A_1000 = arith.constant 0 : index
      %swap3A_1001 = vector.load %arg7[%swap3A_999, %swap3A_1000] : memref<2048x1xf32, #tpu.memory_space<vmem>>, vector<64x1xf32>
      tpu.vector_store %arg7[%swap3A_999, %swap3A_1000], %add3A_998 {strides = array<i32>} : memref<2048x1xf32, #tpu.memory_space<vmem>>, vector<64x1xf32>,
      %get3A_1002 = arith.constant 19 : index
      %get3A_1003 = arith.constant 0 : index
      %get3A_1004 = arith.constant 0 : index
      %get3A_1005 = vector.load %arg5[%get3A_1002, %get3A_1003, %get3A_1004] : memref<32x1x1024xf32, #tpu.memory_space<vmem>>, vector<1x1x1024xf32>
      %get3A_1006 = vector.shape_cast %get3A_1005 : vector<1x1x1024xf32> to vector<1x1024xf32>
      %bitcast_convert_type3A_1007 = tpu.bitcast %get3A_1006 : vector<1x1024xf32> -> vector<1x1024xi32>
      %ge3A_1008 = vector.broadcast %scan3A_30 : i32 to vector<1x1024xi32>
      %ge3A_1009 = arith.cmpi sge, %bitcast_convert_type3A_1007, %ge3A_1008 : vector<1x1024xi32>
      %convert_element_type3A_1010 = arith.extui %ge3A_1009 : vector<1x1024xi1> to vector<1x1024xi32>
      %convert_element_type3A_1011 = arith.sitofp %convert_element_type3A_1010 : vector<1x1024xi32> to vector<1x1024xf32>
      %dot_general3A_1012 = arith.constant dense<0.000000e+00> : vector<1x1024xf32>
      %dot_general3A_1013 = tpu.matmul %convert_element_type3A_1011, %convert_element_type3A_34, %dot_general3A_1012 {dimension_numbers = #tpu.dot_dimension_numbers<[1], [0], [0], [1], [0, 0, 1, 1], [], []>, transpose_lhs_hint = false} : vector<1x1024xf32>, vector<1024x1024xf32>, vector<1x1024xf32> -> vector<1x1024xf32>
      %gt3A_1014 = arith.constant 0.000000e+00 : f32
      %gt3A_1015 = vector.broadcast %gt3A_1014 : f32 to vector<1x1024xf32>
      %gt3A_1016 = arith.cmpf ogt, %convert_element_type3A_1011, %gt3A_1015 : vector<1x1024xf32>
      %sub3A_1017 = arith.subf %dot_general3A_1013, %convert_element_type3A_1011 : vector<1x1024xf32>
      %jit3A_1018 = arith.constant -1.000000e+00 : f32
      %broadcast_in_dim3A_1019 = vector.broadcast %jit3A_1018 : f32 to vector<1x1024xf32>
      %select_n3A_1020 = arith.select %gt3A_1016, %sub3A_1017, %broadcast_in_dim3A_1019 : vector<1x1024xi1>, vector<1x1024xf32>
      %eq3A_1021 = vector.broadcast %select_n3A_1020 : vector<1x1024xf32> to vector<64x1024xf32>
      %eq3A_1022 = vector.broadcast %convert_element_type3A_36 : vector<64x1xf32> to vector<64x1024xf32>
      %eq3A_1023 = arith.cmpf oeq, %eq3A_1021, %eq3A_1022 : vector<64x1024xf32>
      %convert_element_type3A_1024 = arith.extui %eq3A_1023 : vector<64x1024xi1> to vector<64x1024xi32>
      %convert_element_type3A_1025 = arith.sitofp %convert_element_type3A_1024 : vector<64x1024xi32> to vector<64x1024xf32>
      %reduce_sum3A_1026 = arith.constant dense<0.000000e+00> : vector<64xf32>
      %reduce_sum3A_1027 = vector.multi_reduction <add>, %convert_element_type3A_1025, %reduce_sum3A_1026 [1] : vector<64x1024xf32> to vector<64xf32>
      %broadcast_in_dim3A_1028 = vector.shape_cast %reduce_sum3A_1027 : vector<64xf32> to vector<64x1xf32>
      %mul3A_1029 = vector.broadcast %get3A_1006 : vector<1x1024xf32> to vector<64x1024xf32>
      %mul3A_1030 = arith.mulf %convert_element_type3A_1025, %mul3A_1029 : vector<64x1024xf32>
      %reduce_sum3A_1031 = arith.constant dense<0.000000e+00> : vector<64xf32>
      %reduce_sum3A_1032 = vector.multi_reduction <add>, %mul3A_1030, %reduce_sum3A_1031 [1] : vector<64x1024xf32> to vector<64xf32>
      %broadcast_in_dim3A_1033 = vector.shape_cast %reduce_sum3A_1032 : vector<64xf32> to vector<64x1xf32>
      %mul3A_1034 = vector.broadcast %convert_element_type3A_38 : vector<1x1024xf32> to vector<64x1024xf32>
      %mul3A_1035 = arith.mulf %convert_element_type3A_1025, %mul3A_1034 : vector<64x1024xf32>
      %reduce_sum3A_1036 = arith.constant dense<0.000000e+00> : vector<64xf32>
      %reduce_sum3A_1037 = vector.multi_reduction <add>, %mul3A_1035, %reduce_sum3A_1036 [1] : vector<64x1024xf32> to vector<64xf32>
      %broadcast_in_dim3A_1038 = vector.shape_cast %reduce_sum3A_1037 : vector<64xf32> to vector<64x1xf32>
      %add3A_1039 = arith.addf %broadcast_in_dim3A_1033, %broadcast_in_dim3A_1028 : vector<64x1xf32>
      %sub3A_1040 = arith.constant 1.000000e+00 : f32
      %sub3A_1041 = vector.broadcast %sub3A_1040 : f32 to vector<64x1xf32>
      %sub3A_1042 = arith.subf %add3A_1039, %sub3A_1041 : vector<64x1xf32>
      %swap3A_1043 = arith.constant 1216 : index
      %swap3A_1044 = arith.constant 0 : index
      %swap3A_1045 = vector.load %arg6[%swap3A_1043, %swap3A_1044] : memref<2048x1xf32, #tpu.memory_space<vmem>>, vector<64x1xf32>
      tpu.vector_store %arg6[%swap3A_1043, %swap3A_1044], %sub3A_1042 {strides = array<i32>} : memref<2048x1xf32, #tpu.memory_space<vmem>>, vector<64x1xf32>,
      %mul3A_1046 = arith.constant 1.945600e+04 : f32
      %mul3A_1047 = vector.broadcast %mul3A_1046 : f32 to vector<64x1xf32>
      %mul3A_1048 = arith.mulf %mul3A_1047, %broadcast_in_dim3A_1028 : vector<64x1xf32>
      %add3A_1049 = arith.addf %broadcast_in_dim3A_1038, %mul3A_1048 : vector<64x1xf32>
      %swap3A_1050 = arith.constant 1216 : index
      %swap3A_1051 = arith.constant 0 : index
      %swap3A_1052 = vector.load %arg7[%swap3A_1050, %swap3A_1051] : memref<2048x1xf32, #tpu.memory_space<vmem>>, vector<64x1xf32>
      tpu.vector_store %arg7[%swap3A_1050, %swap3A_1051], %add3A_1049 {strides = array<i32>} : memref<2048x1xf32, #tpu.memory_space<vmem>>, vector<64x1xf32>,
      %get3A_1053 = arith.constant 20 : index
      %get3A_1054 = arith.constant 0 : index
      %get3A_1055 = arith.constant 0 : index
      %get3A_1056 = vector.load %arg5[%get3A_1053, %get3A_1054, %get3A_1055] : memref<32x1x1024xf32, #tpu.memory_space<vmem>>, vector<1x1x1024xf32>
      %get3A_1057 = vector.shape_cast %get3A_1056 : vector<1x1x1024xf32> to vector<1x1024xf32>
      %bitcast_convert_type3A_1058 = tpu.bitcast %get3A_1057 : vector<1x1024xf32> -> vector<1x1024xi32>
      %ge3A_1059 = vector.broadcast %scan3A_30 : i32 to vector<1x1024xi32>
      %ge3A_1060 = arith.cmpi sge, %bitcast_convert_type3A_1058, %ge3A_1059 : vector<1x1024xi32>
      %convert_element_type3A_1061 = arith.extui %ge3A_1060 : vector<1x1024xi1> to vector<1x1024xi32>
      %convert_element_type3A_1062 = arith.sitofp %convert_element_type3A_1061 : vector<1x1024xi32> to vector<1x1024xf32>
      %dot_general3A_1063 = arith.constant dense<0.000000e+00> : vector<1x1024xf32>
      %dot_general3A_1064 = tpu.matmul %convert_element_type3A_1062, %convert_element_type3A_34, %dot_general3A_1063 {dimension_numbers = #tpu.dot_dimension_numbers<[1], [0], [0], [1], [0, 0, 1, 1], [], []>, transpose_lhs_hint = false} : vector<1x1024xf32>, vector<1024x1024xf32>, vector<1x1024xf32> -> vector<1x1024xf32>
      %gt3A_1065 = arith.constant 0.000000e+00 : f32
      %gt3A_1066 = vector.broadcast %gt3A_1065 : f32 to vector<1x1024xf32>
      %gt3A_1067 = arith.cmpf ogt, %convert_element_type3A_1062, %gt3A_1066 : vector<1x1024xf32>
      %sub3A_1068 = arith.subf %dot_general3A_1064, %convert_element_type3A_1062 : vector<1x1024xf32>
      %jit3A_1069 = arith.constant -1.000000e+00 : f32
      %broadcast_in_dim3A_1070 = vector.broadcast %jit3A_1069 : f32 to vector<1x1024xf32>
      %select_n3A_1071 = arith.select %gt3A_1067, %sub3A_1068, %broadcast_in_dim3A_1070 : vector<1x1024xi1>, vector<1x1024xf32>
      %eq3A_1072 = vector.broadcast %select_n3A_1071 : vector<1x1024xf32> to vector<64x1024xf32>
      %eq3A_1073 = vector.broadcast %convert_element_type3A_36 : vector<64x1xf32> to vector<64x1024xf32>
      %eq3A_1074 = arith.cmpf oeq, %eq3A_1072, %eq3A_1073 : vector<64x1024xf32>
      %convert_element_type3A_1075 = arith.extui %eq3A_1074 : vector<64x1024xi1> to vector<64x1024xi32>
      %convert_element_type3A_1076 = arith.sitofp %convert_element_type3A_1075 : vector<64x1024xi32> to vector<64x1024xf32>
      %reduce_sum3A_1077 = arith.constant dense<0.000000e+00> : vector<64xf32>
      %reduce_sum3A_1078 = vector.multi_reduction <add>, %convert_element_type3A_1076, %reduce_sum3A_1077 [1] : vector<64x1024xf32> to vector<64xf32>
      %broadcast_in_dim3A_1079 = vector.shape_cast %reduce_sum3A_1078 : vector<64xf32> to vector<64x1xf32>
      %mul3A_1080 = vector.broadcast %get3A_1057 : vector<1x1024xf32> to vector<64x1024xf32>
      %mul3A_1081 = arith.mulf %convert_element_type3A_1076, %mul3A_1080 : vector<64x1024xf32>
      %reduce_sum3A_1082 = arith.constant dense<0.000000e+00> : vector<64xf32>
      %reduce_sum3A_1083 = vector.multi_reduction <add>, %mul3A_1081, %reduce_sum3A_1082 [1] : vector<64x1024xf32> to vector<64xf32>
      %broadcast_in_dim3A_1084 = vector.shape_cast %reduce_sum3A_1083 : vector<64xf32> to vector<64x1xf32>
      %mul3A_1085 = vector.broadcast %convert_element_type3A_38 : vector<1x1024xf32> to vector<64x1024xf32>
      %mul3A_1086 = arith.mulf %convert_element_type3A_1076, %mul3A_1085 : vector<64x1024xf32>
      %reduce_sum3A_1087 = arith.constant dense<0.000000e+00> : vector<64xf32>
      %reduce_sum3A_1088 = vector.multi_reduction <add>, %mul3A_1086, %reduce_sum3A_1087 [1] : vector<64x1024xf32> to vector<64xf32>
      %broadcast_in_dim3A_1089 = vector.shape_cast %reduce_sum3A_1088 : vector<64xf32> to vector<64x1xf32>
      %add3A_1090 = arith.addf %broadcast_in_dim3A_1084, %broadcast_in_dim3A_1079 : vector<64x1xf32>
      %sub3A_1091 = arith.constant 1.000000e+00 : f32
      %sub3A_1092 = vector.broadcast %sub3A_1091 : f32 to vector<64x1xf32>
      %sub3A_1093 = arith.subf %add3A_1090, %sub3A_1092 : vector<64x1xf32>
      %swap3A_1094 = arith.constant 1280 : index
      %swap3A_1095 = arith.constant 0 : index
      %swap3A_1096 = vector.load %arg6[%swap3A_1094, %swap3A_1095] : memref<2048x1xf32, #tpu.memory_space<vmem>>, vector<64x1xf32>
      tpu.vector_store %arg6[%swap3A_1094, %swap3A_1095], %sub3A_1093 {strides = array<i32>} : memref<2048x1xf32, #tpu.memory_space<vmem>>, vector<64x1xf32>,
      %mul3A_1097 = arith.constant 2.048000e+04 : f32
      %mul3A_1098 = vector.broadcast %mul3A_1097 : f32 to vector<64x1xf32>
      %mul3A_1099 = arith.mulf %mul3A_1098, %broadcast_in_dim3A_1079 : vector<64x1xf32>
      %add3A_1100 = arith.addf %broadcast_in_dim3A_1089, %mul3A_1099 : vector<64x1xf32>
      %swap3A_1101 = arith.constant 1280 : index
      %swap3A_1102 = arith.constant 0 : index
      %swap3A_1103 = vector.load %arg7[%swap3A_1101, %swap3A_1102] : memref<2048x1xf32, #tpu.memory_space<vmem>>, vector<64x1xf32>
      tpu.vector_store %arg7[%swap3A_1101, %swap3A_1102], %add3A_1100 {strides = array<i32>} : memref<2048x1xf32, #tpu.memory_space<vmem>>, vector<64x1xf32>,
      %get3A_1104 = arith.constant 21 : index
      %get3A_1105 = arith.constant 0 : index
      %get3A_1106 = arith.constant 0 : index
      %get3A_1107 = vector.load %arg5[%get3A_1104, %get3A_1105, %get3A_1106] : memref<32x1x1024xf32, #tpu.memory_space<vmem>>, vector<1x1x1024xf32>
      %get3A_1108 = vector.shape_cast %get3A_1107 : vector<1x1x1024xf32> to vector<1x1024xf32>
      %bitcast_convert_type3A_1109 = tpu.bitcast %get3A_1108 : vector<1x1024xf32> -> vector<1x1024xi32>
      %ge3A_1110 = vector.broadcast %scan3A_30 : i32 to vector<1x1024xi32>
      %ge3A_1111 = arith.cmpi sge, %bitcast_convert_type3A_1109, %ge3A_1110 : vector<1x1024xi32>
      %convert_element_type3A_1112 = arith.extui %ge3A_1111 : vector<1x1024xi1> to vector<1x1024xi32>
      %convert_element_type3A_1113 = arith.sitofp %convert_element_type3A_1112 : vector<1x1024xi32> to vector<1x1024xf32>
      %dot_general3A_1114 = arith.constant dense<0.000000e+00> : vector<1x1024xf32>
      %dot_general3A_1115 = tpu.matmul %convert_element_type3A_1113, %convert_element_type3A_34, %dot_general3A_1114 {dimension_numbers = #tpu.dot_dimension_numbers<[1], [0], [0], [1], [0, 0, 1, 1], [], []>, transpose_lhs_hint = false} : vector<1x1024xf32>, vector<1024x1024xf32>, vector<1x1024xf32> -> vector<1x1024xf32>
      %gt3A_1116 = arith.constant 0.000000e+00 : f32
      %gt3A_1117 = vector.broadcast %gt3A_1116 : f32 to vector<1x1024xf32>
      %gt3A_1118 = arith.cmpf ogt, %convert_element_type3A_1113, %gt3A_1117 : vector<1x1024xf32>
      %sub3A_1119 = arith.subf %dot_general3A_1115, %convert_element_type3A_1113 : vector<1x1024xf32>
      %jit3A_1120 = arith.constant -1.000000e+00 : f32
      %broadcast_in_dim3A_1121 = vector.broadcast %jit3A_1120 : f32 to vector<1x1024xf32>
      %select_n3A_1122 = arith.select %gt3A_1118, %sub3A_1119, %broadcast_in_dim3A_1121 : vector<1x1024xi1>, vector<1x1024xf32>
      %eq3A_1123 = vector.broadcast %select_n3A_1122 : vector<1x1024xf32> to vector<64x1024xf32>
      %eq3A_1124 = vector.broadcast %convert_element_type3A_36 : vector<64x1xf32> to vector<64x1024xf32>
      %eq3A_1125 = arith.cmpf oeq, %eq3A_1123, %eq3A_1124 : vector<64x1024xf32>
      %convert_element_type3A_1126 = arith.extui %eq3A_1125 : vector<64x1024xi1> to vector<64x1024xi32>
      %convert_element_type3A_1127 = arith.sitofp %convert_element_type3A_1126 : vector<64x1024xi32> to vector<64x1024xf32>
      %reduce_sum3A_1128 = arith.constant dense<0.000000e+00> : vector<64xf32>
      %reduce_sum3A_1129 = vector.multi_reduction <add>, %convert_element_type3A_1127, %reduce_sum3A_1128 [1] : vector<64x1024xf32> to vector<64xf32>
      %broadcast_in_dim3A_1130 = vector.shape_cast %reduce_sum3A_1129 : vector<64xf32> to vector<64x1xf32>
      %mul3A_1131 = vector.broadcast %get3A_1108 : vector<1x1024xf32> to vector<64x1024xf32>
      %mul3A_1132 = arith.mulf %convert_element_type3A_1127, %mul3A_1131 : vector<64x1024xf32>
      %reduce_sum3A_1133 = arith.constant dense<0.000000e+00> : vector<64xf32>
      %reduce_sum3A_1134 = vector.multi_reduction <add>, %mul3A_1132, %reduce_sum3A_1133 [1] : vector<64x1024xf32> to vector<64xf32>
      %broadcast_in_dim3A_1135 = vector.shape_cast %reduce_sum3A_1134 : vector<64xf32> to vector<64x1xf32>
      %mul3A_1136 = vector.broadcast %convert_element_type3A_38 : vector<1x1024xf32> to vector<64x1024xf32>
      %mul3A_1137 = arith.mulf %convert_element_type3A_1127, %mul3A_1136 : vector<64x1024xf32>
      %reduce_sum3A_1138 = arith.constant dense<0.000000e+00> : vector<64xf32>
      %reduce_sum3A_1139 = vector.multi_reduction <add>, %mul3A_1137, %reduce_sum3A_1138 [1] : vector<64x1024xf32> to vector<64xf32>
      %broadcast_in_dim3A_1140 = vector.shape_cast %reduce_sum3A_1139 : vector<64xf32> to vector<64x1xf32>
      %add3A_1141 = arith.addf %broadcast_in_dim3A_1135, %broadcast_in_dim3A_1130 : vector<64x1xf32>
      %sub3A_1142 = arith.constant 1.000000e+00 : f32
      %sub3A_1143 = vector.broadcast %sub3A_1142 : f32 to vector<64x1xf32>
      %sub3A_1144 = arith.subf %add3A_1141, %sub3A_1143 : vector<64x1xf32>
      %swap3A_1145 = arith.constant 1344 : index
      %swap3A_1146 = arith.constant 0 : index
      %swap3A_1147 = vector.load %arg6[%swap3A_1145, %swap3A_1146] : memref<2048x1xf32, #tpu.memory_space<vmem>>, vector<64x1xf32>
      tpu.vector_store %arg6[%swap3A_1145, %swap3A_1146], %sub3A_1144 {strides = array<i32>} : memref<2048x1xf32, #tpu.memory_space<vmem>>, vector<64x1xf32>,
      %mul3A_1148 = arith.constant 2.150400e+04 : f32
      %mul3A_1149 = vector.broadcast %mul3A_1148 : f32 to vector<64x1xf32>
      %mul3A_1150 = arith.mulf %mul3A_1149, %broadcast_in_dim3A_1130 : vector<64x1xf32>
      %add3A_1151 = arith.addf %broadcast_in_dim3A_1140, %mul3A_1150 : vector<64x1xf32>
      %swap3A_1152 = arith.constant 1344 : index
      %swap3A_1153 = arith.constant 0 : index
      %swap3A_1154 = vector.load %arg7[%swap3A_1152, %swap3A_1153] : memref<2048x1xf32, #tpu.memory_space<vmem>>, vector<64x1xf32>
      tpu.vector_store %arg7[%swap3A_1152, %swap3A_1153], %add3A_1151 {strides = array<i32>} : memref<2048x1xf32, #tpu.memory_space<vmem>>, vector<64x1xf32>,
      %get3A_1155 = arith.constant 22 : index
      %get3A_1156 = arith.constant 0 : index
      %get3A_1157 = arith.constant 0 : index
      %get3A_1158 = vector.load %arg5[%get3A_1155, %get3A_1156, %get3A_1157] : memref<32x1x1024xf32, #tpu.memory_space<vmem>>, vector<1x1x1024xf32>
      %get3A_1159 = vector.shape_cast %get3A_1158 : vector<1x1x1024xf32> to vector<1x1024xf32>
      %bitcast_convert_type3A_1160 = tpu.bitcast %get3A_1159 : vector<1x1024xf32> -> vector<1x1024xi32>
      %ge3A_1161 = vector.broadcast %scan3A_30 : i32 to vector<1x1024xi32>
      %ge3A_1162 = arith.cmpi sge, %bitcast_convert_type3A_1160, %ge3A_1161 : vector<1x1024xi32>
      %convert_element_type3A_1163 = arith.extui %ge3A_1162 : vector<1x1024xi1> to vector<1x1024xi32>
      %convert_element_type3A_1164 = arith.sitofp %convert_element_type3A_1163 : vector<1x1024xi32> to vector<1x1024xf32>
      %dot_general3A_1165 = arith.constant dense<0.000000e+00> : vector<1x1024xf32>
      %dot_general3A_1166 = tpu.matmul %convert_element_type3A_1164, %convert_element_type3A_34, %dot_general3A_1165 {dimension_numbers = #tpu.dot_dimension_numbers<[1], [0], [0], [1], [0, 0, 1, 1], [], []>, transpose_lhs_hint = false} : vector<1x1024xf32>, vector<1024x1024xf32>, vector<1x1024xf32> -> vector<1x1024xf32>
      %gt3A_1167 = arith.constant 0.000000e+00 : f32
      %gt3A_1168 = vector.broadcast %gt3A_1167 : f32 to vector<1x1024xf32>
      %gt3A_1169 = arith.cmpf ogt, %convert_element_type3A_1164, %gt3A_1168 : vector<1x1024xf32>
      %sub3A_1170 = arith.subf %dot_general3A_1166, %convert_element_type3A_1164 : vector<1x1024xf32>
      %jit3A_1171 = arith.constant -1.000000e+00 : f32
      %broadcast_in_dim3A_1172 = vector.broadcast %jit3A_1171 : f32 to vector<1x1024xf32>
      %select_n3A_1173 = arith.select %gt3A_1169, %sub3A_1170, %broadcast_in_dim3A_1172 : vector<1x1024xi1>, vector<1x1024xf32>
      %eq3A_1174 = vector.broadcast %select_n3A_1173 : vector<1x1024xf32> to vector<64x1024xf32>
      %eq3A_1175 = vector.broadcast %convert_element_type3A_36 : vector<64x1xf32> to vector<64x1024xf32>
      %eq3A_1176 = arith.cmpf oeq, %eq3A_1174, %eq3A_1175 : vector<64x1024xf32>
      %convert_element_type3A_1177 = arith.extui %eq3A_1176 : vector<64x1024xi1> to vector<64x1024xi32>
      %convert_element_type3A_1178 = arith.sitofp %convert_element_type3A_1177 : vector<64x1024xi32> to vector<64x1024xf32>
      %reduce_sum3A_1179 = arith.constant dense<0.000000e+00> : vector<64xf32>
      %reduce_sum3A_1180 = vector.multi_reduction <add>, %convert_element_type3A_1178, %reduce_sum3A_1179 [1] : vector<64x1024xf32> to vector<64xf32>
      %broadcast_in_dim3A_1181 = vector.shape_cast %reduce_sum3A_1180 : vector<64xf32> to vector<64x1xf32>
      %mul3A_1182 = vector.broadcast %get3A_1159 : vector<1x1024xf32> to vector<64x1024xf32>
      %mul3A_1183 = arith.mulf %convert_element_type3A_1178, %mul3A_1182 : vector<64x1024xf32>
      %reduce_sum3A_1184 = arith.constant dense<0.000000e+00> : vector<64xf32>
      %reduce_sum3A_1185 = vector.multi_reduction <add>, %mul3A_1183, %reduce_sum3A_1184 [1] : vector<64x1024xf32> to vector<64xf32>
      %broadcast_in_dim3A_1186 = vector.shape_cast %reduce_sum3A_1185 : vector<64xf32> to vector<64x1xf32>
      %mul3A_1187 = vector.broadcast %convert_element_type3A_38 : vector<1x1024xf32> to vector<64x1024xf32>
      %mul3A_1188 = arith.mulf %convert_element_type3A_1178, %mul3A_1187 : vector<64x1024xf32>
      %reduce_sum3A_1189 = arith.constant dense<0.000000e+00> : vector<64xf32>
      %reduce_sum3A_1190 = vector.multi_reduction <add>, %mul3A_1188, %reduce_sum3A_1189 [1] : vector<64x1024xf32> to vector<64xf32>
      %broadcast_in_dim3A_1191 = vector.shape_cast %reduce_sum3A_1190 : vector<64xf32> to vector<64x1xf32>
      %add3A_1192 = arith.addf %broadcast_in_dim3A_1186, %broadcast_in_dim3A_1181 : vector<64x1xf32>
      %sub3A_1193 = arith.constant 1.000000e+00 : f32
      %sub3A_1194 = vector.broadcast %sub3A_1193 : f32 to vector<64x1xf32>
      %sub3A_1195 = arith.subf %add3A_1192, %sub3A_1194 : vector<64x1xf32>
      %swap3A_1196 = arith.constant 1408 : index
      %swap3A_1197 = arith.constant 0 : index
      %swap3A_1198 = vector.load %arg6[%swap3A_1196, %swap3A_1197] : memref<2048x1xf32, #tpu.memory_space<vmem>>, vector<64x1xf32>
      tpu.vector_store %arg6[%swap3A_1196, %swap3A_1197], %sub3A_1195 {strides = array<i32>} : memref<2048x1xf32, #tpu.memory_space<vmem>>, vector<64x1xf32>,
      %mul3A_1199 = arith.constant 2.252800e+04 : f32
      %mul3A_1200 = vector.broadcast %mul3A_1199 : f32 to vector<64x1xf32>
      %mul3A_1201 = arith.mulf %mul3A_1200, %broadcast_in_dim3A_1181 : vector<64x1xf32>
      %add3A_1202 = arith.addf %broadcast_in_dim3A_1191, %mul3A_1201 : vector<64x1xf32>
      %swap3A_1203 = arith.constant 1408 : index
      %swap3A_1204 = arith.constant 0 : index
      %swap3A_1205 = vector.load %arg7[%swap3A_1203, %swap3A_1204] : memref<2048x1xf32, #tpu.memory_space<vmem>>, vector<64x1xf32>
      tpu.vector_store %arg7[%swap3A_1203, %swap3A_1204], %add3A_1202 {strides = array<i32>} : memref<2048x1xf32, #tpu.memory_space<vmem>>, vector<64x1xf32>,
      %get3A_1206 = arith.constant 23 : index
      %get3A_1207 = arith.constant 0 : index
      %get3A_1208 = arith.constant 0 : index
      %get3A_1209 = vector.load %arg5[%get3A_1206, %get3A_1207, %get3A_1208] : memref<32x1x1024xf32, #tpu.memory_space<vmem>>, vector<1x1x1024xf32>
      %get3A_1210 = vector.shape_cast %get3A_1209 : vector<1x1x1024xf32> to vector<1x1024xf32>
      %bitcast_convert_type3A_1211 = tpu.bitcast %get3A_1210 : vector<1x1024xf32> -> vector<1x1024xi32>
      %ge3A_1212 = vector.broadcast %scan3A_30 : i32 to vector<1x1024xi32>
      %ge3A_1213 = arith.cmpi sge, %bitcast_convert_type3A_1211, %ge3A_1212 : vector<1x1024xi32>
      %convert_element_type3A_1214 = arith.extui %ge3A_1213 : vector<1x1024xi1> to vector<1x1024xi32>
      %convert_element_type3A_1215 = arith.sitofp %convert_element_type3A_1214 : vector<1x1024xi32> to vector<1x1024xf32>
      %dot_general3A_1216 = arith.constant dense<0.000000e+00> : vector<1x1024xf32>
      %dot_general3A_1217 = tpu.matmul %convert_element_type3A_1215, %convert_element_type3A_34, %dot_general3A_1216 {dimension_numbers = #tpu.dot_dimension_numbers<[1], [0], [0], [1], [0, 0, 1, 1], [], []>, transpose_lhs_hint = false} : vector<1x1024xf32>, vector<1024x1024xf32>, vector<1x1024xf32> -> vector<1x1024xf32>
      %gt3A_1218 = arith.constant 0.000000e+00 : f32
      %gt3A_1219 = vector.broadcast %gt3A_1218 : f32 to vector<1x1024xf32>
      %gt3A_1220 = arith.cmpf ogt, %convert_element_type3A_1215, %gt3A_1219 : vector<1x1024xf32>
      %sub3A_1221 = arith.subf %dot_general3A_1217, %convert_element_type3A_1215 : vector<1x1024xf32>
      %jit3A_1222 = arith.constant -1.000000e+00 : f32
      %broadcast_in_dim3A_1223 = vector.broadcast %jit3A_1222 : f32 to vector<1x1024xf32>
      %select_n3A_1224 = arith.select %gt3A_1220, %sub3A_1221, %broadcast_in_dim3A_1223 : vector<1x1024xi1>, vector<1x1024xf32>
      %eq3A_1225 = vector.broadcast %select_n3A_1224 : vector<1x1024xf32> to vector<64x1024xf32>
      %eq3A_1226 = vector.broadcast %convert_element_type3A_36 : vector<64x1xf32> to vector<64x1024xf32>
      %eq3A_1227 = arith.cmpf oeq, %eq3A_1225, %eq3A_1226 : vector<64x1024xf32>
      %convert_element_type3A_1228 = arith.extui %eq3A_1227 : vector<64x1024xi1> to vector<64x1024xi32>
      %convert_element_type3A_1229 = arith.sitofp %convert_element_type3A_1228 : vector<64x1024xi32> to vector<64x1024xf32>
      %reduce_sum3A_1230 = arith.constant dense<0.000000e+00> : vector<64xf32>
      %reduce_sum3A_1231 = vector.multi_reduction <add>, %convert_element_type3A_1229, %reduce_sum3A_1230 [1] : vector<64x1024xf32> to vector<64xf32>
      %broadcast_in_dim3A_1232 = vector.shape_cast %reduce_sum3A_1231 : vector<64xf32> to vector<64x1xf32>
      %mul3A_1233 = vector.broadcast %get3A_1210 : vector<1x1024xf32> to vector<64x1024xf32>
      %mul3A_1234 = arith.mulf %convert_element_type3A_1229, %mul3A_1233 : vector<64x1024xf32>
      %reduce_sum3A_1235 = arith.constant dense<0.000000e+00> : vector<64xf32>
      %reduce_sum3A_1236 = vector.multi_reduction <add>, %mul3A_1234, %reduce_sum3A_1235 [1] : vector<64x1024xf32> to vector<64xf32>
      %broadcast_in_dim3A_1237 = vector.shape_cast %reduce_sum3A_1236 : vector<64xf32> to vector<64x1xf32>
      %mul3A_1238 = vector.broadcast %convert_element_type3A_38 : vector<1x1024xf32> to vector<64x1024xf32>
      %mul3A_1239 = arith.mulf %convert_element_type3A_1229, %mul3A_1238 : vector<64x1024xf32>
      %reduce_sum3A_1240 = arith.constant dense<0.000000e+00> : vector<64xf32>
      %reduce_sum3A_1241 = vector.multi_reduction <add>, %mul3A_1239, %reduce_sum3A_1240 [1] : vector<64x1024xf32> to vector<64xf32>
      %broadcast_in_dim3A_1242 = vector.shape_cast %reduce_sum3A_1241 : vector<64xf32> to vector<64x1xf32>
      %add3A_1243 = arith.addf %broadcast_in_dim3A_1237, %broadcast_in_dim3A_1232 : vector<64x1xf32>
      %sub3A_1244 = arith.constant 1.000000e+00 : f32
      %sub3A_1245 = vector.broadcast %sub3A_1244 : f32 to vector<64x1xf32>
      %sub3A_1246 = arith.subf %add3A_1243, %sub3A_1245 : vector<64x1xf32>
      %swap3A_1247 = arith.constant 1472 : index
      %swap3A_1248 = arith.constant 0 : index
      %swap3A_1249 = vector.load %arg6[%swap3A_1247, %swap3A_1248] : memref<2048x1xf32, #tpu.memory_space<vmem>>, vector<64x1xf32>
      tpu.vector_store %arg6[%swap3A_1247, %swap3A_1248], %sub3A_1246 {strides = array<i32>} : memref<2048x1xf32, #tpu.memory_space<vmem>>, vector<64x1xf32>,
      %mul3A_1250 = arith.constant 2.355200e+04 : f32
      %mul3A_1251 = vector.broadcast %mul3A_1250 : f32 to vector<64x1xf32>
      %mul3A_1252 = arith.mulf %mul3A_1251, %broadcast_in_dim3A_1232 : vector<64x1xf32>
      %add3A_1253 = arith.addf %broadcast_in_dim3A_1242, %mul3A_1252 : vector<64x1xf32>
      %swap3A_1254 = arith.constant 1472 : index
      %swap3A_1255 = arith.constant 0 : index
      %swap3A_1256 = vector.load %arg7[%swap3A_1254, %swap3A_1255] : memref<2048x1xf32, #tpu.memory_space<vmem>>, vector<64x1xf32>
      tpu.vector_store %arg7[%swap3A_1254, %swap3A_1255], %add3A_1253 {strides = array<i32>} : memref<2048x1xf32, #tpu.memory_space<vmem>>, vector<64x1xf32>,
      %get3A_1257 = arith.constant 24 : index
      %get3A_1258 = arith.constant 0 : index
      %get3A_1259 = arith.constant 0 : index
      %get3A_1260 = vector.load %arg5[%get3A_1257, %get3A_1258, %get3A_1259] : memref<32x1x1024xf32, #tpu.memory_space<vmem>>, vector<1x1x1024xf32>
      %get3A_1261 = vector.shape_cast %get3A_1260 : vector<1x1x1024xf32> to vector<1x1024xf32>
      %bitcast_convert_type3A_1262 = tpu.bitcast %get3A_1261 : vector<1x1024xf32> -> vector<1x1024xi32>
      %ge3A_1263 = vector.broadcast %scan3A_30 : i32 to vector<1x1024xi32>
      %ge3A_1264 = arith.cmpi sge, %bitcast_convert_type3A_1262, %ge3A_1263 : vector<1x1024xi32>
      %convert_element_type3A_1265 = arith.extui %ge3A_1264 : vector<1x1024xi1> to vector<1x1024xi32>
      %convert_element_type3A_1266 = arith.sitofp %convert_element_type3A_1265 : vector<1x1024xi32> to vector<1x1024xf32>
      %dot_general3A_1267 = arith.constant dense<0.000000e+00> : vector<1x1024xf32>
      %dot_general3A_1268 = tpu.matmul %convert_element_type3A_1266, %convert_element_type3A_34, %dot_general3A_1267 {dimension_numbers = #tpu.dot_dimension_numbers<[1], [0], [0], [1], [0, 0, 1, 1], [], []>, transpose_lhs_hint = false} : vector<1x1024xf32>, vector<1024x1024xf32>, vector<1x1024xf32> -> vector<1x1024xf32>
      %gt3A_1269 = arith.constant 0.000000e+00 : f32
      %gt3A_1270 = vector.broadcast %gt3A_1269 : f32 to vector<1x1024xf32>
      %gt3A_1271 = arith.cmpf ogt, %convert_element_type3A_1266, %gt3A_1270 : vector<1x1024xf32>
      %sub3A_1272 = arith.subf %dot_general3A_1268, %convert_element_type3A_1266 : vector<1x1024xf32>
      %jit3A_1273 = arith.constant -1.000000e+00 : f32
      %broadcast_in_dim3A_1274 = vector.broadcast %jit3A_1273 : f32 to vector<1x1024xf32>
      %select_n3A_1275 = arith.select %gt3A_1271, %sub3A_1272, %broadcast_in_dim3A_1274 : vector<1x1024xi1>, vector<1x1024xf32>
      %eq3A_1276 = vector.broadcast %select_n3A_1275 : vector<1x1024xf32> to vector<64x1024xf32>
      %eq3A_1277 = vector.broadcast %convert_element_type3A_36 : vector<64x1xf32> to vector<64x1024xf32>
      %eq3A_1278 = arith.cmpf oeq, %eq3A_1276, %eq3A_1277 : vector<64x1024xf32>
      %convert_element_type3A_1279 = arith.extui %eq3A_1278 : vector<64x1024xi1> to vector<64x1024xi32>
      %convert_element_type3A_1280 = arith.sitofp %convert_element_type3A_1279 : vector<64x1024xi32> to vector<64x1024xf32>
      %reduce_sum3A_1281 = arith.constant dense<0.000000e+00> : vector<64xf32>
      %reduce_sum3A_1282 = vector.multi_reduction <add>, %convert_element_type3A_1280, %reduce_sum3A_1281 [1] : vector<64x1024xf32> to vector<64xf32>
      %broadcast_in_dim3A_1283 = vector.shape_cast %reduce_sum3A_1282 : vector<64xf32> to vector<64x1xf32>
      %mul3A_1284 = vector.broadcast %get3A_1261 : vector<1x1024xf32> to vector<64x1024xf32>
      %mul3A_1285 = arith.mulf %convert_element_type3A_1280, %mul3A_1284 : vector<64x1024xf32>
      %reduce_sum3A_1286 = arith.constant dense<0.000000e+00> : vector<64xf32>
      %reduce_sum3A_1287 = vector.multi_reduction <add>, %mul3A_1285, %reduce_sum3A_1286 [1] : vector<64x1024xf32> to vector<64xf32>
      %broadcast_in_dim3A_1288 = vector.shape_cast %reduce_sum3A_1287 : vector<64xf32> to vector<64x1xf32>
      %mul3A_1289 = vector.broadcast %convert_element_type3A_38 : vector<1x1024xf32> to vector<64x1024xf32>
      %mul3A_1290 = arith.mulf %convert_element_type3A_1280, %mul3A_1289 : vector<64x1024xf32>
      %reduce_sum3A_1291 = arith.constant dense<0.000000e+00> : vector<64xf32>
      %reduce_sum3A_1292 = vector.multi_reduction <add>, %mul3A_1290, %reduce_sum3A_1291 [1] : vector<64x1024xf32> to vector<64xf32>
      %broadcast_in_dim3A_1293 = vector.shape_cast %reduce_sum3A_1292 : vector<64xf32> to vector<64x1xf32>
      %add3A_1294 = arith.addf %broadcast_in_dim3A_1288, %broadcast_in_dim3A_1283 : vector<64x1xf32>
      %sub3A_1295 = arith.constant 1.000000e+00 : f32
      %sub3A_1296 = vector.broadcast %sub3A_1295 : f32 to vector<64x1xf32>
      %sub3A_1297 = arith.subf %add3A_1294, %sub3A_1296 : vector<64x1xf32>
      %swap3A_1298 = arith.constant 1536 : index
      %swap3A_1299 = arith.constant 0 : index
      %swap3A_1300 = vector.load %arg6[%swap3A_1298, %swap3A_1299] : memref<2048x1xf32, #tpu.memory_space<vmem>>, vector<64x1xf32>
      tpu.vector_store %arg6[%swap3A_1298, %swap3A_1299], %sub3A_1297 {strides = array<i32>} : memref<2048x1xf32, #tpu.memory_space<vmem>>, vector<64x1xf32>,
      %mul3A_1301 = arith.constant 2.457600e+04 : f32
      %mul3A_1302 = vector.broadcast %mul3A_1301 : f32 to vector<64x1xf32>
      %mul3A_1303 = arith.mulf %mul3A_1302, %broadcast_in_dim3A_1283 : vector<64x1xf32>
      %add3A_1304 = arith.addf %broadcast_in_dim3A_1293, %mul3A_1303 : vector<64x1xf32>
      %swap3A_1305 = arith.constant 1536 : index
      %swap3A_1306 = arith.constant 0 : index
      %swap3A_1307 = vector.load %arg7[%swap3A_1305, %swap3A_1306] : memref<2048x1xf32, #tpu.memory_space<vmem>>, vector<64x1xf32>
      tpu.vector_store %arg7[%swap3A_1305, %swap3A_1306], %add3A_1304 {strides = array<i32>} : memref<2048x1xf32, #tpu.memory_space<vmem>>, vector<64x1xf32>,
      %get3A_1308 = arith.constant 25 : index
      %get3A_1309 = arith.constant 0 : index
      %get3A_1310 = arith.constant 0 : index
      %get3A_1311 = vector.load %arg5[%get3A_1308, %get3A_1309, %get3A_1310] : memref<32x1x1024xf32, #tpu.memory_space<vmem>>, vector<1x1x1024xf32>
      %get3A_1312 = vector.shape_cast %get3A_1311 : vector<1x1x1024xf32> to vector<1x1024xf32>
      %bitcast_convert_type3A_1313 = tpu.bitcast %get3A_1312 : vector<1x1024xf32> -> vector<1x1024xi32>
      %ge3A_1314 = vector.broadcast %scan3A_30 : i32 to vector<1x1024xi32>
      %ge3A_1315 = arith.cmpi sge, %bitcast_convert_type3A_1313, %ge3A_1314 : vector<1x1024xi32>
      %convert_element_type3A_1316 = arith.extui %ge3A_1315 : vector<1x1024xi1> to vector<1x1024xi32>
      %convert_element_type3A_1317 = arith.sitofp %convert_element_type3A_1316 : vector<1x1024xi32> to vector<1x1024xf32>
      %dot_general3A_1318 = arith.constant dense<0.000000e+00> : vector<1x1024xf32>
      %dot_general3A_1319 = tpu.matmul %convert_element_type3A_1317, %convert_element_type3A_34, %dot_general3A_1318 {dimension_numbers = #tpu.dot_dimension_numbers<[1], [0], [0], [1], [0, 0, 1, 1], [], []>, transpose_lhs_hint = false} : vector<1x1024xf32>, vector<1024x1024xf32>, vector<1x1024xf32> -> vector<1x1024xf32>
      %gt3A_1320 = arith.constant 0.000000e+00 : f32
      %gt3A_1321 = vector.broadcast %gt3A_1320 : f32 to vector<1x1024xf32>
      %gt3A_1322 = arith.cmpf ogt, %convert_element_type3A_1317, %gt3A_1321 : vector<1x1024xf32>
      %sub3A_1323 = arith.subf %dot_general3A_1319, %convert_element_type3A_1317 : vector<1x1024xf32>
      %jit3A_1324 = arith.constant -1.000000e+00 : f32
      %broadcast_in_dim3A_1325 = vector.broadcast %jit3A_1324 : f32 to vector<1x1024xf32>
      %select_n3A_1326 = arith.select %gt3A_1322, %sub3A_1323, %broadcast_in_dim3A_1325 : vector<1x1024xi1>, vector<1x1024xf32>
      %eq3A_1327 = vector.broadcast %select_n3A_1326 : vector<1x1024xf32> to vector<64x1024xf32>
      %eq3A_1328 = vector.broadcast %convert_element_type3A_36 : vector<64x1xf32> to vector<64x1024xf32>
      %eq3A_1329 = arith.cmpf oeq, %eq3A_1327, %eq3A_1328 : vector<64x1024xf32>
      %convert_element_type3A_1330 = arith.extui %eq3A_1329 : vector<64x1024xi1> to vector<64x1024xi32>
      %convert_element_type3A_1331 = arith.sitofp %convert_element_type3A_1330 : vector<64x1024xi32> to vector<64x1024xf32>
      %reduce_sum3A_1332 = arith.constant dense<0.000000e+00> : vector<64xf32>
      %reduce_sum3A_1333 = vector.multi_reduction <add>, %convert_element_type3A_1331, %reduce_sum3A_1332 [1] : vector<64x1024xf32> to vector<64xf32>
      %broadcast_in_dim3A_1334 = vector.shape_cast %reduce_sum3A_1333 : vector<64xf32> to vector<64x1xf32>
      %mul3A_1335 = vector.broadcast %get3A_1312 : vector<1x1024xf32> to vector<64x1024xf32>
      %mul3A_1336 = arith.mulf %convert_element_type3A_1331, %mul3A_1335 : vector<64x1024xf32>
      %reduce_sum3A_1337 = arith.constant dense<0.000000e+00> : vector<64xf32>
      %reduce_sum3A_1338 = vector.multi_reduction <add>, %mul3A_1336, %reduce_sum3A_1337 [1] : vector<64x1024xf32> to vector<64xf32>
      %broadcast_in_dim3A_1339 = vector.shape_cast %reduce_sum3A_1338 : vector<64xf32> to vector<64x1xf32>
      %mul3A_1340 = vector.broadcast %convert_element_type3A_38 : vector<1x1024xf32> to vector<64x1024xf32>
      %mul3A_1341 = arith.mulf %convert_element_type3A_1331, %mul3A_1340 : vector<64x1024xf32>
      %reduce_sum3A_1342 = arith.constant dense<0.000000e+00> : vector<64xf32>
      %reduce_sum3A_1343 = vector.multi_reduction <add>, %mul3A_1341, %reduce_sum3A_1342 [1] : vector<64x1024xf32> to vector<64xf32>
      %broadcast_in_dim3A_1344 = vector.shape_cast %reduce_sum3A_1343 : vector<64xf32> to vector<64x1xf32>
      %add3A_1345 = arith.addf %broadcast_in_dim3A_1339, %broadcast_in_dim3A_1334 : vector<64x1xf32>
      %sub3A_1346 = arith.constant 1.000000e+00 : f32
      %sub3A_1347 = vector.broadcast %sub3A_1346 : f32 to vector<64x1xf32>
      %sub3A_1348 = arith.subf %add3A_1345, %sub3A_1347 : vector<64x1xf32>
      %swap3A_1349 = arith.constant 1600 : index
      %swap3A_1350 = arith.constant 0 : index
      %swap3A_1351 = vector.load %arg6[%swap3A_1349, %swap3A_1350] : memref<2048x1xf32, #tpu.memory_space<vmem>>, vector<64x1xf32>
      tpu.vector_store %arg6[%swap3A_1349, %swap3A_1350], %sub3A_1348 {strides = array<i32>} : memref<2048x1xf32, #tpu.memory_space<vmem>>, vector<64x1xf32>,
      %mul3A_1352 = arith.constant 2.560000e+04 : f32
      %mul3A_1353 = vector.broadcast %mul3A_1352 : f32 to vector<64x1xf32>
      %mul3A_1354 = arith.mulf %mul3A_1353, %broadcast_in_dim3A_1334 : vector<64x1xf32>
      %add3A_1355 = arith.addf %broadcast_in_dim3A_1344, %mul3A_1354 : vector<64x1xf32>
      %swap3A_1356 = arith.constant 1600 : index
      %swap3A_1357 = arith.constant 0 : index
      %swap3A_1358 = vector.load %arg7[%swap3A_1356, %swap3A_1357] : memref<2048x1xf32, #tpu.memory_space<vmem>>, vector<64x1xf32>
      tpu.vector_store %arg7[%swap3A_1356, %swap3A_1357], %add3A_1355 {strides = array<i32>} : memref<2048x1xf32, #tpu.memory_space<vmem>>, vector<64x1xf32>,
      %get3A_1359 = arith.constant 26 : index
      %get3A_1360 = arith.constant 0 : index
      %get3A_1361 = arith.constant 0 : index
      %get3A_1362 = vector.load %arg5[%get3A_1359, %get3A_1360, %get3A_1361] : memref<32x1x1024xf32, #tpu.memory_space<vmem>>, vector<1x1x1024xf32>
      %get3A_1363 = vector.shape_cast %get3A_1362 : vector<1x1x1024xf32> to vector<1x1024xf32>
      %bitcast_convert_type3A_1364 = tpu.bitcast %get3A_1363 : vector<1x1024xf32> -> vector<1x1024xi32>
      %ge3A_1365 = vector.broadcast %scan3A_30 : i32 to vector<1x1024xi32>
      %ge3A_1366 = arith.cmpi sge, %bitcast_convert_type3A_1364, %ge3A_1365 : vector<1x1024xi32>
      %convert_element_type3A_1367 = arith.extui %ge3A_1366 : vector<1x1024xi1> to vector<1x1024xi32>
      %convert_element_type3A_1368 = arith.sitofp %convert_element_type3A_1367 : vector<1x1024xi32> to vector<1x1024xf32>
      %dot_general3A_1369 = arith.constant dense<0.000000e+00> : vector<1x1024xf32>
      %dot_general3A_1370 = tpu.matmul %convert_element_type3A_1368, %convert_element_type3A_34, %dot_general3A_1369 {dimension_numbers = #tpu.dot_dimension_numbers<[1], [0], [0], [1], [0, 0, 1, 1], [], []>, transpose_lhs_hint = false} : vector<1x1024xf32>, vector<1024x1024xf32>, vector<1x1024xf32> -> vector<1x1024xf32>
      %gt3A_1371 = arith.constant 0.000000e+00 : f32
      %gt3A_1372 = vector.broadcast %gt3A_1371 : f32 to vector<1x1024xf32>
      %gt3A_1373 = arith.cmpf ogt, %convert_element_type3A_1368, %gt3A_1372 : vector<1x1024xf32>
      %sub3A_1374 = arith.subf %dot_general3A_1370, %convert_element_type3A_1368 : vector<1x1024xf32>
      %jit3A_1375 = arith.constant -1.000000e+00 : f32
      %broadcast_in_dim3A_1376 = vector.broadcast %jit3A_1375 : f32 to vector<1x1024xf32>
      %select_n3A_1377 = arith.select %gt3A_1373, %sub3A_1374, %broadcast_in_dim3A_1376 : vector<1x1024xi1>, vector<1x1024xf32>
      %eq3A_1378 = vector.broadcast %select_n3A_1377 : vector<1x1024xf32> to vector<64x1024xf32>
      %eq3A_1379 = vector.broadcast %convert_element_type3A_36 : vector<64x1xf32> to vector<64x1024xf32>
      %eq3A_1380 = arith.cmpf oeq, %eq3A_1378, %eq3A_1379 : vector<64x1024xf32>
      %convert_element_type3A_1381 = arith.extui %eq3A_1380 : vector<64x1024xi1> to vector<64x1024xi32>
      %convert_element_type3A_1382 = arith.sitofp %convert_element_type3A_1381 : vector<64x1024xi32> to vector<64x1024xf32>
      %reduce_sum3A_1383 = arith.constant dense<0.000000e+00> : vector<64xf32>
      %reduce_sum3A_1384 = vector.multi_reduction <add>, %convert_element_type3A_1382, %reduce_sum3A_1383 [1] : vector<64x1024xf32> to vector<64xf32>
      %broadcast_in_dim3A_1385 = vector.shape_cast %reduce_sum3A_1384 : vector<64xf32> to vector<64x1xf32>
      %mul3A_1386 = vector.broadcast %get3A_1363 : vector<1x1024xf32> to vector<64x1024xf32>
      %mul3A_1387 = arith.mulf %convert_element_type3A_1382, %mul3A_1386 : vector<64x1024xf32>
      %reduce_sum3A_1388 = arith.constant dense<0.000000e+00> : vector<64xf32>
      %reduce_sum3A_1389 = vector.multi_reduction <add>, %mul3A_1387, %reduce_sum3A_1388 [1] : vector<64x1024xf32> to vector<64xf32>
      %broadcast_in_dim3A_1390 = vector.shape_cast %reduce_sum3A_1389 : vector<64xf32> to vector<64x1xf32>
      %mul3A_1391 = vector.broadcast %convert_element_type3A_38 : vector<1x1024xf32> to vector<64x1024xf32>
      %mul3A_1392 = arith.mulf %convert_element_type3A_1382, %mul3A_1391 : vector<64x1024xf32>
      %reduce_sum3A_1393 = arith.constant dense<0.000000e+00> : vector<64xf32>
      %reduce_sum3A_1394 = vector.multi_reduction <add>, %mul3A_1392, %reduce_sum3A_1393 [1] : vector<64x1024xf32> to vector<64xf32>
      %broadcast_in_dim3A_1395 = vector.shape_cast %reduce_sum3A_1394 : vector<64xf32> to vector<64x1xf32>
      %add3A_1396 = arith.addf %broadcast_in_dim3A_1390, %broadcast_in_dim3A_1385 : vector<64x1xf32>
      %sub3A_1397 = arith.constant 1.000000e+00 : f32
      %sub3A_1398 = vector.broadcast %sub3A_1397 : f32 to vector<64x1xf32>
      %sub3A_1399 = arith.subf %add3A_1396, %sub3A_1398 : vector<64x1xf32>
      %swap3A_1400 = arith.constant 1664 : index
      %swap3A_1401 = arith.constant 0 : index
      %swap3A_1402 = vector.load %arg6[%swap3A_1400, %swap3A_1401] : memref<2048x1xf32, #tpu.memory_space<vmem>>, vector<64x1xf32>
      tpu.vector_store %arg6[%swap3A_1400, %swap3A_1401], %sub3A_1399 {strides = array<i32>} : memref<2048x1xf32, #tpu.memory_space<vmem>>, vector<64x1xf32>,
      %mul3A_1403 = arith.constant 2.662400e+04 : f32
      %mul3A_1404 = vector.broadcast %mul3A_1403 : f32 to vector<64x1xf32>
      %mul3A_1405 = arith.mulf %mul3A_1404, %broadcast_in_dim3A_1385 : vector<64x1xf32>
      %add3A_1406 = arith.addf %broadcast_in_dim3A_1395, %mul3A_1405 : vector<64x1xf32>
      %swap3A_1407 = arith.constant 1664 : index
      %swap3A_1408 = arith.constant 0 : index
      %swap3A_1409 = vector.load %arg7[%swap3A_1407, %swap3A_1408] : memref<2048x1xf32, #tpu.memory_space<vmem>>, vector<64x1xf32>
      tpu.vector_store %arg7[%swap3A_1407, %swap3A_1408], %add3A_1406 {strides = array<i32>} : memref<2048x1xf32, #tpu.memory_space<vmem>>, vector<64x1xf32>,
      %get3A_1410 = arith.constant 27 : index
      %get3A_1411 = arith.constant 0 : index
      %get3A_1412 = arith.constant 0 : index
      %get3A_1413 = vector.load %arg5[%get3A_1410, %get3A_1411, %get3A_1412] : memref<32x1x1024xf32, #tpu.memory_space<vmem>>, vector<1x1x1024xf32>
      %get3A_1414 = vector.shape_cast %get3A_1413 : vector<1x1x1024xf32> to vector<1x1024xf32>
      %bitcast_convert_type3A_1415 = tpu.bitcast %get3A_1414 : vector<1x1024xf32> -> vector<1x1024xi32>
      %ge3A_1416 = vector.broadcast %scan3A_30 : i32 to vector<1x1024xi32>
      %ge3A_1417 = arith.cmpi sge, %bitcast_convert_type3A_1415, %ge3A_1416 : vector<1x1024xi32>
      %convert_element_type3A_1418 = arith.extui %ge3A_1417 : vector<1x1024xi1> to vector<1x1024xi32>
      %convert_element_type3A_1419 = arith.sitofp %convert_element_type3A_1418 : vector<1x1024xi32> to vector<1x1024xf32>
      %dot_general3A_1420 = arith.constant dense<0.000000e+00> : vector<1x1024xf32>
      %dot_general3A_1421 = tpu.matmul %convert_element_type3A_1419, %convert_element_type3A_34, %dot_general3A_1420 {dimension_numbers = #tpu.dot_dimension_numbers<[1], [0], [0], [1], [0, 0, 1, 1], [], []>, transpose_lhs_hint = false} : vector<1x1024xf32>, vector<1024x1024xf32>, vector<1x1024xf32> -> vector<1x1024xf32>
      %gt3A_1422 = arith.constant 0.000000e+00 : f32
      %gt3A_1423 = vector.broadcast %gt3A_1422 : f32 to vector<1x1024xf32>
      %gt3A_1424 = arith.cmpf ogt, %convert_element_type3A_1419, %gt3A_1423 : vector<1x1024xf32>
      %sub3A_1425 = arith.subf %dot_general3A_1421, %convert_element_type3A_1419 : vector<1x1024xf32>
      %jit3A_1426 = arith.constant -1.000000e+00 : f32
      %broadcast_in_dim3A_1427 = vector.broadcast %jit3A_1426 : f32 to vector<1x1024xf32>
      %select_n3A_1428 = arith.select %gt3A_1424, %sub3A_1425, %broadcast_in_dim3A_1427 : vector<1x1024xi1>, vector<1x1024xf32>
      %eq3A_1429 = vector.broadcast %select_n3A_1428 : vector<1x1024xf32> to vector<64x1024xf32>
      %eq3A_1430 = vector.broadcast %convert_element_type3A_36 : vector<64x1xf32> to vector<64x1024xf32>
      %eq3A_1431 = arith.cmpf oeq, %eq3A_1429, %eq3A_1430 : vector<64x1024xf32>
      %convert_element_type3A_1432 = arith.extui %eq3A_1431 : vector<64x1024xi1> to vector<64x1024xi32>
      %convert_element_type3A_1433 = arith.sitofp %convert_element_type3A_1432 : vector<64x1024xi32> to vector<64x1024xf32>
      %reduce_sum3A_1434 = arith.constant dense<0.000000e+00> : vector<64xf32>
      %reduce_sum3A_1435 = vector.multi_reduction <add>, %convert_element_type3A_1433, %reduce_sum3A_1434 [1] : vector<64x1024xf32> to vector<64xf32>
      %broadcast_in_dim3A_1436 = vector.shape_cast %reduce_sum3A_1435 : vector<64xf32> to vector<64x1xf32>
      %mul3A_1437 = vector.broadcast %get3A_1414 : vector<1x1024xf32> to vector<64x1024xf32>
      %mul3A_1438 = arith.mulf %convert_element_type3A_1433, %mul3A_1437 : vector<64x1024xf32>
      %reduce_sum3A_1439 = arith.constant dense<0.000000e+00> : vector<64xf32>
      %reduce_sum3A_1440 = vector.multi_reduction <add>, %mul3A_1438, %reduce_sum3A_1439 [1] : vector<64x1024xf32> to vector<64xf32>
      %broadcast_in_dim3A_1441 = vector.shape_cast %reduce_sum3A_1440 : vector<64xf32> to vector<64x1xf32>
      %mul3A_1442 = vector.broadcast %convert_element_type3A_38 : vector<1x1024xf32> to vector<64x1024xf32>
      %mul3A_1443 = arith.mulf %convert_element_type3A_1433, %mul3A_1442 : vector<64x1024xf32>
      %reduce_sum3A_1444 = arith.constant dense<0.000000e+00> : vector<64xf32>
      %reduce_sum3A_1445 = vector.multi_reduction <add>, %mul3A_1443, %reduce_sum3A_1444 [1] : vector<64x1024xf32> to vector<64xf32>
      %broadcast_in_dim3A_1446 = vector.shape_cast %reduce_sum3A_1445 : vector<64xf32> to vector<64x1xf32>
      %add3A_1447 = arith.addf %broadcast_in_dim3A_1441, %broadcast_in_dim3A_1436 : vector<64x1xf32>
      %sub3A_1448 = arith.constant 1.000000e+00 : f32
      %sub3A_1449 = vector.broadcast %sub3A_1448 : f32 to vector<64x1xf32>
      %sub3A_1450 = arith.subf %add3A_1447, %sub3A_1449 : vector<64x1xf32>
      %swap3A_1451 = arith.constant 1728 : index
      %swap3A_1452 = arith.constant 0 : index
      %swap3A_1453 = vector.load %arg6[%swap3A_1451, %swap3A_1452] : memref<2048x1xf32, #tpu.memory_space<vmem>>, vector<64x1xf32>
      tpu.vector_store %arg6[%swap3A_1451, %swap3A_1452], %sub3A_1450 {strides = array<i32>} : memref<2048x1xf32, #tpu.memory_space<vmem>>, vector<64x1xf32>,
      %mul3A_1454 = arith.constant 2.764800e+04 : f32
      %mul3A_1455 = vector.broadcast %mul3A_1454 : f32 to vector<64x1xf32>
      %mul3A_1456 = arith.mulf %mul3A_1455, %broadcast_in_dim3A_1436 : vector<64x1xf32>
      %add3A_1457 = arith.addf %broadcast_in_dim3A_1446, %mul3A_1456 : vector<64x1xf32>
      %swap3A_1458 = arith.constant 1728 : index
      %swap3A_1459 = arith.constant 0 : index
      %swap3A_1460 = vector.load %arg7[%swap3A_1458, %swap3A_1459] : memref<2048x1xf32, #tpu.memory_space<vmem>>, vector<64x1xf32>
      tpu.vector_store %arg7[%swap3A_1458, %swap3A_1459], %add3A_1457 {strides = array<i32>} : memref<2048x1xf32, #tpu.memory_space<vmem>>, vector<64x1xf32>,
      %get3A_1461 = arith.constant 28 : index
      %get3A_1462 = arith.constant 0 : index
      %get3A_1463 = arith.constant 0 : index
      %get3A_1464 = vector.load %arg5[%get3A_1461, %get3A_1462, %get3A_1463] : memref<32x1x1024xf32, #tpu.memory_space<vmem>>, vector<1x1x1024xf32>
      %get3A_1465 = vector.shape_cast %get3A_1464 : vector<1x1x1024xf32> to vector<1x1024xf32>
      %bitcast_convert_type3A_1466 = tpu.bitcast %get3A_1465 : vector<1x1024xf32> -> vector<1x1024xi32>
      %ge3A_1467 = vector.broadcast %scan3A_30 : i32 to vector<1x1024xi32>
      %ge3A_1468 = arith.cmpi sge, %bitcast_convert_type3A_1466, %ge3A_1467 : vector<1x1024xi32>
      %convert_element_type3A_1469 = arith.extui %ge3A_1468 : vector<1x1024xi1> to vector<1x1024xi32>
      %convert_element_type3A_1470 = arith.sitofp %convert_element_type3A_1469 : vector<1x1024xi32> to vector<1x1024xf32>
      %dot_general3A_1471 = arith.constant dense<0.000000e+00> : vector<1x1024xf32>
      %dot_general3A_1472 = tpu.matmul %convert_element_type3A_1470, %convert_element_type3A_34, %dot_general3A_1471 {dimension_numbers = #tpu.dot_dimension_numbers<[1], [0], [0], [1], [0, 0, 1, 1], [], []>, transpose_lhs_hint = false} : vector<1x1024xf32>, vector<1024x1024xf32>, vector<1x1024xf32> -> vector<1x1024xf32>
      %gt3A_1473 = arith.constant 0.000000e+00 : f32
      %gt3A_1474 = vector.broadcast %gt3A_1473 : f32 to vector<1x1024xf32>
      %gt3A_1475 = arith.cmpf ogt, %convert_element_type3A_1470, %gt3A_1474 : vector<1x1024xf32>
      %sub3A_1476 = arith.subf %dot_general3A_1472, %convert_element_type3A_1470 : vector<1x1024xf32>
      %jit3A_1477 = arith.constant -1.000000e+00 : f32
      %broadcast_in_dim3A_1478 = vector.broadcast %jit3A_1477 : f32 to vector<1x1024xf32>
      %select_n3A_1479 = arith.select %gt3A_1475, %sub3A_1476, %broadcast_in_dim3A_1478 : vector<1x1024xi1>, vector<1x1024xf32>
      %eq3A_1480 = vector.broadcast %select_n3A_1479 : vector<1x1024xf32> to vector<64x1024xf32>
      %eq3A_1481 = vector.broadcast %convert_element_type3A_36 : vector<64x1xf32> to vector<64x1024xf32>
      %eq3A_1482 = arith.cmpf oeq, %eq3A_1480, %eq3A_1481 : vector<64x1024xf32>
      %convert_element_type3A_1483 = arith.extui %eq3A_1482 : vector<64x1024xi1> to vector<64x1024xi32>
      %convert_element_type3A_1484 = arith.sitofp %convert_element_type3A_1483 : vector<64x1024xi32> to vector<64x1024xf32>
      %reduce_sum3A_1485 = arith.constant dense<0.000000e+00> : vector<64xf32>
      %reduce_sum3A_1486 = vector.multi_reduction <add>, %convert_element_type3A_1484, %reduce_sum3A_1485 [1] : vector<64x1024xf32> to vector<64xf32>
      %broadcast_in_dim3A_1487 = vector.shape_cast %reduce_sum3A_1486 : vector<64xf32> to vector<64x1xf32>
      %mul3A_1488 = vector.broadcast %get3A_1465 : vector<1x1024xf32> to vector<64x1024xf32>
      %mul3A_1489 = arith.mulf %convert_element_type3A_1484, %mul3A_1488 : vector<64x1024xf32>
      %reduce_sum3A_1490 = arith.constant dense<0.000000e+00> : vector<64xf32>
      %reduce_sum3A_1491 = vector.multi_reduction <add>, %mul3A_1489, %reduce_sum3A_1490 [1] : vector<64x1024xf32> to vector<64xf32>
      %broadcast_in_dim3A_1492 = vector.shape_cast %reduce_sum3A_1491 : vector<64xf32> to vector<64x1xf32>
      %mul3A_1493 = vector.broadcast %convert_element_type3A_38 : vector<1x1024xf32> to vector<64x1024xf32>
      %mul3A_1494 = arith.mulf %convert_element_type3A_1484, %mul3A_1493 : vector<64x1024xf32>
      %reduce_sum3A_1495 = arith.constant dense<0.000000e+00> : vector<64xf32>
      %reduce_sum3A_1496 = vector.multi_reduction <add>, %mul3A_1494, %reduce_sum3A_1495 [1] : vector<64x1024xf32> to vector<64xf32>
      %broadcast_in_dim3A_1497 = vector.shape_cast %reduce_sum3A_1496 : vector<64xf32> to vector<64x1xf32>
      %add3A_1498 = arith.addf %broadcast_in_dim3A_1492, %broadcast_in_dim3A_1487 : vector<64x1xf32>
      %sub3A_1499 = arith.constant 1.000000e+00 : f32
      %sub3A_1500 = vector.broadcast %sub3A_1499 : f32 to vector<64x1xf32>
      %sub3A_1501 = arith.subf %add3A_1498, %sub3A_1500 : vector<64x1xf32>
      %swap3A_1502 = arith.constant 1792 : index
      %swap3A_1503 = arith.constant 0 : index
      %swap3A_1504 = vector.load %arg6[%swap3A_1502, %swap3A_1503] : memref<2048x1xf32, #tpu.memory_space<vmem>>, vector<64x1xf32>
      tpu.vector_store %arg6[%swap3A_1502, %swap3A_1503], %sub3A_1501 {strides = array<i32>} : memref<2048x1xf32, #tpu.memory_space<vmem>>, vector<64x1xf32>,
      %mul3A_1505 = arith.constant 2.867200e+04 : f32
      %mul3A_1506 = vector.broadcast %mul3A_1505 : f32 to vector<64x1xf32>
      %mul3A_1507 = arith.mulf %mul3A_1506, %broadcast_in_dim3A_1487 : vector<64x1xf32>
      %add3A_1508 = arith.addf %broadcast_in_dim3A_1497, %mul3A_1507 : vector<64x1xf32>
      %swap3A_1509 = arith.constant 1792 : index
      %swap3A_1510 = arith.constant 0 : index
      %swap3A_1511 = vector.load %arg7[%swap3A_1509, %swap3A_1510] : memref<2048x1xf32, #tpu.memory_space<vmem>>, vector<64x1xf32>
      tpu.vector_store %arg7[%swap3A_1509, %swap3A_1510], %add3A_1508 {strides = array<i32>} : memref<2048x1xf32, #tpu.memory_space<vmem>>, vector<64x1xf32>,
      %get3A_1512 = arith.constant 29 : index
      %get3A_1513 = arith.constant 0 : index
      %get3A_1514 = arith.constant 0 : index
      %get3A_1515 = vector.load %arg5[%get3A_1512, %get3A_1513, %get3A_1514] : memref<32x1x1024xf32, #tpu.memory_space<vmem>>, vector<1x1x1024xf32>
      %get3A_1516 = vector.shape_cast %get3A_1515 : vector<1x1x1024xf32> to vector<1x1024xf32>
      %bitcast_convert_type3A_1517 = tpu.bitcast %get3A_1516 : vector<1x1024xf32> -> vector<1x1024xi32>
      %ge3A_1518 = vector.broadcast %scan3A_30 : i32 to vector<1x1024xi32>
      %ge3A_1519 = arith.cmpi sge, %bitcast_convert_type3A_1517, %ge3A_1518 : vector<1x1024xi32>
      %convert_element_type3A_1520 = arith.extui %ge3A_1519 : vector<1x1024xi1> to vector<1x1024xi32>
      %convert_element_type3A_1521 = arith.sitofp %convert_element_type3A_1520 : vector<1x1024xi32> to vector<1x1024xf32>
      %dot_general3A_1522 = arith.constant dense<0.000000e+00> : vector<1x1024xf32>
      %dot_general3A_1523 = tpu.matmul %convert_element_type3A_1521, %convert_element_type3A_34, %dot_general3A_1522 {dimension_numbers = #tpu.dot_dimension_numbers<[1], [0], [0], [1], [0, 0, 1, 1], [], []>, transpose_lhs_hint = false} : vector<1x1024xf32>, vector<1024x1024xf32>, vector<1x1024xf32> -> vector<1x1024xf32>
      %gt3A_1524 = arith.constant 0.000000e+00 : f32
      %gt3A_1525 = vector.broadcast %gt3A_1524 : f32 to vector<1x1024xf32>
      %gt3A_1526 = arith.cmpf ogt, %convert_element_type3A_1521, %gt3A_1525 : vector<1x1024xf32>
      %sub3A_1527 = arith.subf %dot_general3A_1523, %convert_element_type3A_1521 : vector<1x1024xf32>
      %jit3A_1528 = arith.constant -1.000000e+00 : f32
      %broadcast_in_dim3A_1529 = vector.broadcast %jit3A_1528 : f32 to vector<1x1024xf32>
      %select_n3A_1530 = arith.select %gt3A_1526, %sub3A_1527, %broadcast_in_dim3A_1529 : vector<1x1024xi1>, vector<1x1024xf32>
      %eq3A_1531 = vector.broadcast %select_n3A_1530 : vector<1x1024xf32> to vector<64x1024xf32>
      %eq3A_1532 = vector.broadcast %convert_element_type3A_36 : vector<64x1xf32> to vector<64x1024xf32>
      %eq3A_1533 = arith.cmpf oeq, %eq3A_1531, %eq3A_1532 : vector<64x1024xf32>
      %convert_element_type3A_1534 = arith.extui %eq3A_1533 : vector<64x1024xi1> to vector<64x1024xi32>
      %convert_element_type3A_1535 = arith.sitofp %convert_element_type3A_1534 : vector<64x1024xi32> to vector<64x1024xf32>
      %reduce_sum3A_1536 = arith.constant dense<0.000000e+00> : vector<64xf32>
      %reduce_sum3A_1537 = vector.multi_reduction <add>, %convert_element_type3A_1535, %reduce_sum3A_1536 [1] : vector<64x1024xf32> to vector<64xf32>
      %broadcast_in_dim3A_1538 = vector.shape_cast %reduce_sum3A_1537 : vector<64xf32> to vector<64x1xf32>
      %mul3A_1539 = vector.broadcast %get3A_1516 : vector<1x1024xf32> to vector<64x1024xf32>
      %mul3A_1540 = arith.mulf %convert_element_type3A_1535, %mul3A_1539 : vector<64x1024xf32>
      %reduce_sum3A_1541 = arith.constant dense<0.000000e+00> : vector<64xf32>
      %reduce_sum3A_1542 = vector.multi_reduction <add>, %mul3A_1540, %reduce_sum3A_1541 [1] : vector<64x1024xf32> to vector<64xf32>
      %broadcast_in_dim3A_1543 = vector.shape_cast %reduce_sum3A_1542 : vector<64xf32> to vector<64x1xf32>
      %mul3A_1544 = vector.broadcast %convert_element_type3A_38 : vector<1x1024xf32> to vector<64x1024xf32>
      %mul3A_1545 = arith.mulf %convert_element_type3A_1535, %mul3A_1544 : vector<64x1024xf32>
      %reduce_sum3A_1546 = arith.constant dense<0.000000e+00> : vector<64xf32>
      %reduce_sum3A_1547 = vector.multi_reduction <add>, %mul3A_1545, %reduce_sum3A_1546 [1] : vector<64x1024xf32> to vector<64xf32>
      %broadcast_in_dim3A_1548 = vector.shape_cast %reduce_sum3A_1547 : vector<64xf32> to vector<64x1xf32>
      %add3A_1549 = arith.addf %broadcast_in_dim3A_1543, %broadcast_in_dim3A_1538 : vector<64x1xf32>
      %sub3A_1550 = arith.constant 1.000000e+00 : f32
      %sub3A_1551 = vector.broadcast %sub3A_1550 : f32 to vector<64x1xf32>
      %sub3A_1552 = arith.subf %add3A_1549, %sub3A_1551 : vector<64x1xf32>
      %swap3A_1553 = arith.constant 1856 : index
      %swap3A_1554 = arith.constant 0 : index
      %swap3A_1555 = vector.load %arg6[%swap3A_1553, %swap3A_1554] : memref<2048x1xf32, #tpu.memory_space<vmem>>, vector<64x1xf32>
      tpu.vector_store %arg6[%swap3A_1553, %swap3A_1554], %sub3A_1552 {strides = array<i32>} : memref<2048x1xf32, #tpu.memory_space<vmem>>, vector<64x1xf32>,
      %mul3A_1556 = arith.constant 2.969600e+04 : f32
      %mul3A_1557 = vector.broadcast %mul3A_1556 : f32 to vector<64x1xf32>
      %mul3A_1558 = arith.mulf %mul3A_1557, %broadcast_in_dim3A_1538 : vector<64x1xf32>
      %add3A_1559 = arith.addf %broadcast_in_dim3A_1548, %mul3A_1558 : vector<64x1xf32>
      %swap3A_1560 = arith.constant 1856 : index
      %swap3A_1561 = arith.constant 0 : index
      %swap3A_1562 = vector.load %arg7[%swap3A_1560, %swap3A_1561] : memref<2048x1xf32, #tpu.memory_space<vmem>>, vector<64x1xf32>
      tpu.vector_store %arg7[%swap3A_1560, %swap3A_1561], %add3A_1559 {strides = array<i32>} : memref<2048x1xf32, #tpu.memory_space<vmem>>, vector<64x1xf32>,
      %get3A_1563 = arith.constant 30 : index
      %get3A_1564 = arith.constant 0 : index
      %get3A_1565 = arith.constant 0 : index
      %get3A_1566 = vector.load %arg5[%get3A_1563, %get3A_1564, %get3A_1565] : memref<32x1x1024xf32, #tpu.memory_space<vmem>>, vector<1x1x1024xf32>
      %get3A_1567 = vector.shape_cast %get3A_1566 : vector<1x1x1024xf32> to vector<1x1024xf32>
      %bitcast_convert_type3A_1568 = tpu.bitcast %get3A_1567 : vector<1x1024xf32> -> vector<1x1024xi32>
      %ge3A_1569 = vector.broadcast %scan3A_30 : i32 to vector<1x1024xi32>
      %ge3A_1570 = arith.cmpi sge, %bitcast_convert_type3A_1568, %ge3A_1569 : vector<1x1024xi32>
      %convert_element_type3A_1571 = arith.extui %ge3A_1570 : vector<1x1024xi1> to vector<1x1024xi32>
      %convert_element_type3A_1572 = arith.sitofp %convert_element_type3A_1571 : vector<1x1024xi32> to vector<1x1024xf32>
      %dot_general3A_1573 = arith.constant dense<0.000000e+00> : vector<1x1024xf32>
      %dot_general3A_1574 = tpu.matmul %convert_element_type3A_1572, %convert_element_type3A_34, %dot_general3A_1573 {dimension_numbers = #tpu.dot_dimension_numbers<[1], [0], [0], [1], [0, 0, 1, 1], [], []>, transpose_lhs_hint = false} : vector<1x1024xf32>, vector<1024x1024xf32>, vector<1x1024xf32> -> vector<1x1024xf32>
      %gt3A_1575 = arith.constant 0.000000e+00 : f32
      %gt3A_1576 = vector.broadcast %gt3A_1575 : f32 to vector<1x1024xf32>
      %gt3A_1577 = arith.cmpf ogt, %convert_element_type3A_1572, %gt3A_1576 : vector<1x1024xf32>
      %sub3A_1578 = arith.subf %dot_general3A_1574, %convert_element_type3A_1572 : vector<1x1024xf32>
      %jit3A_1579 = arith.constant -1.000000e+00 : f32
      %broadcast_in_dim3A_1580 = vector.broadcast %jit3A_1579 : f32 to vector<1x1024xf32>
      %select_n3A_1581 = arith.select %gt3A_1577, %sub3A_1578, %broadcast_in_dim3A_1580 : vector<1x1024xi1>, vector<1x1024xf32>
      %eq3A_1582 = vector.broadcast %select_n3A_1581 : vector<1x1024xf32> to vector<64x1024xf32>
      %eq3A_1583 = vector.broadcast %convert_element_type3A_36 : vector<64x1xf32> to vector<64x1024xf32>
      %eq3A_1584 = arith.cmpf oeq, %eq3A_1582, %eq3A_1583 : vector<64x1024xf32>
      %convert_element_type3A_1585 = arith.extui %eq3A_1584 : vector<64x1024xi1> to vector<64x1024xi32>
      %convert_element_type3A_1586 = arith.sitofp %convert_element_type3A_1585 : vector<64x1024xi32> to vector<64x1024xf32>
      %reduce_sum3A_1587 = arith.constant dense<0.000000e+00> : vector<64xf32>
      %reduce_sum3A_1588 = vector.multi_reduction <add>, %convert_element_type3A_1586, %reduce_sum3A_1587 [1] : vector<64x1024xf32> to vector<64xf32>
      %broadcast_in_dim3A_1589 = vector.shape_cast %reduce_sum3A_1588 : vector<64xf32> to vector<64x1xf32>
      %mul3A_1590 = vector.broadcast %get3A_1567 : vector<1x1024xf32> to vector<64x1024xf32>
      %mul3A_1591 = arith.mulf %convert_element_type3A_1586, %mul3A_1590 : vector<64x1024xf32>
      %reduce_sum3A_1592 = arith.constant dense<0.000000e+00> : vector<64xf32>
      %reduce_sum3A_1593 = vector.multi_reduction <add>, %mul3A_1591, %reduce_sum3A_1592 [1] : vector<64x1024xf32> to vector<64xf32>
      %broadcast_in_dim3A_1594 = vector.shape_cast %reduce_sum3A_1593 : vector<64xf32> to vector<64x1xf32>
      %mul3A_1595 = vector.broadcast %convert_element_type3A_38 : vector<1x1024xf32> to vector<64x1024xf32>
      %mul3A_1596 = arith.mulf %convert_element_type3A_1586, %mul3A_1595 : vector<64x1024xf32>
      %reduce_sum3A_1597 = arith.constant dense<0.000000e+00> : vector<64xf32>
      %reduce_sum3A_1598 = vector.multi_reduction <add>, %mul3A_1596, %reduce_sum3A_1597 [1] : vector<64x1024xf32> to vector<64xf32>
      %broadcast_in_dim3A_1599 = vector.shape_cast %reduce_sum3A_1598 : vector<64xf32> to vector<64x1xf32>
      %add3A_1600 = arith.addf %broadcast_in_dim3A_1594, %broadcast_in_dim3A_1589 : vector<64x1xf32>
      %sub3A_1601 = arith.constant 1.000000e+00 : f32
      %sub3A_1602 = vector.broadcast %sub3A_1601 : f32 to vector<64x1xf32>
      %sub3A_1603 = arith.subf %add3A_1600, %sub3A_1602 : vector<64x1xf32>
      %swap3A_1604 = arith.constant 1920 : index
      %swap3A_1605 = arith.constant 0 : index
      %swap3A_1606 = vector.load %arg6[%swap3A_1604, %swap3A_1605] : memref<2048x1xf32, #tpu.memory_space<vmem>>, vector<64x1xf32>
      tpu.vector_store %arg6[%swap3A_1604, %swap3A_1605], %sub3A_1603 {strides = array<i32>} : memref<2048x1xf32, #tpu.memory_space<vmem>>, vector<64x1xf32>,
      %mul3A_1607 = arith.constant 3.072000e+04 : f32
      %mul3A_1608 = vector.broadcast %mul3A_1607 : f32 to vector<64x1xf32>
      %mul3A_1609 = arith.mulf %mul3A_1608, %broadcast_in_dim3A_1589 : vector<64x1xf32>
      %add3A_1610 = arith.addf %broadcast_in_dim3A_1599, %mul3A_1609 : vector<64x1xf32>
      %swap3A_1611 = arith.constant 1920 : index
      %swap3A_1612 = arith.constant 0 : index
      %swap3A_1613 = vector.load %arg7[%swap3A_1611, %swap3A_1612] : memref<2048x1xf32, #tpu.memory_space<vmem>>, vector<64x1xf32>
      tpu.vector_store %arg7[%swap3A_1611, %swap3A_1612], %add3A_1610 {strides = array<i32>} : memref<2048x1xf32, #tpu.memory_space<vmem>>, vector<64x1xf32>,
      %get3A_1614 = arith.constant 31 : index
      %get3A_1615 = arith.constant 0 : index
      %get3A_1616 = arith.constant 0 : index
      %get3A_1617 = vector.load %arg5[%get3A_1614, %get3A_1615, %get3A_1616] : memref<32x1x1024xf32, #tpu.memory_space<vmem>>, vector<1x1x1024xf32>
      %get3A_1618 = vector.shape_cast %get3A_1617 : vector<1x1x1024xf32> to vector<1x1024xf32>
      %bitcast_convert_type3A_1619 = tpu.bitcast %get3A_1618 : vector<1x1024xf32> -> vector<1x1024xi32>
      %ge3A_1620 = vector.broadcast %scan3A_30 : i32 to vector<1x1024xi32>
      %ge3A_1621 = arith.cmpi sge, %bitcast_convert_type3A_1619, %ge3A_1620 : vector<1x1024xi32>
      %convert_element_type3A_1622 = arith.extui %ge3A_1621 : vector<1x1024xi1> to vector<1x1024xi32>
      %convert_element_type3A_1623 = arith.sitofp %convert_element_type3A_1622 : vector<1x1024xi32> to vector<1x1024xf32>
      %dot_general3A_1624 = arith.constant dense<0.000000e+00> : vector<1x1024xf32>
      %dot_general3A_1625 = tpu.matmul %convert_element_type3A_1623, %convert_element_type3A_34, %dot_general3A_1624 {dimension_numbers = #tpu.dot_dimension_numbers<[1], [0], [0], [1], [0, 0, 1, 1], [], []>, transpose_lhs_hint = false} : vector<1x1024xf32>, vector<1024x1024xf32>, vector<1x1024xf32> -> vector<1x1024xf32>
      %gt3A_1626 = arith.constant 0.000000e+00 : f32
      %gt3A_1627 = vector.broadcast %gt3A_1626 : f32 to vector<1x1024xf32>
      %gt3A_1628 = arith.cmpf ogt, %convert_element_type3A_1623, %gt3A_1627 : vector<1x1024xf32>
      %sub3A_1629 = arith.subf %dot_general3A_1625, %convert_element_type3A_1623 : vector<1x1024xf32>
      %jit3A_1630 = arith.constant -1.000000e+00 : f32
      %broadcast_in_dim3A_1631 = vector.broadcast %jit3A_1630 : f32 to vector<1x1024xf32>
      %select_n3A_1632 = arith.select %gt3A_1628, %sub3A_1629, %broadcast_in_dim3A_1631 : vector<1x1024xi1>, vector<1x1024xf32>
      %eq3A_1633 = vector.broadcast %select_n3A_1632 : vector<1x1024xf32> to vector<64x1024xf32>
      %eq3A_1634 = vector.broadcast %convert_element_type3A_36 : vector<64x1xf32> to vector<64x1024xf32>
      %eq3A_1635 = arith.cmpf oeq, %eq3A_1633, %eq3A_1634 : vector<64x1024xf32>
      %convert_element_type3A_1636 = arith.extui %eq3A_1635 : vector<64x1024xi1> to vector<64x1024xi32>
      %convert_element_type3A_1637 = arith.sitofp %convert_element_type3A_1636 : vector<64x1024xi32> to vector<64x1024xf32>
      %reduce_sum3A_1638 = arith.constant dense<0.000000e+00> : vector<64xf32>
      %reduce_sum3A_1639 = vector.multi_reduction <add>, %convert_element_type3A_1637, %reduce_sum3A_1638 [1] : vector<64x1024xf32> to vector<64xf32>
      %broadcast_in_dim3A_1640 = vector.shape_cast %reduce_sum3A_1639 : vector<64xf32> to vector<64x1xf32>
      %mul3A_1641 = vector.broadcast %get3A_1618 : vector<1x1024xf32> to vector<64x1024xf32>
      %mul3A_1642 = arith.mulf %convert_element_type3A_1637, %mul3A_1641 : vector<64x1024xf32>
      %reduce_sum3A_1643 = arith.constant dense<0.000000e+00> : vector<64xf32>
      %reduce_sum3A_1644 = vector.multi_reduction <add>, %mul3A_1642, %reduce_sum3A_1643 [1] : vector<64x1024xf32> to vector<64xf32>
      %broadcast_in_dim3A_1645 = vector.shape_cast %reduce_sum3A_1644 : vector<64xf32> to vector<64x1xf32>
      %mul3A_1646 = vector.broadcast %convert_element_type3A_38 : vector<1x1024xf32> to vector<64x1024xf32>
      %mul3A_1647 = arith.mulf %convert_element_type3A_1637, %mul3A_1646 : vector<64x1024xf32>
      %reduce_sum3A_1648 = arith.constant dense<0.000000e+00> : vector<64xf32>
      %reduce_sum3A_1649 = vector.multi_reduction <add>, %mul3A_1647, %reduce_sum3A_1648 [1] : vector<64x1024xf32> to vector<64xf32>
      %broadcast_in_dim3A_1650 = vector.shape_cast %reduce_sum3A_1649 : vector<64xf32> to vector<64x1xf32>
      %add3A_1651 = arith.addf %broadcast_in_dim3A_1645, %broadcast_in_dim3A_1640 : vector<64x1xf32>
      %sub3A_1652 = arith.constant 1.000000e+00 : f32
      %sub3A_1653 = vector.broadcast %sub3A_1652 : f32 to vector<64x1xf32>
      %sub3A_1654 = arith.subf %add3A_1651, %sub3A_1653 : vector<64x1xf32>
      %swap3A_1655 = arith.constant 1984 : index
      %swap3A_1656 = arith.constant 0 : index
      %swap3A_1657 = vector.load %arg6[%swap3A_1655, %swap3A_1656] : memref<2048x1xf32, #tpu.memory_space<vmem>>, vector<64x1xf32>
      tpu.vector_store %arg6[%swap3A_1655, %swap3A_1656], %sub3A_1654 {strides = array<i32>} : memref<2048x1xf32, #tpu.memory_space<vmem>>, vector<64x1xf32>,
      %mul3A_1658 = arith.constant 3.174400e+04 : f32
      %mul3A_1659 = vector.broadcast %mul3A_1658 : f32 to vector<64x1xf32>
      %mul3A_1660 = arith.mulf %mul3A_1659, %broadcast_in_dim3A_1640 : vector<64x1xf32>
      %add3A_1661 = arith.addf %broadcast_in_dim3A_1650, %mul3A_1660 : vector<64x1xf32>
      %swap3A_1662 = arith.constant 1984 : index
      %swap3A_1663 = arith.constant 0 : index
      %swap3A_1664 = vector.load %arg7[%swap3A_1662, %swap3A_1663] : memref<2048x1xf32, #tpu.memory_space<vmem>>, vector<64x1xf32>
      tpu.vector_store %arg7[%swap3A_1662, %swap3A_1663], %add3A_1661 {strides = array<i32>} : memref<2048x1xf32, #tpu.memory_space<vmem>>, vector<64x1xf32>,
      %get3A_1665 = arith.constant 0 : index
      %get3A_1666 = arith.constant 0 : index
      %get3A_1667 = vector.load %arg6[%get3A_1665, %get3A_1666] : memref<2048x1xf32, #tpu.memory_space<vmem>>, vector<2048x1xf32>
      %get3A_1668 = arith.constant 0 : index
      %get3A_1669 = arith.constant 0 : index
      %get3A_1670 = vector.load %arg7[%get3A_1668, %get3A_1669] : memref<2048x1xf32, #tpu.memory_space<vmem>>, vector<2048x1xf32>
      %bitcast_convert_type3A_1671 = tpu.bitcast %get3A_1667 : vector<2048x1xf32> -> vector<2048x1xi32>
      %convert_element_type3A_1672 = arith.fptosi %get3A_1670 : vector<2048x1xf32> to vector<2048x1xi32>
      %iota3A_1673 = tpu.iota {dimensions = array<i32: 0>} : vector<512x512xi32>
      %iota3A_1674 = tpu.iota {dimensions = array<i32: 1>} : vector<512x512xi32>
      %eq3A_1675 = arith.cmpi eq, %iota3A_1673, %iota3A_1674 : vector<512x512xi32>
      %convert_element_type3A_1676 = arith.extui %eq3A_1675 : vector<512x512xi1> to vector<512x512xi32>
      %convert_element_type3A_1677 = arith.sitofp %convert_element_type3A_1676 : vector<512x512xi32> to vector<512x512xf32>
      %slice3A_1678 = vector.extract_strided_slice %bitcast_convert_type3A_1671 {offsets = [0, 0], sizes = [512, 1], strides = [1, 1]} : vector<2048x1xi32> to vector<512x1xi32>
      %slice3A_1679 = vector.extract_strided_slice %convert_element_type3A_1672 {offsets = [0, 0], sizes = [512, 1], strides = [1, 1]} : vector<2048x1xi32> to vector<512x1xi32>
      %shift_right_arithmetic3A = arith.constant 0 : i32
      %shift_right_arithmetic3A_1680 = vector.broadcast %shift_right_arithmetic3A : i32 to vector<512x1xi32>
      %shift_right_arithmetic3A_1681 = arith.shrsi %slice3A_1678, %shift_right_arithmetic3A_1680 : vector<512x1xi32>
      %and3A = arith.constant 255 : i32
      %and3A_1682 = vector.broadcast %and3A : i32 to vector<512x1xi32>
      %and3A_1683 = arith.andi %shift_right_arithmetic3A_1681, %and3A_1682 : vector<512x1xi32>
      %convert_element_type3A_1684 = arith.sitofp %and3A_1683 : vector<512x1xi32> to vector<512x1xf32>
      %shift_right_arithmetic3A_1685 = arith.constant 8 : i32
      %shift_right_arithmetic3A_1686 = vector.broadcast %shift_right_arithmetic3A_1685 : i32 to vector<512x1xi32>
      %shift_right_arithmetic3A_1687 = arith.shrsi %slice3A_1678, %shift_right_arithmetic3A_1686 : vector<512x1xi32>
      %and3A_1688 = arith.constant 255 : i32
      %and3A_1689 = vector.broadcast %and3A_1688 : i32 to vector<512x1xi32>
      %and3A_1690 = arith.andi %shift_right_arithmetic3A_1687, %and3A_1689 : vector<512x1xi32>
      %convert_element_type3A_1691 = arith.sitofp %and3A_1690 : vector<512x1xi32> to vector<512x1xf32>
      %shift_right_arithmetic3A_1692 = arith.constant 16 : i32
      %shift_right_arithmetic3A_1693 = vector.broadcast %shift_right_arithmetic3A_1692 : i32 to vector<512x1xi32>
      %shift_right_arithmetic3A_1694 = arith.shrsi %slice3A_1678, %shift_right_arithmetic3A_1693 : vector<512x1xi32>
      %and3A_1695 = arith.constant 255 : i32
      %and3A_1696 = vector.broadcast %and3A_1695 : i32 to vector<512x1xi32>
      %and3A_1697 = arith.andi %shift_right_arithmetic3A_1694, %and3A_1696 : vector<512x1xi32>
      %convert_element_type3A_1698 = arith.sitofp %and3A_1697 : vector<512x1xi32> to vector<512x1xf32>
      %shift_right_arithmetic3A_1699 = arith.constant 24 : i32
      %shift_right_arithmetic3A_1700 = vector.broadcast %shift_right_arithmetic3A_1699 : i32 to vector<512x1xi32>
      %shift_right_arithmetic3A_1701 = arith.shrsi %slice3A_1678, %shift_right_arithmetic3A_1700 : vector<512x1xi32>
      %and3A_1702 = arith.constant 255 : i32
      %and3A_1703 = vector.broadcast %and3A_1702 : i32 to vector<512x1xi32>
      %and3A_1704 = arith.andi %shift_right_arithmetic3A_1701, %and3A_1703 : vector<512x1xi32>
      %convert_element_type3A_1705 = arith.sitofp %and3A_1704 : vector<512x1xi32> to vector<512x1xf32>
      %and3A_1706 = arith.constant 255 : i32
      %and3A_1707 = vector.broadcast %and3A_1706 : i32 to vector<512x1xi32>
      %and3A_1708 = arith.andi %slice3A_1679, %and3A_1707 : vector<512x1xi32>
      %convert_element_type3A_1709 = arith.sitofp %and3A_1708 : vector<512x1xi32> to vector<512x1xf32>
      %shift_right_arithmetic3A_1710 = arith.constant 8 : i32
      %shift_right_arithmetic3A_1711 = vector.broadcast %shift_right_arithmetic3A_1710 : i32 to vector<512x1xi32>
      %shift_right_arithmetic3A_1712 = arith.shrsi %slice3A_1679, %shift_right_arithmetic3A_1711 : vector<512x1xi32>
      %convert_element_type3A_1713 = arith.sitofp %shift_right_arithmetic3A_1712 : vector<512x1xi32> to vector<512x1xf32>
      %dot_general3A_1714 = arith.constant dense<0.000000e+00> : vector<1x512xf32>
      %dot_general3A_1715 = tpu.matmul %convert_element_type3A_1684, %convert_element_type3A_1677, %dot_general3A_1714 {dimension_numbers = #tpu.dot_dimension_numbers<[0], [0], [1], [1], [0, 1, 1, 1], [], []>, transpose_lhs_hint = false} : vector<512x1xf32>, vector<512x512xf32>, vector<1x512xf32> -> vector<1x512xf32>
      %dot_general3A_1716 = arith.constant dense<0.000000e+00> : vector<1x512xf32>
      %dot_general3A_1717 = tpu.matmul %convert_element_type3A_1691, %convert_element_type3A_1677, %dot_general3A_1716 {dimension_numbers = #tpu.dot_dimension_numbers<[0], [0], [1], [1], [0, 1, 1, 1], [], []>, transpose_lhs_hint = false} : vector<512x1xf32>, vector<512x512xf32>, vector<1x512xf32> -> vector<1x512xf32>
      %dot_general3A_1718 = arith.constant dense<0.000000e+00> : vector<1x512xf32>
      %dot_general3A_1719 = tpu.matmul %convert_element_type3A_1698, %convert_element_type3A_1677, %dot_general3A_1718 {dimension_numbers = #tpu.dot_dimension_numbers<[0], [0], [1], [1], [0, 1, 1, 1], [], []>, transpose_lhs_hint = false} : vector<512x1xf32>, vector<512x512xf32>, vector<1x512xf32> -> vector<1x512xf32>
      %dot_general3A_1720 = arith.constant dense<0.000000e+00> : vector<1x512xf32>
      %dot_general3A_1721 = tpu.matmul %convert_element_type3A_1705, %convert_element_type3A_1677, %dot_general3A_1720 {dimension_numbers = #tpu.dot_dimension_numbers<[0], [0], [1], [1], [0, 1, 1, 1], [], []>, transpose_lhs_hint = false} : vector<512x1xf32>, vector<512x512xf32>, vector<1x512xf32> -> vector<1x512xf32>
      %dot_general3A_1722 = arith.constant dense<0.000000e+00> : vector<1x512xf32>
      %dot_general3A_1723 = tpu.matmul %convert_element_type3A_1709, %convert_element_type3A_1677, %dot_general3A_1722 {dimension_numbers = #tpu.dot_dimension_numbers<[0], [0], [1], [1], [0, 1, 1, 1], [], []>, transpose_lhs_hint = false} : vector<512x1xf32>, vector<512x512xf32>, vector<1x512xf32> -> vector<1x512xf32>
      %dot_general3A_1724 = arith.constant dense<0.000000e+00> : vector<1x512xf32>
      %dot_general3A_1725 = tpu.matmul %convert_element_type3A_1713, %convert_element_type3A_1677, %dot_general3A_1724 {dimension_numbers = #tpu.dot_dimension_numbers<[0], [0], [1], [1], [0, 1, 1, 1], [], []>, transpose_lhs_hint = false} : vector<512x1xf32>, vector<512x512xf32>, vector<1x512xf32> -> vector<1x512xf32>
      %convert_element_type3A_1726 = arith.fptosi %dot_general3A_1715 : vector<1x512xf32> to vector<1x512xi32>
      %convert_element_type3A_1727 = arith.fptosi %dot_general3A_1717 : vector<1x512xf32> to vector<1x512xi32>
      %shift_left3A = arith.constant 8 : i32
      %shift_left3A_1728 = vector.broadcast %shift_left3A : i32 to vector<1x512xi32>
      %shift_left3A_1729 = arith.shli %convert_element_type3A_1727, %shift_left3A_1728 : vector<1x512xi32>
      %or3A = arith.ori %convert_element_type3A_1726, %shift_left3A_1729 : vector<1x512xi32>
      %convert_element_type3A_1730 = arith.fptosi %dot_general3A_1719 : vector<1x512xf32> to vector<1x512xi32>
      %shift_left3A_1731 = arith.constant 16 : i32
      %shift_left3A_1732 = vector.broadcast %shift_left3A_1731 : i32 to vector<1x512xi32>
      %shift_left3A_1733 = arith.shli %convert_element_type3A_1730, %shift_left3A_1732 : vector<1x512xi32>
      %or3A_1734 = arith.ori %or3A, %shift_left3A_1733 : vector<1x512xi32>
      %convert_element_type3A_1735 = arith.fptosi %dot_general3A_1721 : vector<1x512xf32> to vector<1x512xi32>
      %shift_left3A_1736 = arith.constant 24 : i32
      %shift_left3A_1737 = vector.broadcast %shift_left3A_1736 : i32 to vector<1x512xi32>
      %shift_left3A_1738 = arith.shli %convert_element_type3A_1735, %shift_left3A_1737 : vector<1x512xi32>
      %or3A_1739 = arith.ori %or3A_1734, %shift_left3A_1738 : vector<1x512xi32>
      %bitcast_convert_type3A_1740 = tpu.bitcast %or3A_1739 : vector<1x512xi32> -> vector<1x512xf32>
      %mul3A_1741 = arith.constant 2.560000e+02 : f32
      %mul3A_1742 = vector.broadcast %mul3A_1741 : f32 to vector<1x512xf32>
      %mul3A_1743 = arith.mulf %dot_general3A_1725, %mul3A_1742 : vector<1x512xf32>
      %add3A_1744 = arith.addf %dot_general3A_1723, %mul3A_1743 : vector<1x512xf32>
      %slice3A_1745 = vector.extract_strided_slice %bitcast_convert_type3A_1671 {offsets = [512, 0], sizes = [512, 1], strides = [1, 1]} : vector<2048x1xi32> to vector<512x1xi32>
      %slice3A_1746 = vector.extract_strided_slice %convert_element_type3A_1672 {offsets = [512, 0], sizes = [512, 1], strides = [1, 1]} : vector<2048x1xi32> to vector<512x1xi32>
      %shift_right_arithmetic3A_1747 = arith.constant 0 : i32
      %shift_right_arithmetic3A_1748 = vector.broadcast %shift_right_arithmetic3A_1747 : i32 to vector<512x1xi32>
      %shift_right_arithmetic3A_1749 = arith.shrsi %slice3A_1745, %shift_right_arithmetic3A_1748 : vector<512x1xi32>
      %and3A_1750 = arith.constant 255 : i32
      %and3A_1751 = vector.broadcast %and3A_1750 : i32 to vector<512x1xi32>
      %and3A_1752 = arith.andi %shift_right_arithmetic3A_1749, %and3A_1751 : vector<512x1xi32>
      %convert_element_type3A_1753 = arith.sitofp %and3A_1752 : vector<512x1xi32> to vector<512x1xf32>
      %shift_right_arithmetic3A_1754 = arith.constant 8 : i32
      %shift_right_arithmetic3A_1755 = vector.broadcast %shift_right_arithmetic3A_1754 : i32 to vector<512x1xi32>
      %shift_right_arithmetic3A_1756 = arith.shrsi %slice3A_1745, %shift_right_arithmetic3A_1755 : vector<512x1xi32>
      %and3A_1757 = arith.constant 255 : i32
      %and3A_1758 = vector.broadcast %and3A_1757 : i32 to vector<512x1xi32>
      %and3A_1759 = arith.andi %shift_right_arithmetic3A_1756, %and3A_1758 : vector<512x1xi32>
      %convert_element_type3A_1760 = arith.sitofp %and3A_1759 : vector<512x1xi32> to vector<512x1xf32>
      %shift_right_arithmetic3A_1761 = arith.constant 16 : i32
      %shift_right_arithmetic3A_1762 = vector.broadcast %shift_right_arithmetic3A_1761 : i32 to vector<512x1xi32>
      %shift_right_arithmetic3A_1763 = arith.shrsi %slice3A_1745, %shift_right_arithmetic3A_1762 : vector<512x1xi32>
      %and3A_1764 = arith.constant 255 : i32
      %and3A_1765 = vector.broadcast %and3A_1764 : i32 to vector<512x1xi32>
      %and3A_1766 = arith.andi %shift_right_arithmetic3A_1763, %and3A_1765 : vector<512x1xi32>
      %convert_element_type3A_1767 = arith.sitofp %and3A_1766 : vector<512x1xi32> to vector<512x1xf32>
      %shift_right_arithmetic3A_1768 = arith.constant 24 : i32
      %shift_right_arithmetic3A_1769 = vector.broadcast %shift_right_arithmetic3A_1768 : i32 to vector<512x1xi32>
      %shift_right_arithmetic3A_1770 = arith.shrsi %slice3A_1745, %shift_right_arithmetic3A_1769 : vector<512x1xi32>
      %and3A_1771 = arith.constant 255 : i32
      %and3A_1772 = vector.broadcast %and3A_1771 : i32 to vector<512x1xi32>
      %and3A_1773 = arith.andi %shift_right_arithmetic3A_1770, %and3A_1772 : vector<512x1xi32>
      %convert_element_type3A_1774 = arith.sitofp %and3A_1773 : vector<512x1xi32> to vector<512x1xf32>
      %and3A_1775 = arith.constant 255 : i32
      %and3A_1776 = vector.broadcast %and3A_1775 : i32 to vector<512x1xi32>
      %and3A_1777 = arith.andi %slice3A_1746, %and3A_1776 : vector<512x1xi32>
      %convert_element_type3A_1778 = arith.sitofp %and3A_1777 : vector<512x1xi32> to vector<512x1xf32>
      %shift_right_arithmetic3A_1779 = arith.constant 8 : i32
      %shift_right_arithmetic3A_1780 = vector.broadcast %shift_right_arithmetic3A_1779 : i32 to vector<512x1xi32>
      %shift_right_arithmetic3A_1781 = arith.shrsi %slice3A_1746, %shift_right_arithmetic3A_1780 : vector<512x1xi32>
      %convert_element_type3A_1782 = arith.sitofp %shift_right_arithmetic3A_1781 : vector<512x1xi32> to vector<512x1xf32>
      %dot_general3A_1783 = arith.constant dense<0.000000e+00> : vector<1x512xf32>
      %dot_general3A_1784 = tpu.matmul %convert_element_type3A_1753, %convert_element_type3A_1677, %dot_general3A_1783 {dimension_numbers = #tpu.dot_dimension_numbers<[0], [0], [1], [1], [0, 1, 1, 1], [], []>, transpose_lhs_hint = false} : vector<512x1xf32>, vector<512x512xf32>, vector<1x512xf32> -> vector<1x512xf32>
      %dot_general3A_1785 = arith.constant dense<0.000000e+00> : vector<1x512xf32>
      %dot_general3A_1786 = tpu.matmul %convert_element_type3A_1760, %convert_element_type3A_1677, %dot_general3A_1785 {dimension_numbers = #tpu.dot_dimension_numbers<[0], [0], [1], [1], [0, 1, 1, 1], [], []>, transpose_lhs_hint = false} : vector<512x1xf32>, vector<512x512xf32>, vector<1x512xf32> -> vector<1x512xf32>
      %dot_general3A_1787 = arith.constant dense<0.000000e+00> : vector<1x512xf32>
      %dot_general3A_1788 = tpu.matmul %convert_element_type3A_1767, %convert_element_type3A_1677, %dot_general3A_1787 {dimension_numbers = #tpu.dot_dimension_numbers<[0], [0], [1], [1], [0, 1, 1, 1], [], []>, transpose_lhs_hint = false} : vector<512x1xf32>, vector<512x512xf32>, vector<1x512xf32> -> vector<1x512xf32>
      %dot_general3A_1789 = arith.constant dense<0.000000e+00> : vector<1x512xf32>
      %dot_general3A_1790 = tpu.matmul %convert_element_type3A_1774, %convert_element_type3A_1677, %dot_general3A_1789 {dimension_numbers = #tpu.dot_dimension_numbers<[0], [0], [1], [1], [0, 1, 1, 1], [], []>, transpose_lhs_hint = false} : vector<512x1xf32>, vector<512x512xf32>, vector<1x512xf32> -> vector<1x512xf32>
      %dot_general3A_1791 = arith.constant dense<0.000000e+00> : vector<1x512xf32>
      %dot_general3A_1792 = tpu.matmul %convert_element_type3A_1778, %convert_element_type3A_1677, %dot_general3A_1791 {dimension_numbers = #tpu.dot_dimension_numbers<[0], [0], [1], [1], [0, 1, 1, 1], [], []>, transpose_lhs_hint = false} : vector<512x1xf32>, vector<512x512xf32>, vector<1x512xf32> -> vector<1x512xf32>
      %dot_general3A_1793 = arith.constant dense<0.000000e+00> : vector<1x512xf32>
      %dot_general3A_1794 = tpu.matmul %convert_element_type3A_1782, %convert_element_type3A_1677, %dot_general3A_1793 {dimension_numbers = #tpu.dot_dimension_numbers<[0], [0], [1], [1], [0, 1, 1, 1], [], []>, transpose_lhs_hint = false} : vector<512x1xf32>, vector<512x512xf32>, vector<1x512xf32> -> vector<1x512xf32>
      %convert_element_type3A_1795 = arith.fptosi %dot_general3A_1784 : vector<1x512xf32> to vector<1x512xi32>
      %convert_element_type3A_1796 = arith.fptosi %dot_general3A_1786 : vector<1x512xf32> to vector<1x512xi32>
      %shift_left3A_1797 = arith.constant 8 : i32
      %shift_left3A_1798 = vector.broadcast %shift_left3A_1797 : i32 to vector<1x512xi32>
      %shift_left3A_1799 = arith.shli %convert_element_type3A_1796, %shift_left3A_1798 : vector<1x512xi32>
      %or3A_1800 = arith.ori %convert_element_type3A_1795, %shift_left3A_1799 : vector<1x512xi32>
      %convert_element_type3A_1801 = arith.fptosi %dot_general3A_1788 : vector<1x512xf32> to vector<1x512xi32>
      %shift_left3A_1802 = arith.constant 16 : i32
      %shift_left3A_1803 = vector.broadcast %shift_left3A_1802 : i32 to vector<1x512xi32>
      %shift_left3A_1804 = arith.shli %convert_element_type3A_1801, %shift_left3A_1803 : vector<1x512xi32>
      %or3A_1805 = arith.ori %or3A_1800, %shift_left3A_1804 : vector<1x512xi32>
      %convert_element_type3A_1806 = arith.fptosi %dot_general3A_1790 : vector<1x512xf32> to vector<1x512xi32>
      %shift_left3A_1807 = arith.constant 24 : i32
      %shift_left3A_1808 = vector.broadcast %shift_left3A_1807 : i32 to vector<1x512xi32>
      %shift_left3A_1809 = arith.shli %convert_element_type3A_1806, %shift_left3A_1808 : vector<1x512xi32>
      %or3A_1810 = arith.ori %or3A_1805, %shift_left3A_1809 : vector<1x512xi32>
      %bitcast_convert_type3A_1811 = tpu.bitcast %or3A_1810 : vector<1x512xi32> -> vector<1x512xf32>
      %mul3A_1812 = arith.constant 2.560000e+02 : f32
      %mul3A_1813 = vector.broadcast %mul3A_1812 : f32 to vector<1x512xf32>
      %mul3A_1814 = arith.mulf %dot_general3A_1794, %mul3A_1813 : vector<1x512xf32>
      %add3A_1815 = arith.addf %dot_general3A_1792, %mul3A_1814 : vector<1x512xf32>
      %slice3A_1816 = vector.extract_strided_slice %bitcast_convert_type3A_1671 {offsets = [1024, 0], sizes = [512, 1], strides = [1, 1]} : vector<2048x1xi32> to vector<512x1xi32>
      %slice3A_1817 = vector.extract_strided_slice %convert_element_type3A_1672 {offsets = [1024, 0], sizes = [512, 1], strides = [1, 1]} : vector<2048x1xi32> to vector<512x1xi32>
      %shift_right_arithmetic3A_1818 = arith.constant 0 : i32
      %shift_right_arithmetic3A_1819 = vector.broadcast %shift_right_arithmetic3A_1818 : i32 to vector<512x1xi32>
      %shift_right_arithmetic3A_1820 = arith.shrsi %slice3A_1816, %shift_right_arithmetic3A_1819 : vector<512x1xi32>
      %and3A_1821 = arith.constant 255 : i32
      %and3A_1822 = vector.broadcast %and3A_1821 : i32 to vector<512x1xi32>
      %and3A_1823 = arith.andi %shift_right_arithmetic3A_1820, %and3A_1822 : vector<512x1xi32>
      %convert_element_type3A_1824 = arith.sitofp %and3A_1823 : vector<512x1xi32> to vector<512x1xf32>
      %shift_right_arithmetic3A_1825 = arith.constant 8 : i32
      %shift_right_arithmetic3A_1826 = vector.broadcast %shift_right_arithmetic3A_1825 : i32 to vector<512x1xi32>
      %shift_right_arithmetic3A_1827 = arith.shrsi %slice3A_1816, %shift_right_arithmetic3A_1826 : vector<512x1xi32>
      %and3A_1828 = arith.constant 255 : i32
      %and3A_1829 = vector.broadcast %and3A_1828 : i32 to vector<512x1xi32>
      %and3A_1830 = arith.andi %shift_right_arithmetic3A_1827, %and3A_1829 : vector<512x1xi32>
      %convert_element_type3A_1831 = arith.sitofp %and3A_1830 : vector<512x1xi32> to vector<512x1xf32>
      %shift_right_arithmetic3A_1832 = arith.constant 16 : i32
      %shift_right_arithmetic3A_1833 = vector.broadcast %shift_right_arithmetic3A_1832 : i32 to vector<512x1xi32>
      %shift_right_arithmetic3A_1834 = arith.shrsi %slice3A_1816, %shift_right_arithmetic3A_1833 : vector<512x1xi32>
      %and3A_1835 = arith.constant 255 : i32
      %and3A_1836 = vector.broadcast %and3A_1835 : i32 to vector<512x1xi32>
      %and3A_1837 = arith.andi %shift_right_arithmetic3A_1834, %and3A_1836 : vector<512x1xi32>
      %convert_element_type3A_1838 = arith.sitofp %and3A_1837 : vector<512x1xi32> to vector<512x1xf32>
      %shift_right_arithmetic3A_1839 = arith.constant 24 : i32
      %shift_right_arithmetic3A_1840 = vector.broadcast %shift_right_arithmetic3A_1839 : i32 to vector<512x1xi32>
      %shift_right_arithmetic3A_1841 = arith.shrsi %slice3A_1816, %shift_right_arithmetic3A_1840 : vector<512x1xi32>
      %and3A_1842 = arith.constant 255 : i32
      %and3A_1843 = vector.broadcast %and3A_1842 : i32 to vector<512x1xi32>
      %and3A_1844 = arith.andi %shift_right_arithmetic3A_1841, %and3A_1843 : vector<512x1xi32>
      %convert_element_type3A_1845 = arith.sitofp %and3A_1844 : vector<512x1xi32> to vector<512x1xf32>
      %and3A_1846 = arith.constant 255 : i32
      %and3A_1847 = vector.broadcast %and3A_1846 : i32 to vector<512x1xi32>
      %and3A_1848 = arith.andi %slice3A_1817, %and3A_1847 : vector<512x1xi32>
      %convert_element_type3A_1849 = arith.sitofp %and3A_1848 : vector<512x1xi32> to vector<512x1xf32>
      %shift_right_arithmetic3A_1850 = arith.constant 8 : i32
      %shift_right_arithmetic3A_1851 = vector.broadcast %shift_right_arithmetic3A_1850 : i32 to vector<512x1xi32>
      %shift_right_arithmetic3A_1852 = arith.shrsi %slice3A_1817, %shift_right_arithmetic3A_1851 : vector<512x1xi32>
      %convert_element_type3A_1853 = arith.sitofp %shift_right_arithmetic3A_1852 : vector<512x1xi32> to vector<512x1xf32>
      %dot_general3A_1854 = arith.constant dense<0.000000e+00> : vector<1x512xf32>
      %dot_general3A_1855 = tpu.matmul %convert_element_type3A_1824, %convert_element_type3A_1677, %dot_general3A_1854 {dimension_numbers = #tpu.dot_dimension_numbers<[0], [0], [1], [1], [0, 1, 1, 1], [], []>, transpose_lhs_hint = false} : vector<512x1xf32>, vector<512x512xf32>, vector<1x512xf32> -> vector<1x512xf32>
      %dot_general3A_1856 = arith.constant dense<0.000000e+00> : vector<1x512xf32>
      %dot_general3A_1857 = tpu.matmul %convert_element_type3A_1831, %convert_element_type3A_1677, %dot_general3A_1856 {dimension_numbers = #tpu.dot_dimension_numbers<[0], [0], [1], [1], [0, 1, 1, 1], [], []>, transpose_lhs_hint = false} : vector<512x1xf32>, vector<512x512xf32>, vector<1x512xf32> -> vector<1x512xf32>
      %dot_general3A_1858 = arith.constant dense<0.000000e+00> : vector<1x512xf32>
      %dot_general3A_1859 = tpu.matmul %convert_element_type3A_1838, %convert_element_type3A_1677, %dot_general3A_1858 {dimension_numbers = #tpu.dot_dimension_numbers<[0], [0], [1], [1], [0, 1, 1, 1], [], []>, transpose_lhs_hint = false} : vector<512x1xf32>, vector<512x512xf32>, vector<1x512xf32> -> vector<1x512xf32>
      %dot_general3A_1860 = arith.constant dense<0.000000e+00> : vector<1x512xf32>
      %dot_general3A_1861 = tpu.matmul %convert_element_type3A_1845, %convert_element_type3A_1677, %dot_general3A_1860 {dimension_numbers = #tpu.dot_dimension_numbers<[0], [0], [1], [1], [0, 1, 1, 1], [], []>, transpose_lhs_hint = false} : vector<512x1xf32>, vector<512x512xf32>, vector<1x512xf32> -> vector<1x512xf32>
      %dot_general3A_1862 = arith.constant dense<0.000000e+00> : vector<1x512xf32>
      %dot_general3A_1863 = tpu.matmul %convert_element_type3A_1849, %convert_element_type3A_1677, %dot_general3A_1862 {dimension_numbers = #tpu.dot_dimension_numbers<[0], [0], [1], [1], [0, 1, 1, 1], [], []>, transpose_lhs_hint = false} : vector<512x1xf32>, vector<512x512xf32>, vector<1x512xf32> -> vector<1x512xf32>
      %dot_general3A_1864 = arith.constant dense<0.000000e+00> : vector<1x512xf32>
      %dot_general3A_1865 = tpu.matmul %convert_element_type3A_1853, %convert_element_type3A_1677, %dot_general3A_1864 {dimension_numbers = #tpu.dot_dimension_numbers<[0], [0], [1], [1], [0, 1, 1, 1], [], []>, transpose_lhs_hint = false} : vector<512x1xf32>, vector<512x512xf32>, vector<1x512xf32> -> vector<1x512xf32>
      %convert_element_type3A_1866 = arith.fptosi %dot_general3A_1855 : vector<1x512xf32> to vector<1x512xi32>
      %convert_element_type3A_1867 = arith.fptosi %dot_general3A_1857 : vector<1x512xf32> to vector<1x512xi32>
      %shift_left3A_1868 = arith.constant 8 : i32
      %shift_left3A_1869 = vector.broadcast %shift_left3A_1868 : i32 to vector<1x512xi32>
      %shift_left3A_1870 = arith.shli %convert_element_type3A_1867, %shift_left3A_1869 : vector<1x512xi32>
      %or3A_1871 = arith.ori %convert_element_type3A_1866, %shift_left3A_1870 : vector<1x512xi32>
      %convert_element_type3A_1872 = arith.fptosi %dot_general3A_1859 : vector<1x512xf32> to vector<1x512xi32>
      %shift_left3A_1873 = arith.constant 16 : i32
      %shift_left3A_1874 = vector.broadcast %shift_left3A_1873 : i32 to vector<1x512xi32>
      %shift_left3A_1875 = arith.shli %convert_element_type3A_1872, %shift_left3A_1874 : vector<1x512xi32>
      %or3A_1876 = arith.ori %or3A_1871, %shift_left3A_1875 : vector<1x512xi32>
      %convert_element_type3A_1877 = arith.fptosi %dot_general3A_1861 : vector<1x512xf32> to vector<1x512xi32>
      %shift_left3A_1878 = arith.constant 24 : i32
      %shift_left3A_1879 = vector.broadcast %shift_left3A_1878 : i32 to vector<1x512xi32>
      %shift_left3A_1880 = arith.shli %convert_element_type3A_1877, %shift_left3A_1879 : vector<1x512xi32>
      %or3A_1881 = arith.ori %or3A_1876, %shift_left3A_1880 : vector<1x512xi32>
      %bitcast_convert_type3A_1882 = tpu.bitcast %or3A_1881 : vector<1x512xi32> -> vector<1x512xf32>
      %mul3A_1883 = arith.constant 2.560000e+02 : f32
      %mul3A_1884 = vector.broadcast %mul3A_1883 : f32 to vector<1x512xf32>
      %mul3A_1885 = arith.mulf %dot_general3A_1865, %mul3A_1884 : vector<1x512xf32>
      %add3A_1886 = arith.addf %dot_general3A_1863, %mul3A_1885 : vector<1x512xf32>
      %slice3A_1887 = vector.extract_strided_slice %bitcast_convert_type3A_1671 {offsets = [1536, 0], sizes = [512, 1], strides = [1, 1]} : vector<2048x1xi32> to vector<512x1xi32>
      %slice3A_1888 = vector.extract_strided_slice %convert_element_type3A_1672 {offsets = [1536, 0], sizes = [512, 1], strides = [1, 1]} : vector<2048x1xi32> to vector<512x1xi32>
      %shift_right_arithmetic3A_1889 = arith.constant 0 : i32
      %shift_right_arithmetic3A_1890 = vector.broadcast %shift_right_arithmetic3A_1889 : i32 to vector<512x1xi32>
      %shift_right_arithmetic3A_1891 = arith.shrsi %slice3A_1887, %shift_right_arithmetic3A_1890 : vector<512x1xi32>
      %and3A_1892 = arith.constant 255 : i32
      %and3A_1893 = vector.broadcast %and3A_1892 : i32 to vector<512x1xi32>
      %and3A_1894 = arith.andi %shift_right_arithmetic3A_1891, %and3A_1893 : vector<512x1xi32>
      %convert_element_type3A_1895 = arith.sitofp %and3A_1894 : vector<512x1xi32> to vector<512x1xf32>
      %shift_right_arithmetic3A_1896 = arith.constant 8 : i32
      %shift_right_arithmetic3A_1897 = vector.broadcast %shift_right_arithmetic3A_1896 : i32 to vector<512x1xi32>
      %shift_right_arithmetic3A_1898 = arith.shrsi %slice3A_1887, %shift_right_arithmetic3A_1897 : vector<512x1xi32>
      %and3A_1899 = arith.constant 255 : i32
      %and3A_1900 = vector.broadcast %and3A_1899 : i32 to vector<512x1xi32>
      %and3A_1901 = arith.andi %shift_right_arithmetic3A_1898, %and3A_1900 : vector<512x1xi32>
      %convert_element_type3A_1902 = arith.sitofp %and3A_1901 : vector<512x1xi32> to vector<512x1xf32>
      %shift_right_arithmetic3A_1903 = arith.constant 16 : i32
      %shift_right_arithmetic3A_1904 = vector.broadcast %shift_right_arithmetic3A_1903 : i32 to vector<512x1xi32>
      %shift_right_arithmetic3A_1905 = arith.shrsi %slice3A_1887, %shift_right_arithmetic3A_1904 : vector<512x1xi32>
      %and3A_1906 = arith.constant 255 : i32
      %and3A_1907 = vector.broadcast %and3A_1906 : i32 to vector<512x1xi32>
      %and3A_1908 = arith.andi %shift_right_arithmetic3A_1905, %and3A_1907 : vector<512x1xi32>
      %convert_element_type3A_1909 = arith.sitofp %and3A_1908 : vector<512x1xi32> to vector<512x1xf32>
      %shift_right_arithmetic3A_1910 = arith.constant 24 : i32
      %shift_right_arithmetic3A_1911 = vector.broadcast %shift_right_arithmetic3A_1910 : i32 to vector<512x1xi32>
      %shift_right_arithmetic3A_1912 = arith.shrsi %slice3A_1887, %shift_right_arithmetic3A_1911 : vector<512x1xi32>
      %and3A_1913 = arith.constant 255 : i32
      %and3A_1914 = vector.broadcast %and3A_1913 : i32 to vector<512x1xi32>
      %and3A_1915 = arith.andi %shift_right_arithmetic3A_1912, %and3A_1914 : vector<512x1xi32>
      %convert_element_type3A_1916 = arith.sitofp %and3A_1915 : vector<512x1xi32> to vector<512x1xf32>
      %and3A_1917 = arith.constant 255 : i32
      %and3A_1918 = vector.broadcast %and3A_1917 : i32 to vector<512x1xi32>
      %and3A_1919 = arith.andi %slice3A_1888, %and3A_1918 : vector<512x1xi32>
      %convert_element_type3A_1920 = arith.sitofp %and3A_1919 : vector<512x1xi32> to vector<512x1xf32>
      %shift_right_arithmetic3A_1921 = arith.constant 8 : i32
      %shift_right_arithmetic3A_1922 = vector.broadcast %shift_right_arithmetic3A_1921 : i32 to vector<512x1xi32>
      %shift_right_arithmetic3A_1923 = arith.shrsi %slice3A_1888, %shift_right_arithmetic3A_1922 : vector<512x1xi32>
      %convert_element_type3A_1924 = arith.sitofp %shift_right_arithmetic3A_1923 : vector<512x1xi32> to vector<512x1xf32>
      %dot_general3A_1925 = arith.constant dense<0.000000e+00> : vector<1x512xf32>
      %dot_general3A_1926 = tpu.matmul %convert_element_type3A_1895, %convert_element_type3A_1677, %dot_general3A_1925 {dimension_numbers = #tpu.dot_dimension_numbers<[0], [0], [1], [1], [0, 1, 1, 1], [], []>, transpose_lhs_hint = false} : vector<512x1xf32>, vector<512x512xf32>, vector<1x512xf32> -> vector<1x512xf32>
      %dot_general3A_1927 = arith.constant dense<0.000000e+00> : vector<1x512xf32>
      %dot_general3A_1928 = tpu.matmul %convert_element_type3A_1902, %convert_element_type3A_1677, %dot_general3A_1927 {dimension_numbers = #tpu.dot_dimension_numbers<[0], [0], [1], [1], [0, 1, 1, 1], [], []>, transpose_lhs_hint = false} : vector<512x1xf32>, vector<512x512xf32>, vector<1x512xf32> -> vector<1x512xf32>
      %dot_general3A_1929 = arith.constant dense<0.000000e+00> : vector<1x512xf32>
      %dot_general3A_1930 = tpu.matmul %convert_element_type3A_1909, %convert_element_type3A_1677, %dot_general3A_1929 {dimension_numbers = #tpu.dot_dimension_numbers<[0], [0], [1], [1], [0, 1, 1, 1], [], []>, transpose_lhs_hint = false} : vector<512x1xf32>, vector<512x512xf32>, vector<1x512xf32> -> vector<1x512xf32>
      %dot_general3A_1931 = arith.constant dense<0.000000e+00> : vector<1x512xf32>
      %dot_general3A_1932 = tpu.matmul %convert_element_type3A_1916, %convert_element_type3A_1677, %dot_general3A_1931 {dimension_numbers = #tpu.dot_dimension_numbers<[0], [0], [1], [1], [0, 1, 1, 1], [], []>, transpose_lhs_hint = false} : vector<512x1xf32>, vector<512x512xf32>, vector<1x512xf32> -> vector<1x512xf32>
      %dot_general3A_1933 = arith.constant dense<0.000000e+00> : vector<1x512xf32>
      %dot_general3A_1934 = tpu.matmul %convert_element_type3A_1920, %convert_element_type3A_1677, %dot_general3A_1933 {dimension_numbers = #tpu.dot_dimension_numbers<[0], [0], [1], [1], [0, 1, 1, 1], [], []>, transpose_lhs_hint = false} : vector<512x1xf32>, vector<512x512xf32>, vector<1x512xf32> -> vector<1x512xf32>
      %dot_general3A_1935 = arith.constant dense<0.000000e+00> : vector<1x512xf32>
      %dot_general3A_1936 = tpu.matmul %convert_element_type3A_1924, %convert_element_type3A_1677, %dot_general3A_1935 {dimension_numbers = #tpu.dot_dimension_numbers<[0], [0], [1], [1], [0, 1, 1, 1], [], []>, transpose_lhs_hint = false} : vector<512x1xf32>, vector<512x512xf32>, vector<1x512xf32> -> vector<1x512xf32>
      %convert_element_type3A_1937 = arith.fptosi %dot_general3A_1926 : vector<1x512xf32> to vector<1x512xi32>
      %convert_element_type3A_1938 = arith.fptosi %dot_general3A_1928 : vector<1x512xf32> to vector<1x512xi32>
      %shift_left3A_1939 = arith.constant 8 : i32
      %shift_left3A_1940 = vector.broadcast %shift_left3A_1939 : i32 to vector<1x512xi32>
      %shift_left3A_1941 = arith.shli %convert_element_type3A_1938, %shift_left3A_1940 : vector<1x512xi32>
      %or3A_1942 = arith.ori %convert_element_type3A_1937, %shift_left3A_1941 : vector<1x512xi32>
      %convert_element_type3A_1943 = arith.fptosi %dot_general3A_1930 : vector<1x512xf32> to vector<1x512xi32>
      %shift_left3A_1944 = arith.constant 16 : i32
      %shift_left3A_1945 = vector.broadcast %shift_left3A_1944 : i32 to vector<1x512xi32>
      %shift_left3A_1946 = arith.shli %convert_element_type3A_1943, %shift_left3A_1945 : vector<1x512xi32>
      %or3A_1947 = arith.ori %or3A_1942, %shift_left3A_1946 : vector<1x512xi32>
      %convert_element_type3A_1948 = arith.fptosi %dot_general3A_1932 : vector<1x512xf32> to vector<1x512xi32>
      %shift_left3A_1949 = arith.constant 24 : i32
      %shift_left3A_1950 = vector.broadcast %shift_left3A_1949 : i32 to vector<1x512xi32>
      %shift_left3A_1951 = arith.shli %convert_element_type3A_1948, %shift_left3A_1950 : vector<1x512xi32>
      %or3A_1952 = arith.ori %or3A_1947, %shift_left3A_1951 : vector<1x512xi32>
      %bitcast_convert_type3A_1953 = tpu.bitcast %or3A_1952 : vector<1x512xi32> -> vector<1x512xf32>
      %mul3A_1954 = arith.constant 2.560000e+02 : f32
      %mul3A_1955 = vector.broadcast %mul3A_1954 : f32 to vector<1x512xf32>
      %mul3A_1956 = arith.mulf %dot_general3A_1936, %mul3A_1955 : vector<1x512xf32>
      %add3A_1957 = arith.addf %dot_general3A_1934, %mul3A_1956 : vector<1x512xf32>
      %concatenate3A = tpu.concatenate %bitcast_convert_type3A_1740, %bitcast_convert_type3A_1811, %bitcast_convert_type3A_1882, %bitcast_convert_type3A_1953 in 1 : vector<1x512xf32>, vector<1x512xf32>, vector<1x512xf32>, vector<1x512xf32> -> vector<1x2048xf32>
      %concatenate3A_1958 = tpu.concatenate %add3A_1744, %add3A_1815, %add3A_1886, %add3A_1957 in 1 : vector<1x512xf32>, vector<1x512xf32>, vector<1x512xf32>, vector<1x512xf32> -> vector<1x2048xf32>
      %iota3A_1959 = tpu.iota {dimensions = array<i32: 1>} : vector<1x512xi32>
      %convert_element_type3A_1960 = arith.sitofp %iota3A_1959 : vector<1x512xi32> to vector<1x512xf32>
      %broadcast_in_dim3A_1961 = arith.constant 0.000000e+00 : f32
      %broadcast_in_dim3A_1962 = vector.broadcast %broadcast_in_dim3A_1961 : f32 to vector<1x512xf32>
      %broadcast_in_dim3A_1963 = arith.constant 0.000000e+00 : f32
      %broadcast_in_dim3A_1964 = vector.broadcast %broadcast_in_dim3A_1963 : f32 to vector<1x512xf32>
      %slice3A_1965 = vector.extract_strided_slice %get3A_1667 {offsets = [0, 0], sizes = [512, 1], strides = [1, 1]} : vector<2048x1xf32> to vector<512x1xf32>
      %slice3A_1966 = vector.extract_strided_slice %get3A_1670 {offsets = [0, 0], sizes = [512, 1], strides = [1, 1]} : vector<2048x1xf32> to vector<512x1xf32>
      %slice3A_1967 = vector.extract_strided_slice %convert_element_type3A_1672 {offsets = [0, 0], sizes = [512, 1], strides = [1, 1]} : vector<2048x1xi32> to vector<512x1xi32>
      %gt3A_1968 = vector.broadcast %concatenate3A : vector<1x2048xf32> to vector<512x2048xf32>
      %gt3A_1969 = vector.broadcast %slice3A_1965 : vector<512x1xf32> to vector<512x2048xf32>
      %gt3A_1970 = arith.cmpf ogt, %gt3A_1968, %gt3A_1969 : vector<512x2048xf32>
      %eq3A_1971 = vector.broadcast %concatenate3A : vector<1x2048xf32> to vector<512x2048xf32>
      %eq3A_1972 = vector.broadcast %slice3A_1965 : vector<512x1xf32> to vector<512x2048xf32>
      %eq3A_1973 = arith.cmpf oeq, %eq3A_1971, %eq3A_1972 : vector<512x2048xf32>
      %lt3A = vector.broadcast %concatenate3A_1958 : vector<1x2048xf32> to vector<512x2048xf32>
      %lt3A_1974 = vector.broadcast %slice3A_1966 : vector<512x1xf32> to vector<512x2048xf32>
      %lt3A_1975 = arith.cmpf olt, %lt3A, %lt3A_1974 : vector<512x2048xf32>
      %and3A_1976 = arith.andi %eq3A_1973, %lt3A_1975 : vector<512x2048xi1>
      %or3A_1977 = arith.ori %gt3A_1970, %and3A_1976 : vector<512x2048xi1>
      %convert_element_type3A_1978 = arith.extui %or3A_1977 : vector<512x2048xi1> to vector<512x2048xi32>
      %convert_element_type3A_1979 = arith.sitofp %convert_element_type3A_1978 : vector<512x2048xi32> to vector<512x2048xf32>
      %reduce_sum3A_1980 = arith.constant dense<0.000000e+00> : vector<512xf32>
      %reduce_sum3A_1981 = vector.multi_reduction <add>, %convert_element_type3A_1979, %reduce_sum3A_1980 [1] : vector<512x2048xf32> to vector<512xf32>
      %broadcast_in_dim3A_1982 = vector.shape_cast %reduce_sum3A_1981 : vector<512xf32> to vector<512x1xf32>
      %eq3A_1983 = vector.broadcast %broadcast_in_dim3A_1982 : vector<512x1xf32> to vector<512x512xf32>
      %eq3A_1984 = vector.broadcast %convert_element_type3A_1960 : vector<1x512xf32> to vector<512x512xf32>
      %eq3A_1985 = arith.cmpf oeq, %eq3A_1983, %eq3A_1984 : vector<512x512xf32>
      %convert_element_type3A_1986 = arith.extui %eq3A_1985 : vector<512x512xi1> to vector<512x512xi32>
      %convert_element_type3A_1987 = arith.sitofp %convert_element_type3A_1986 : vector<512x512xi32> to vector<512x512xf32>
      %shift_right_arithmetic3A_1988 = arith.constant 8 : i32
      %shift_right_arithmetic3A_1989 = vector.broadcast %shift_right_arithmetic3A_1988 : i32 to vector<512x1xi32>
      %shift_right_arithmetic3A_1990 = arith.shrsi %slice3A_1967, %shift_right_arithmetic3A_1989 : vector<512x1xi32>
      %convert_element_type3A_1991 = arith.sitofp %shift_right_arithmetic3A_1990 : vector<512x1xi32> to vector<512x1xf32>
      %and3A_1992 = arith.constant 255 : i32
      %and3A_1993 = vector.broadcast %and3A_1992 : i32 to vector<512x1xi32>
      %and3A_1994 = arith.andi %slice3A_1967, %and3A_1993 : vector<512x1xi32>
      %convert_element_type3A_1995 = arith.sitofp %and3A_1994 : vector<512x1xi32> to vector<512x1xf32>
      %dot_general3A_1996 = arith.constant dense<0.000000e+00> : vector<1x512xf32>
      %dot_general3A_1997 = tpu.matmul %convert_element_type3A_1991, %convert_element_type3A_1987, %dot_general3A_1996 {dimension_numbers = #tpu.dot_dimension_numbers<[0], [0], [1], [1], [0, 1, 1, 1], [], []>, transpose_lhs_hint = false} : vector<512x1xf32>, vector<512x512xf32>, vector<1x512xf32> -> vector<1x512xf32>
      %add3A_1998 = arith.addf %broadcast_in_dim3A_1962, %dot_general3A_1997 : vector<1x512xf32>
      %dot_general3A_1999 = arith.constant dense<0.000000e+00> : vector<1x512xf32>
      %dot_general3A_2000 = tpu.matmul %convert_element_type3A_1995, %convert_element_type3A_1987, %dot_general3A_1999 {dimension_numbers = #tpu.dot_dimension_numbers<[0], [0], [1], [1], [0, 1, 1, 1], [], []>, transpose_lhs_hint = false} : vector<512x1xf32>, vector<512x512xf32>, vector<1x512xf32> -> vector<1x512xf32>
      %add3A_2001 = arith.addf %broadcast_in_dim3A_1964, %dot_general3A_2000 : vector<1x512xf32>
      %slice3A_2002 = vector.extract_strided_slice %get3A_1667 {offsets = [512, 0], sizes = [512, 1], strides = [1, 1]} : vector<2048x1xf32> to vector<512x1xf32>
      %slice3A_2003 = vector.extract_strided_slice %get3A_1670 {offsets = [512, 0], sizes = [512, 1], strides = [1, 1]} : vector<2048x1xf32> to vector<512x1xf32>
      %slice3A_2004 = vector.extract_strided_slice %convert_element_type3A_1672 {offsets = [512, 0], sizes = [512, 1], strides = [1, 1]} : vector<2048x1xi32> to vector<512x1xi32>
      %gt3A_2005 = vector.broadcast %concatenate3A : vector<1x2048xf32> to vector<512x2048xf32>
      %gt3A_2006 = vector.broadcast %slice3A_2002 : vector<512x1xf32> to vector<512x2048xf32>
      %gt3A_2007 = arith.cmpf ogt, %gt3A_2005, %gt3A_2006 : vector<512x2048xf32>
      %eq3A_2008 = vector.broadcast %concatenate3A : vector<1x2048xf32> to vector<512x2048xf32>
      %eq3A_2009 = vector.broadcast %slice3A_2002 : vector<512x1xf32> to vector<512x2048xf32>
      %eq3A_2010 = arith.cmpf oeq, %eq3A_2008, %eq3A_2009 : vector<512x2048xf32>
      %lt3A_2011 = vector.broadcast %concatenate3A_1958 : vector<1x2048xf32> to vector<512x2048xf32>
      %lt3A_2012 = vector.broadcast %slice3A_2003 : vector<512x1xf32> to vector<512x2048xf32>
      %lt3A_2013 = arith.cmpf olt, %lt3A_2011, %lt3A_2012 : vector<512x2048xf32>
      %and3A_2014 = arith.andi %eq3A_2010, %lt3A_2013 : vector<512x2048xi1>
      %or3A_2015 = arith.ori %gt3A_2007, %and3A_2014 : vector<512x2048xi1>
      %convert_element_type3A_2016 = arith.extui %or3A_2015 : vector<512x2048xi1> to vector<512x2048xi32>
      %convert_element_type3A_2017 = arith.sitofp %convert_element_type3A_2016 : vector<512x2048xi32> to vector<512x2048xf32>
      %reduce_sum3A_2018 = arith.constant dense<0.000000e+00> : vector<512xf32>
      %reduce_sum3A_2019 = vector.multi_reduction <add>, %convert_element_type3A_2017, %reduce_sum3A_2018 [1] : vector<512x2048xf32> to vector<512xf32>
      %broadcast_in_dim3A_2020 = vector.shape_cast %reduce_sum3A_2019 : vector<512xf32> to vector<512x1xf32>
      %eq3A_2021 = vector.broadcast %broadcast_in_dim3A_2020 : vector<512x1xf32> to vector<512x512xf32>
      %eq3A_2022 = vector.broadcast %convert_element_type3A_1960 : vector<1x512xf32> to vector<512x512xf32>
      %eq3A_2023 = arith.cmpf oeq, %eq3A_2021, %eq3A_2022 : vector<512x512xf32>
      %convert_element_type3A_2024 = arith.extui %eq3A_2023 : vector<512x512xi1> to vector<512x512xi32>
      %convert_element_type3A_2025 = arith.sitofp %convert_element_type3A_2024 : vector<512x512xi32> to vector<512x512xf32>
      %shift_right_arithmetic3A_2026 = arith.constant 8 : i32
      %shift_right_arithmetic3A_2027 = vector.broadcast %shift_right_arithmetic3A_2026 : i32 to vector<512x1xi32>
      %shift_right_arithmetic3A_2028 = arith.shrsi %slice3A_2004, %shift_right_arithmetic3A_2027 : vector<512x1xi32>
      %convert_element_type3A_2029 = arith.sitofp %shift_right_arithmetic3A_2028 : vector<512x1xi32> to vector<512x1xf32>
      %and3A_2030 = arith.constant 255 : i32
      %and3A_2031 = vector.broadcast %and3A_2030 : i32 to vector<512x1xi32>
      %and3A_2032 = arith.andi %slice3A_2004, %and3A_2031 : vector<512x1xi32>
      %convert_element_type3A_2033 = arith.sitofp %and3A_2032 : vector<512x1xi32> to vector<512x1xf32>
      %dot_general3A_2034 = arith.constant dense<0.000000e+00> : vector<1x512xf32>
      %dot_general3A_2035 = tpu.matmul %convert_element_type3A_2029, %convert_element_type3A_2025, %dot_general3A_2034 {dimension_numbers = #tpu.dot_dimension_numbers<[0], [0], [1], [1], [0, 1, 1, 1], [], []>, transpose_lhs_hint = false} : vector<512x1xf32>, vector<512x512xf32>, vector<1x512xf32> -> vector<1x512xf32>
      %add3A_2036 = arith.addf %add3A_1998, %dot_general3A_2035 : vector<1x512xf32>
      %dot_general3A_2037 = arith.constant dense<0.000000e+00> : vector<1x512xf32>
      %dot_general3A_2038 = tpu.matmul %convert_element_type3A_2033, %convert_element_type3A_2025, %dot_general3A_2037 {dimension_numbers = #tpu.dot_dimension_numbers<[0], [0], [1], [1], [0, 1, 1, 1], [], []>, transpose_lhs_hint = false} : vector<512x1xf32>, vector<512x512xf32>, vector<1x512xf32> -> vector<1x512xf32>
      %add3A_2039 = arith.addf %add3A_2001, %dot_general3A_2038 : vector<1x512xf32>
      %slice3A_2040 = vector.extract_strided_slice %get3A_1667 {offsets = [1024, 0], sizes = [512, 1], strides = [1, 1]} : vector<2048x1xf32> to vector<512x1xf32>
      %slice3A_2041 = vector.extract_strided_slice %get3A_1670 {offsets = [1024, 0], sizes = [512, 1], strides = [1, 1]} : vector<2048x1xf32> to vector<512x1xf32>
      %slice3A_2042 = vector.extract_strided_slice %convert_element_type3A_1672 {offsets = [1024, 0], sizes = [512, 1], strides = [1, 1]} : vector<2048x1xi32> to vector<512x1xi32>
      %gt3A_2043 = vector.broadcast %concatenate3A : vector<1x2048xf32> to vector<512x2048xf32>
      %gt3A_2044 = vector.broadcast %slice3A_2040 : vector<512x1xf32> to vector<512x2048xf32>
      %gt3A_2045 = arith.cmpf ogt, %gt3A_2043, %gt3A_2044 : vector<512x2048xf32>
      %eq3A_2046 = vector.broadcast %concatenate3A : vector<1x2048xf32> to vector<512x2048xf32>
      %eq3A_2047 = vector.broadcast %slice3A_2040 : vector<512x1xf32> to vector<512x2048xf32>
      %eq3A_2048 = arith.cmpf oeq, %eq3A_2046, %eq3A_2047 : vector<512x2048xf32>
      %lt3A_2049 = vector.broadcast %concatenate3A_1958 : vector<1x2048xf32> to vector<512x2048xf32>
      %lt3A_2050 = vector.broadcast %slice3A_2041 : vector<512x1xf32> to vector<512x2048xf32>
      %lt3A_2051 = arith.cmpf olt, %lt3A_2049, %lt3A_2050 : vector<512x2048xf32>
      %and3A_2052 = arith.andi %eq3A_2048, %lt3A_2051 : vector<512x2048xi1>
      %or3A_2053 = arith.ori %gt3A_2045, %and3A_2052 : vector<512x2048xi1>
      %convert_element_type3A_2054 = arith.extui %or3A_2053 : vector<512x2048xi1> to vector<512x2048xi32>
      %convert_element_type3A_2055 = arith.sitofp %convert_element_type3A_2054 : vector<512x2048xi32> to vector<512x2048xf32>
      %reduce_sum3A_2056 = arith.constant dense<0.000000e+00> : vector<512xf32>
      %reduce_sum3A_2057 = vector.multi_reduction <add>, %convert_element_type3A_2055, %reduce_sum3A_2056 [1] : vector<512x2048xf32> to vector<512xf32>
      %broadcast_in_dim3A_2058 = vector.shape_cast %reduce_sum3A_2057 : vector<512xf32> to vector<512x1xf32>
      %eq3A_2059 = vector.broadcast %broadcast_in_dim3A_2058 : vector<512x1xf32> to vector<512x512xf32>
      %eq3A_2060 = vector.broadcast %convert_element_type3A_1960 : vector<1x512xf32> to vector<512x512xf32>
      %eq3A_2061 = arith.cmpf oeq, %eq3A_2059, %eq3A_2060 : vector<512x512xf32>
      %convert_element_type3A_2062 = arith.extui %eq3A_2061 : vector<512x512xi1> to vector<512x512xi32>
      %convert_element_type3A_2063 = arith.sitofp %convert_element_type3A_2062 : vector<512x512xi32> to vector<512x512xf32>
      %shift_right_arithmetic3A_2064 = arith.constant 8 : i32
      %shift_right_arithmetic3A_2065 = vector.broadcast %shift_right_arithmetic3A_2064 : i32 to vector<512x1xi32>
      %shift_right_arithmetic3A_2066 = arith.shrsi %slice3A_2042, %shift_right_arithmetic3A_2065 : vector<512x1xi32>
      %convert_element_type3A_2067 = arith.sitofp %shift_right_arithmetic3A_2066 : vector<512x1xi32> to vector<512x1xf32>
      %and3A_2068 = arith.constant 255 : i32
      %and3A_2069 = vector.broadcast %and3A_2068 : i32 to vector<512x1xi32>
      %and3A_2070 = arith.andi %slice3A_2042, %and3A_2069 : vector<512x1xi32>
      %convert_element_type3A_2071 = arith.sitofp %and3A_2070 : vector<512x1xi32> to vector<512x1xf32>
      %dot_general3A_2072 = arith.constant dense<0.000000e+00> : vector<1x512xf32>
      %dot_general3A_2073 = tpu.matmul %convert_element_type3A_2067, %convert_element_type3A_2063, %dot_general3A_2072 {dimension_numbers = #tpu.dot_dimension_numbers<[0], [0], [1], [1], [0, 1, 1, 1], [], []>, transpose_lhs_hint = false} : vector<512x1xf32>, vector<512x512xf32>, vector<1x512xf32> -> vector<1x512xf32>
      %add3A_2074 = arith.addf %add3A_2036, %dot_general3A_2073 : vector<1x512xf32>
      %dot_general3A_2075 = arith.constant dense<0.000000e+00> : vector<1x512xf32>
      %dot_general3A_2076 = tpu.matmul %convert_element_type3A_2071, %convert_element_type3A_2063, %dot_general3A_2075 {dimension_numbers = #tpu.dot_dimension_numbers<[0], [0], [1], [1], [0, 1, 1, 1], [], []>, transpose_lhs_hint = false} : vector<512x1xf32>, vector<512x512xf32>, vector<1x512xf32> -> vector<1x512xf32>
      %add3A_2077 = arith.addf %add3A_2039, %dot_general3A_2076 : vector<1x512xf32>
      %slice3A_2078 = vector.extract_strided_slice %get3A_1667 {offsets = [1536, 0], sizes = [512, 1], strides = [1, 1]} : vector<2048x1xf32> to vector<512x1xf32>
      %slice3A_2079 = vector.extract_strided_slice %get3A_1670 {offsets = [1536, 0], sizes = [512, 1], strides = [1, 1]} : vector<2048x1xf32> to vector<512x1xf32>
      %slice3A_2080 = vector.extract_strided_slice %convert_element_type3A_1672 {offsets = [1536, 0], sizes = [512, 1], strides = [1, 1]} : vector<2048x1xi32> to vector<512x1xi32>
      %gt3A_2081 = vector.broadcast %concatenate3A : vector<1x2048xf32> to vector<512x2048xf32>
      %gt3A_2082 = vector.broadcast %slice3A_2078 : vector<512x1xf32> to vector<512x2048xf32>
      %gt3A_2083 = arith.cmpf ogt, %gt3A_2081, %gt3A_2082 : vector<512x2048xf32>
      %eq3A_2084 = vector.broadcast %concatenate3A : vector<1x2048xf32> to vector<512x2048xf32>
      %eq3A_2085 = vector.broadcast %slice3A_2078 : vector<512x1xf32> to vector<512x2048xf32>
      %eq3A_2086 = arith.cmpf oeq, %eq3A_2084, %eq3A_2085 : vector<512x2048xf32>
      %lt3A_2087 = vector.broadcast %concatenate3A_1958 : vector<1x2048xf32> to vector<512x2048xf32>
      %lt3A_2088 = vector.broadcast %slice3A_2079 : vector<512x1xf32> to vector<512x2048xf32>
      %lt3A_2089 = arith.cmpf olt, %lt3A_2087, %lt3A_2088 : vector<512x2048xf32>
      %and3A_2090 = arith.andi %eq3A_2086, %lt3A_2089 : vector<512x2048xi1>
      %or3A_2091 = arith.ori %gt3A_2083, %and3A_2090 : vector<512x2048xi1>
      %convert_element_type3A_2092 = arith.extui %or3A_2091 : vector<512x2048xi1> to vector<512x2048xi32>
      %convert_element_type3A_2093 = arith.sitofp %convert_element_type3A_2092 : vector<512x2048xi32> to vector<512x2048xf32>
      %reduce_sum3A_2094 = arith.constant dense<0.000000e+00> : vector<512xf32>
      %reduce_sum3A_2095 = vector.multi_reduction <add>, %convert_element_type3A_2093, %reduce_sum3A_2094 [1] : vector<512x2048xf32> to vector<512xf32>
      %broadcast_in_dim3A_2096 = vector.shape_cast %reduce_sum3A_2095 : vector<512xf32> to vector<512x1xf32>
      %eq3A_2097 = vector.broadcast %broadcast_in_dim3A_2096 : vector<512x1xf32> to vector<512x512xf32>
      %eq3A_2098 = vector.broadcast %convert_element_type3A_1960 : vector<1x512xf32> to vector<512x512xf32>
      %eq3A_2099 = arith.cmpf oeq, %eq3A_2097, %eq3A_2098 : vector<512x512xf32>
      %convert_element_type3A_2100 = arith.extui %eq3A_2099 : vector<512x512xi1> to vector<512x512xi32>
      %convert_element_type3A_2101 = arith.sitofp %convert_element_type3A_2100 : vector<512x512xi32> to vector<512x512xf32>
      %shift_right_arithmetic3A_2102 = arith.constant 8 : i32
      %shift_right_arithmetic3A_2103 = vector.broadcast %shift_right_arithmetic3A_2102 : i32 to vector<512x1xi32>
      %shift_right_arithmetic3A_2104 = arith.shrsi %slice3A_2080, %shift_right_arithmetic3A_2103 : vector<512x1xi32>
      %convert_element_type3A_2105 = arith.sitofp %shift_right_arithmetic3A_2104 : vector<512x1xi32> to vector<512x1xf32>
      %and3A_2106 = arith.constant 255 : i32
      %and3A_2107 = vector.broadcast %and3A_2106 : i32 to vector<512x1xi32>
      %and3A_2108 = arith.andi %slice3A_2080, %and3A_2107 : vector<512x1xi32>
      %convert_element_type3A_2109 = arith.sitofp %and3A_2108 : vector<512x1xi32> to vector<512x1xf32>
      %dot_general3A_2110 = arith.constant dense<0.000000e+00> : vector<1x512xf32>
      %dot_general3A_2111 = tpu.matmul %convert_element_type3A_2105, %convert_element_type3A_2101, %dot_general3A_2110 {dimension_numbers = #tpu.dot_dimension_numbers<[0], [0], [1], [1], [0, 1, 1, 1], [], []>, transpose_lhs_hint = false} : vector<512x1xf32>, vector<512x512xf32>, vector<1x512xf32> -> vector<1x512xf32>
      %add3A_2112 = arith.addf %add3A_2074, %dot_general3A_2111 : vector<1x512xf32>
      %dot_general3A_2113 = arith.constant dense<0.000000e+00> : vector<1x512xf32>
      %dot_general3A_2114 = tpu.matmul %convert_element_type3A_2109, %convert_element_type3A_2101, %dot_general3A_2113 {dimension_numbers = #tpu.dot_dimension_numbers<[0], [0], [1], [1], [0, 1, 1, 1], [], []>, transpose_lhs_hint = false} : vector<512x1xf32>, vector<512x512xf32>, vector<1x512xf32> -> vector<1x512xf32>
      %add3A_2115 = arith.addf %add3A_2077, %dot_general3A_2114 : vector<1x512xf32>
      %mul3A_2116 = arith.constant 2.560000e+02 : f32
      %mul3A_2117 = vector.broadcast %mul3A_2116 : f32 to vector<1x512xf32>
      %mul3A_2118 = arith.mulf %add3A_2112, %mul3A_2117 : vector<1x512xf32>
      %add3A_2119 = arith.addf %mul3A_2118, %add3A_2115 : vector<1x512xf32>
      %convert_element_type3A_2120 = arith.fptosi %add3A_2119 : vector<1x512xf32> to vector<1x512xi32>
      %swap3A_2121 = arith.constant 0 : index
      %swap3A_2122 = arith.constant 0 : index
      %swap3A_2123 = vector.load %arg4[%swap3A_2121, %swap3A_2122] : memref<1x512xi32, #tpu.memory_space<vmem>>, vector<1x512xi32>
      tpu.vector_store %arg4[%swap3A_2121, %swap3A_2122], %convert_element_type3A_2120 {strides = array<i32>} : memref<1x512xi32, #tpu.memory_space<vmem>>, vector<1x512xi32>,
    } else {
    }
    return
  }
  func.func @transform_0(%arg0: i32) -> (i32, i32) {
    %c0_i32 = arith.constant 0 : i32
    %c0_i32_0 = arith.constant 0 : i32
    return %arg0, %c0_i32 : i32, i32
  }
  func.func @transform_1(%arg0: i32) -> (i32, i32) {
    %c0_i32 = arith.constant 0 : i32
    %c0_i32_0 = arith.constant 0 : i32
    %c0_i32_1 = arith.constant 0 : i32
    return %c0_i32, %c0_i32_0 : i32, i32
  }
  func.func @transform_2(%arg0: i32) -> (i32, i32) {
    %c0_i32 = arith.constant 0 : i32
    %c0_i32_0 = arith.constant 0 : i32
    %c0_i32_1 = arith.constant 0 : i32
    return %c0_i32, %c0_i32_0 : i32, i32
  }
  func.func @transform_3(%arg0: i32) -> (i32, i32) {
    %c0_i32 = arith.constant 0 : i32
    %c0_i32_0 = arith.constant 0 : i32
    %c0_i32_1 = arith.constant 0 : i32
    return %c0_i32, %c0_i32_0 : i32, i32
  }
}

</mosaic_0001>

<sc_bundles>
// kernel: kernel.4.cloned.1.call-start
scs
__scs_entry_jumppad:
0x0: {  	(pc) =	sbr.rel $0x88, $3  }
0x1: {  	(tag) =	ssettag $0x0;
	lr =	simm.s32 $0x1  }
0x2: {  	[smem:$0x3F9E] =	sst lr;
	_ =	strace $0xD0000000  }
0x3: {  	_ = 	snop  }
0x4: {  	_ = 	snop  }
0x5: {  	_ = 	snop  }
0x6: {  	_ = 	snop  }
0x7: {  	_ = 	snop  }
__scs_overlays_trampoline_lowered:
0x8: {  	[smem:$0x3FAD] =	sst s0  }
0x9: {  	[smem:$0x3FAE] =	sst s1  }
0xa: {  	[smem:$0x3FAF] =	sst s2  }
0xb: {  	[smem:$0x3FB0] =	sst s3  }
0xc: {  	[smem:$0x3FB1] =	sst s4  }
0xd: {  	[smem:$0x3FB2] =	sst s5  }
0xe: {  	[smem:$0x3FB3] =	sst s6  }
0xf: {  	[smem:$0x3FB4] =	sst s7  }
0x10: {  	[smem:$0x3FB5] =	sst s8  }
0x11: {  	[smem:$0x3FB6] =	sst s9;
	s0 =	simm.s32 @!p0 $0x0  }
0x12: {  	s1 =	sld [smem:$0x3F9C];
	s0 =	simm.s32 @p0 $0x1  }
0x13: {  	[smem:$0x3FB7] =	sst s0;
	s0 =	simm.s32 @!p1 $0x0  }
0x14: {  	s2 =	sld [smem:$0x3F9B];
	s0 =	simm.s32 @p1 $0x1  }
0x15: {  	[smem:$0x3FB8] =	sst s0;
	s0 =	simm.s32 @!p2 $0x0  }
0x16: {  	s3 =	sld [smem:$0x3FDB];
	s0 =	simm.s32 @p2 $0x1  }
0x17: {  	s4 =	simm.s32 $0x1BF5;
	[smem:$0x3FBA] =	sst s0  }
0x18: {  	s0 =	sld [smem:$0x3F9D];
	_ =	swait.ge [sflag:s4], $0x0  }
0x19: {  	s7 =	sld [smem:$0x3F9E]  }
0x1a: {  	s8 =	sadd.s32 $0xFFFFE003, lr  }
0x1b: {  	s9 =	sadd.s32 $0xFFFFFEF7, lr;
	s5 =	simm.s32 $0xFFFFFFFF;
	p2 =	slt.u32 s8, $0xFFFFF086  }
0x1c: {  	p1 =	slt.u32 s9, $0xF7A;
	s5 =	simm.s32 @!p2 $0x0  }
0x1d: {  	s5 =	simm.s32 @p1 $0x1;
	p0 =	seq.s32 s7, s2  }
0x1e: {  	s7 =	smul.u32 @!p0 $0xF7A, s2;
	p2 =	seq.s32 @!p0 s5, $0x0  }
0x1f: {  	s9 =	smul.u32 $0xF7A, s1;
	s8 =	simm.s32 @!p0 $0x1BF5;
	p2 =	por !p2, p0  }
0x20: {  	[sflag:s8] =	ssyncset.s32 @!p0 $0xFFFFF086;
	s6 =	sadd.s32 @!p0 s3, s7;
	s7 =	simm.s32 @!p0 $0x108  }
0x21: {  	s3 =	sadd.s32 s3, s9;
	s6 =	sadd.s32 @!p0 $0x88, s6;
	s7 =	simm.s32 @p2 $0x1082  }
0x22: {  	[simem:s7], [sflag:s8] =	dma.local @!p0 [hbm:s6], $0xF7A  }
0x23: {  	s9 =	sor.u32 $0xD0000000, s2;
	s6 =	simm.s32 $0x108;
	_ =	swait.ge @!p0 [sflag:s8], $0x0  }
0x24: {  	s3 =	sadd.s32 $0x88, s3;
	s6 =	simm.s32 @!p1 $0x1082;
	[sflag:s4] =	ssyncset.s32 $0xFFFFF086  }
0x25: {  	[simem:s6], [sflag:s4] =	dma.local [hbm:s3], $0xF7A  }
0x26: {  	[smem:$0x3F9E] =	sst s1;
	(tag) =	ssettag s2;
	_ =	strace s9  }
0x27: {  	s1 =	sld [smem:$0x3FAE]  }
0x28: {  	s2 =	sld [smem:$0x3FAF]  }
0x29: {  	s4 =	sld [smem:$0x3FB1]  }
0x2a: {  	p0 =	seq.s32 s5, $0x0;
	s5 =	sld [smem:$0x3FB2]  }
0x2b: {  	s6 =	sld [smem:$0x3FB3]  }
0x2c: {  	s7 =	sld [smem:$0x3FB4]  }
0x2d: {  	s3 =	simm.s32 $0x108;
	s8 =	sld [smem:$0x3FB5]  }
0x2e: {  	s3 =	simm.s32 @!p0 $0x1082;
	s9 =	sld [smem:$0x3FB6]  }
0x2f: {  	lr =	sadd.s32 s0, s3;
	s0 =	sld [smem:$0x3FAD]  }
0x30: {  	s3 =	sld [smem:$0x3FB0]  }
0x31: {  	[smem:$0x3FB9] =	sst s10  }
0x32: {  	s10 =	sld [smem:$0x3FB7];
	_ =	sdelay $0x3  }
0x33: {  	p0 =	seq.s32 s10, $0x1;
	s10 =	sld [smem:$0x3FB9];
	_ =	sdelay $0x3  }
0x34: {  	[smem:$0x3FB9] =	sst s10  }
0x35: {  	s10 =	sld [smem:$0x3FB8];
	_ =	sdelay $0x3  }
0x36: {  	p1 =	seq.s32 s10, $0x1;
	s10 =	sld [smem:$0x3FB9];
	_ =	sdelay $0x3  }
0x37: {  	[smem:$0x3FB9] =	sst s10  }
0x38: {  	s10 =	sld [smem:$0x3FBA]  }
0x39: {  	_ = 	snop;
	(pc) =	sbr.ind lr, $3  }
0x3a: {  	_ = 	snop  }
0x3b: {  	_ = 	snop  }
0x3c: {  	p2 =	seq.s32 s10, $0x1;
	s10 =	sld [smem:$0x3FB9]  }
0x3d: {  	_ =	shalt  }
0x3e: {  	_ =	shalt  }
0x3f: {  	_ =	shalt  }
0x40: {  	_ =	shalt  }
0x41: {  	_ =	shalt  }
0x42: {  	_ =	shalt  }
0x43: {  	_ =	shalt  }
0x44: {  	_ =	shalt  }
0x45: {  	_ =	shalt  }
0x46: {  	_ =	shalt  }
0x47: {  	_ =	shalt  }
0x48: {  	_ =	shalt  }
0x49: {  	_ =	shalt  }
0x4a: {  	_ =	shalt  }
0x4b: {  	_ =	shalt  }
0x4c: {  	_ =	shalt  }
0x4d: {  	_ =	shalt  }
0x4e: {  	_ =	shalt  }
0x4f: {  	_ =	shalt  }
0x50: {  	_ =	shalt  }
0x51: {  	_ =	shalt  }
0x52: {  	_ =	shalt  }
0x53: {  	_ =	shalt  }
0x54: {  	_ =	shalt  }
0x55: {  	_ =	shalt  }
0x56: {  	_ =	shalt  }
0x57: {  	_ =	shalt  }
0x58: {  	_ =	shalt  }
0x59: {  	_ =	shalt  }
0x5a: {  	_ =	shalt  }
0x5b: {  	_ =	shalt  }
0x5c: {  	_ =	shalt  }
0x5d: {  	_ =	shalt  }
0x5e: {  	_ =	shalt  }
0x5f: {  	_ =	shalt  }
0x60: {  	_ =	shalt  }
0x61: {  	_ =	shalt  }
0x62: {  	_ =	shalt  }
0x63: {  	_ =	shalt  }
0x64: {  	_ =	shalt  }
0x65: {  	_ =	shalt  }
0x66: {  	_ =	shalt  }
0x67: {  	_ =	shalt  }
0x68: {  	_ =	shalt  }
0x69: {  	_ =	shalt  }
0x6a: {  	_ =	shalt  }
0x6b: {  	_ =	shalt  }
0x6c: {  	_ =	shalt  }
0x6d: {  	_ =	shalt  }
0x6e: {  	_ =	shalt  }
0x6f: {  	_ =	shalt  }
0x70: {  	_ =	shalt  }
0x71: {  	_ =	shalt  }
0x72: {  	_ =	shalt  }
0x73: {  	_ =	shalt  }
0x74: {  	_ =	shalt  }
0x75: {  	_ =	shalt  }
0x76: {  	_ =	shalt  }
0x77: {  	_ =	shalt  }
0x78: {  	_ =	shalt  }
0x79: {  	_ =	shalt  }
0x7a: {  	_ =	shalt  }
0x7b: {  	_ =	shalt  }
0x7c: {  	_ =	shalt  }
0x7d: {  	_ =	shalt  }
0x7e: {  	_ =	shalt  }
0x7f: {  	_ =	shalt  }
0x80: {  	_ =	shalt  }
0x81: {  	_ =	shalt  }
0x82: {  	_ =	shalt  }
0x83: {  	_ =	shalt  }
0x84: {  	_ =	shalt  }
0x85: {  	_ =	shalt  }
0x86: {  	_ =	shalt  }
0x87: {  	_ =	shalt  }
.Lfunc_end0:
.L_simem_size_0:
called_computation_lowered:
.L_overlay_start_0:
0x88: {  	s2 =	sld [smem:$0x3FD9]  }
0x89: {  	s3 =	sld [smem:$0x3FFE];
	_ =	sdelay $0x1  }
0x8a: {  	s1 =	srdreg.scid  }
0x8b: {  	s0 =	sand.u32 $0x1, s1  }
0x8c: {  	s17 =	sshll.u32 s0, $0xA;
	s2 =	sadd.s32 s3, s2  }
0x8d: {  	s2 =	sadd.s32 s2, s17  }
0x8e: {  	[smem:$0x3FC5] =	sst s2  }
0x8f: {  	_ = 	snop  }
0x90: {  	s2 =	sld [smem:$0x3FC9]  }
0x91: {  	s18 =	sld [smem:$0x3FD0];
	(tm) =	ssettm $0x1  }
0x92: {  	s4 =	sld [smem:$0x3FFB];
	_ =	sdelay $0x3  }
0x93: {  	_ =	strace s4  }
0x94: {  	s4 =	sld [smem:$0x3FFC];
	_ =	sdelay $0x3  }
0x95: {  	_ =	strace s4  }
0x96: {  	s4 =	sld [smem:$0x3FFD];
	_ =	sdelay $0x3  }
0x97: {  	_ =	strace s4  }
0x98: {  	_ =	strace $0x8FFFFFFF  }
0x99: {  	s19 =	sld [smem:$0x3FDB];
	_ =	sdelay $0x1  }
0x9a: {  	s5 =	simm.s32 $_scs_section_size  }
0x9b: {  	s6 =	simm.s32 $_size__tile_overlayer_lowered;
	s7 =	simm.s32 $_tile_overlayer_lowered  }
0x9c: {  	s22 =	simm.s32 $0x1BFF;
	s21 =	sshll.u32 s7, $0x1;
	s4 =	sadd.s32 s5, s19  }
0x9d: {  	s8 =	simm.s32 $0x0;
	s20 =	sshll.u32 s6, $0x1;
	s6 =	sadd.s32 s21, s4  }
0x9e: {  	[timem:s8], [sflag:s22] =	dma.local [hbm:s6], s20  }
0x9f: {  	_ =	swait.ge [sflag:s22], s20  }
0xa0: {  	s5 =	ssub.s32 $0x0, s20;
	[sflag:s22] =	ssyncset.done $0x0  }
0xa1: {  	[sflag:s22] =	ssyncadd.s32 s5;
	_ =	sdelay $0x1  }
0xa2: {  	s23 =	simm.s32 $0x1B8B  }
0xa3: {  	_ =	swait.ge [sflag:s23], $0x1  }
0xa4: {  	[sflag:s23] =	ssyncset.done $0x0  }
0xa5: {  	s25 =	simm.s32 $0x1B8E;
	s24 =	sld [smem:$0x3FFE];
	[sflag:s23] =	ssyncadd.s32 $0xFFFFFFFF  }
0xa6: {  	s26 =	simm.s32 $execute0_lowered;
	[smem:$0x3FD2] =	sst s25  }
0xa7: {  	s6 =	sshll.u32 s26, $0x1;
	_ =	strace $0x80000046;
	[dreg:$0x1] =	wrdreg $0xFFFFFFFF  }
0xa8: {  	s28 =	simm.s32 $_size_execute0_lowered;
	s4 =	sadd.s32 s4, s6;
	[dreg:$0x0] =	wrdreg $0x0  }
0xa9: {  	s6 =	sshll.u32 s28, $0x1;
	[dreg:$0x2] =	wrdreg s4  }
0xaa: {  	[dreg:$0x3] =	wrdreg s6  }
0xab: {  	[dreg:$0x4] =	wrdreg $0xC0  }
0xac: {  	_ =	task [dreg:s8], $0x5FFFF  }
0xad: {  	[dreg:$0x1] =	wrdreg $0xFFFFFFFF  }
0xae: {  	[dreg:$0x0] =	wrdreg $0x60  }
0xaf: {  	[dreg:$0x2] =	wrdreg s24  }
0xb0: {  	[dreg:$0x3] =	wrdreg s2  }
0xb1: {  	[dreg:$0x4] =	wrdreg s18  }
0xb2: {  	[dreg:$0x5] =	wrdreg $0x9  }
0xb3: {  	_ =	task.clear_ibuf [dreg:s8], $0x6FFFF;
	_ =	strace $0x90000046  }
0xb4: {  	s29 =	simm.s32 $0x9;
	_ =	strace $0x80000048  }
0xb5: {  	_ =	swait.ge [sflag:s29], $0x1  }
0xb6: {  	[sflag:s29] =	ssyncadd.s32 $0xFFFFFFFF  }
0xb7: {  	_ =	strace $0x90000048  }
0xb8: {  	_ =	sfence  }
0xb9: {  	s30 =	sld [smem:$0x0];
	_ =	sdelay $0x2  }
0xba: {  	s31 =	sshll.u32 s1, $0xD;
	s1 =	sshrl.u32 s1, $0x2  }
0xbb: {  	s3 =	sand.u32 $0x4000, s31;
	s1 =	sadd.s32 s1, s30  }
0xbc: {  	s0 =	sor.u32 s3, s0;
	s1 =	sshll.u32 s1, $0x11  }
0xbd: {  	s0 =	sor.u32 s1, s0  }
0xbe: {  	s0 =	sadd.s32 $0x8F2B, s0  }
0xbf: {  	[sflag:s0] =	ssyncadd.remote.s32 $0x1  }
0xc0: {  	_ =	sfence.sel $0xFFFF  }
0xc1: {  	[dreg:$0x0] =	wrdreg $0xFFFFFFFF;
	(pc) =	sbr.abs _section_cstart, $3  }
0xc2: {  	[dreg:$0x1] =	wrdreg $0xFFFFFFFF  }
0xc3: {  	_ =	task.clear_ibuf [dreg:s8], $0x2FFFF;
	_ =	strace $0x9FFFFFFF  }
0xc4: {  	(tm) =	ssettm $0x7FFFFFFF  }
0xc5: {  	_ =	shalt  }
tec
execute0_lowered:
.L_overlay_start_1:
0x0: {  	(tag) =	ssettag $0x1  }
0x1: {  	s1 =	rddreg [dreg:$0x0];
	s2 =	srdreg.scid  }
0x2: {  	s3 =	rddreg [dreg:$0x1];
	s0 =	stileid.u32  }
0x3: {  	s5 =	rddreg [dreg:$0x2];
	s21 =	simm.s32 $0x880;
	s22 =	simm.s32 $0x1080  }
0x4: {  	s20 =	simm.s32 $0x2880;
	s14 =	simm.s32 $0x3080;
	s15 =	simm.s32 $0x3880  }
0x5: {  	s16 =	simm.s32 $0x4080;
	s17 =	simm.s32 $0x4880;
	s18 =	simm.s32 $0x5080  }
0x6: {  	s19 =	simm.s32 $0x5880;
	p0 =	por $0x0, $0x0;
	s28 =	simm.s32 $0x7080  }
0x7: {  	s30 =	simm.s32 $0x7880;
	s29 =	simm.s32 $0x1;
	s4 =	sand.u32 $0x1, s2  }
0x8: {  	s23 =	sshll.u32 s0, $0x5;
	s2 =	simm.s32 $0x0;
	s7 =	sadd.s32 $0x200, s3  }
0x9: {  	s8 =	sadd.s32 $0x300, s3;
	s6 =	sshll.u32 s4, $0x4;
	s4 =	ssub.s32 $0x2, s4  }
0xa: {  	s9 =	sadd.s32 $0x400, s3;
	s10 =	sadd.s32 $0x500, s3;
	s24 =	sshrl.u32 s4, $0x1  }
0xb: {  	s11 =	sadd.s32 $0x600, s3;
	s12 =	sadd.s32 $0x700, s3;
	s4 =	ssub.s32 s4, s24  }
0xc: {  	[smem:$0x7FF] =	sst s2;
	s13 =	sor.u32 s6, s23;
	s26 =	smax.u32 s4, $0x1  }
0xd: {  	_ =	strace $0x80000047;
	s23 =	simm.s32 $0x1880;
	p1 =	sne.s32 s26, $0x1  }
.Ltmp0:
0xe: {  	s6 =	sshrl.u32 s13, $0x3;
	s25 =	sshll.u32 s13, $0x8;
	(pc) =	sbr.rel @!p1 .LBB2_3-.Ltmp0, $4  }
0xf: {  	s13 =	simm.s32 $0x80;
	s24 =	simm.s32 $0x2080;
	s1 =	sadd.s32 s6, s1  }
0x10: {  	v2 =	vlaneseq.u32;
	s6 =	sadd.s32 $0x100, s3;
	s5 =	sadd.s32 s5, s25;
	s1 =	sadd.s32 $0x600, s1  }
0x11: {  	vm0 =	vmmov $0xffff;
	v0 =	vshrl.u32 v2, $0x3;
	s4 =	simm.s32 $0x2;
	s25 =	simm.s32 $0x6080;
	[dreg:$0x4] =	wrdreg s1  }
0x12: {  	v1 =	vand.u32 $0x7, v2;
	v2 =	vor.u32 $0x8, v2;
	v0 =	vmul.u32 $0x8, v0;
	s31 =	sadd.s32 $0xFFFFFFFF, s26;
	s26 =	simm.s32 $0x6880;
	s1 =	rddreg [dreg:$0x4]  }
0x13: {  	[tilespmem:s2], [sflag:$0x2] =	stream.linear.gather [hbm4b:s1+s2], $0x10, $0x38;
	[tilespmem:$0x8080] =	vst v63  }
0x14: {  	_ =	swait.ge [sflag:s4], $0x10  }
0x15: {  	[sflag:s4] =	ssyncset.done $0x0  }
0x16: {  	[sflag:s4] =	ssyncadd.s32 $0xFFFFFFF0  }
0x17: {  	v3 =	vld [tilespmem:$0x0];
	_ =	sdelay $0x4  }
0x18: {  	v4 =	vshll.u32 v3, $0x4  }
0x19: {  	v3 =	vand.u32 $0x7, v3;
	v4 =	vand.u32 $0xFFFFFF80, v4  }
0x1a: {  	v3 =	vor.u32 v3, v4  }
0x1b: {  	v4 =	vperm.xlane v3, v1;
	_ =	sdelay $0x1  }
0x1c: {  	v4 =	vadd.s32 v0, v4;
	_ =	sdelay $0x4  }
0x1d: {  	[tilespmem:s13], [sflag:$0x1] =	stream.indirect_vreg.gather [hbm4b:s3+s2], $0x80, v4, vm0, $0xb8;
	[tilespmem:$0x8080] =	vst v63  }
0x1e: {  	_ = 	snop  }
0x1f: {  	[tilespmem:s21], [sflag:$0x1] =	stream.indirect_vreg.gather [hbm4b:s6+s2], $0x80, v4, vm0, $0xb8;
	[tilespmem:$0x8080] =	vst v63  }
0x20: {  	_ = 	snop  }
0x21: {  	[tilespmem:s22], [sflag:$0x1] =	stream.indirect_vreg.gather [hbm4b:s7+s2], $0x80, v4, vm0, $0xb8;
	[tilespmem:$0x8080] =	vst v63  }
0x22: {  	_ = 	snop  }
0x23: {  	[tilespmem:s23], [sflag:$0x1] =	stream.indirect_vreg.gather [hbm4b:s8+s2], $0x80, v4, vm0, $0xb8;
	[tilespmem:$0x8080] =	vst v63  }
0x24: {  	_ = 	snop  }
0x25: {  	[tilespmem:s24], [sflag:$0x1] =	stream.indirect_vreg.gather [hbm4b:s9+s2], $0x80, v4, vm0, $0xb8;
	[tilespmem:$0x8080] =	vst v63  }
0x26: {  	v3 =	vperm.xlane v3, v2  }
0x27: {  	[tilespmem:s20], [sflag:$0x1] =	stream.indirect_vreg.gather [hbm4b:s10+s2], $0x80, v4, vm0, $0xb8;
	[tilespmem:$0x8080] =	vst v63  }
0x28: {  	v3 =	vadd.s32 v0, v3  }
0x29: {  	[tilespmem:s14], [sflag:$0x1] =	stream.indirect_vreg.gather [hbm4b:s11+s2], $0x80, v4, vm0, $0xb8;
	[tilespmem:$0x8080] =	vst v63  }
0x2a: {  	_ = 	snop  }
0x2b: {  	[tilespmem:s15], [sflag:$0x1] =	stream.indirect_vreg.gather [hbm4b:s12+s2], $0x80, v4, vm0, $0xb8;
	[tilespmem:$0x8080] =	vst v63  }
0x2c: {  	_ = 	snop  }
0x2d: {  	[tilespmem:s16], [sflag:$0x1] =	stream.indirect_vreg.gather [hbm4b:s3+s2], $0x80, v3, vm0, $0xb8;
	[tilespmem:$0x8080] =	vst v63  }
0x2e: {  	_ = 	snop  }
0x2f: {  	[tilespmem:s17], [sflag:$0x1] =	stream.indirect_vreg.gather [hbm4b:s6+s2], $0x80, v3, vm0, $0xb8;
	[tilespmem:$0x8080] =	vst v63  }
0x30: {  	_ = 	snop  }
0x31: {  	[tilespmem:s18], [sflag:$0x1] =	stream.indirect_vreg.gather [hbm4b:s7+s2], $0x80, v3, vm0, $0xb8;
	[tilespmem:$0x8080] =	vst v63  }
0x32: {  	_ = 	snop  }
0x33: {  	[tilespmem:s19], [sflag:$0x1] =	stream.indirect_vreg.gather [hbm4b:s8+s2], $0x80, v3, vm0, $0xb8;
	[tilespmem:$0x8080] =	vst v63  }
0x34: {  	_ = 	snop  }
0x35: {  	[tilespmem:s25], [sflag:$0x1] =	stream.indirect_vreg.gather [hbm4b:s9+s2], $0x80, v3, vm0, $0xb8;
	[tilespmem:$0x8080] =	vst v63  }
0x36: {  	_ = 	snop  }
0x37: {  	[tilespmem:s26], [sflag:$0x1] =	stream.indirect_vreg.gather [hbm4b:s10+s2], $0x80, v3, vm0, $0xb8;
	[tilespmem:$0x8080] =	vst v63  }
0x38: {  	_ = 	snop  }
0x39: {  	[tilespmem:s28], [sflag:$0x1] =	stream.indirect_vreg.gather [hbm4b:s11+s2], $0x80, v3, vm0, $0xb8;
	[tilespmem:$0x8080] =	vst v63  }
0x3a: {  	_ = 	snop  }
0x3b: {  	[tilespmem:s30], [sflag:$0x1] =	stream.indirect_vreg.gather [hbm4b:s12+s2], $0x80, v3, vm0, $0xb8;
	[tilespmem:$0x8080] =	vst v63  }
0x3c: {  	p1 =	sne.s32 s31, $0x1;
	_ =	swait.ge [sflag:s29], $0x8000  }
.Ltmp1:
0x3d: {  	[sflag:s29] =	ssyncset.done $0x0;
	(pc) =	sbr.rel @!p1 .LBB2_3-.Ltmp1, $4  }
0x3e: {  	[sflag:s29] =	ssyncadd.s32 $0xFFFF8000  }
0x3f: {  	[hbm4b:s5+s2] =	stream.linear.scatter [tilespmem:s13], [sflag:$0x2], $0x8000, $0x38;
	[tilespmem:$0x8080] =	vst v63  }
0x40: {  	s31 =	sadd.s32 $0xFFFFFFFF, s31;
	_ =	swait.ge [sflag:s4], $0x8000  }
0x41: {  	p0 =	por $0x1, $0x1;
	s1 =	rddreg [dreg:$0x4];
	[sflag:s4] =	ssyncset.done $0x0  }
.LBB2_2:
0x42: {  	[sflag:s4] =	ssyncadd.s32 $0xFFFF8000  }
0x43: {  	[tilespmem:s2], [sflag:$0x2] =	stream.linear.gather [hbm4b:s1+s2], $0x10, $0x38;
	[tilespmem:$0x8080] =	vst v63  }
0x44: {  	_ =	swait.ge [sflag:s4], $0x10  }
0x45: {  	[sflag:s4] =	ssyncset.done $0x0  }
0x46: {  	[sflag:s4] =	ssyncadd.s32 $0xFFFFFFF0  }
0x47: {  	v3 =	vld [tilespmem:$0x0];
	_ =	sdelay $0x4  }
0x48: {  	v4 =	vshll.u32 v3, $0x4  }
0x49: {  	v3 =	vand.u32 $0x7, v3;
	v4 =	vand.u32 $0xFFFFFF80, v4  }
0x4a: {  	v3 =	vor.u32 v3, v4  }
0x4b: {  	v4 =	vperm.xlane v3, v1;
	_ =	sdelay $0x1  }
0x4c: {  	v4 =	vadd.s32 v0, v4;
	_ =	sdelay $0x4  }
0x4d: {  	[tilespmem:s13], [sflag:$0x1] =	stream.indirect_vreg.gather [hbm4b:s3+s2], $0x80, v4, vm0, $0xb8;
	[tilespmem:$0x8080] =	vst v63  }
0x4e: {  	_ = 	snop  }
0x4f: {  	[tilespmem:s21], [sflag:$0x1] =	stream.indirect_vreg.gather [hbm4b:s6+s2], $0x80, v4, vm0, $0xb8;
	[tilespmem:$0x8080] =	vst v63  }
0x50: {  	_ = 	snop  }
0x51: {  	[tilespmem:s22], [sflag:$0x1] =	stream.indirect_vreg.gather [hbm4b:s7+s2], $0x80, v4, vm0, $0xb8;
	[tilespmem:$0x8080] =	vst v63  }
0x52: {  	_ = 	snop  }
0x53: {  	[tilespmem:s23], [sflag:$0x1] =	stream.indirect_vreg.gather [hbm4b:s8+s2], $0x80, v4, vm0, $0xb8;
	[tilespmem:$0x8080] =	vst v63  }
0x54: {  	_ = 	snop  }
0x55: {  	[tilespmem:s24], [sflag:$0x1] =	stream.indirect_vreg.gather [hbm4b:s9+s2], $0x80, v4, vm0, $0xb8;
	[tilespmem:$0x8080] =	vst v63  }
0x56: {  	v3 =	vperm.xlane v3, v2  }
0x57: {  	[tilespmem:s20], [sflag:$0x1] =	stream.indirect_vreg.gather [hbm4b:s10+s2], $0x80, v4, vm0, $0xb8;
	[tilespmem:$0x8080] =	vst v63  }
0x58: {  	v3 =	vadd.s32 v0, v3  }
0x59: {  	[tilespmem:s14], [sflag:$0x1] =	stream.indirect_vreg.gather [hbm4b:s11+s2], $0x80, v4, vm0, $0xb8;
	[tilespmem:$0x8080] =	vst v63  }
0x5a: {  	_ = 	snop  }
0x5b: {  	[tilespmem:s15], [sflag:$0x1] =	stream.indirect_vreg.gather [hbm4b:s12+s2], $0x80, v4, vm0, $0xb8;
	[tilespmem:$0x8080] =	vst v63  }
0x5c: {  	_ = 	snop  }
0x5d: {  	[tilespmem:s16], [sflag:$0x1] =	stream.indirect_vreg.gather [hbm4b:s3+s2], $0x80, v3, vm0, $0xb8;
	[tilespmem:$0x8080] =	vst v63  }
0x5e: {  	_ = 	snop  }
0x5f: {  	[tilespmem:s17], [sflag:$0x1] =	stream.indirect_vreg.gather [hbm4b:s6+s2], $0x80, v3, vm0, $0xb8;
	[tilespmem:$0x8080] =	vst v63  }
0x60: {  	_ = 	snop  }
0x61: {  	[tilespmem:s18], [sflag:$0x1] =	stream.indirect_vreg.gather [hbm4b:s7+s2], $0x80, v3, vm0, $0xb8;
	[tilespmem:$0x8080] =	vst v63  }
0x62: {  	_ = 	snop  }
0x63: {  	[tilespmem:s19], [sflag:$0x1] =	stream.indirect_vreg.gather [hbm4b:s8+s2], $0x80, v3, vm0, $0xb8;
	[tilespmem:$0x8080] =	vst v63  }
0x64: {  	_ = 	snop  }
0x65: {  	[tilespmem:s25], [sflag:$0x1] =	stream.indirect_vreg.gather [hbm4b:s9+s2], $0x80, v3, vm0, $0xb8;
	[tilespmem:$0x8080] =	vst v63  }
0x66: {  	_ = 	snop  }
0x67: {  	[tilespmem:s26], [sflag:$0x1] =	stream.indirect_vreg.gather [hbm4b:s10+s2], $0x80, v3, vm0, $0xb8;
	[tilespmem:$0x8080] =	vst v63  }
0x68: {  	_ = 	snop  }
0x69: {  	[tilespmem:s28], [sflag:$0x1] =	stream.indirect_vreg.gather [hbm4b:s11+s2], $0x80, v3, vm0, $0xb8;
	[tilespmem:$0x8080] =	vst v63  }
0x6a: {  	_ = 	snop  }
0x6b: {  	[tilespmem:s30], [sflag:$0x1] =	stream.indirect_vreg.gather [hbm4b:s12+s2], $0x80, v3, vm0, $0xb8;
	[tilespmem:$0x8080] =	vst v63  }
0x6c: {  	p1 =	sne.s32 s31, $0x1;
	_ =	swait.ge [sflag:s29], $0x8000  }
.Ltmp2:
0x6d: {  	[sflag:s29] =	ssyncset.done $0x0;
	(pc) =	sbr.rel @p1 .LBB2_2-.Ltmp2, $4  }
0x6e: {  	[sflag:s29] =	ssyncadd.s32 $0xFFFF8000  }
0x6f: {  	[hbm4b:s5+s2] =	stream.linear.scatter [tilespmem:s13], [sflag:$0x2], $0x8000, $0x38;
	[tilespmem:$0x8080] =	vst v63  }
0x70: {  	_ =	swait.ge [sflag:s4], $0x8000  }
0x71: {  	s31 =	sadd.s32 $0xFFFFFFFF, s31;
	s1 =	rddreg [dreg:$0x4];
	[sflag:s4] =	ssyncset.done $0x0  }
.LBB2_3:
0x72: {  	[sflag:s4] =	ssyncadd.s32 @p0 $0xFFFF8000  }
0x73: {  	[tilespmem:s2], [sflag:$0x2] =	stream.linear.gather [hbm4b:s1+s2], $0x10, $0x38;
	[tilespmem:$0x8080] =	vst v63  }
0x74: {  	_ =	swait.ge [sflag:s4], $0x10  }
0x75: {  	[sflag:s4] =	ssyncset.done $0x0  }
0x76: {  	[sflag:s4] =	ssyncadd.s32 $0xFFFFFFF0  }
0x77: {  	v3 =	vld [tilespmem:$0x0];
	_ =	sdelay $0x4  }
0x78: {  	v4 =	vshll.u32 v3, $0x4  }
0x79: {  	v3 =	vand.u32 $0x7, v3;
	v4 =	vand.u32 $0xFFFFFF80, v4  }
0x7a: {  	v3 =	vor.u32 v3, v4  }
0x7b: {  	v1 =	vperm.xlane v3, v1;
	_ =	sdelay $0x1  }
0x7c: {  	v1 =	vadd.s32 v0, v1;
	_ =	sdelay $0x4  }
0x7d: {  	[tilespmem:s13], [sflag:$0x1] =	stream.indirect_vreg.gather [hbm4b:s3+s2], $0x80, v1, vm0, $0xb8;
	[tilespmem:$0x8080] =	vst v63  }
0x7e: {  	_ = 	snop  }
0x7f: {  	[tilespmem:s21], [sflag:$0x1] =	stream.indirect_vreg.gather [hbm4b:s6+s2], $0x80, v1, vm0, $0xb8;
	[tilespmem:$0x8080] =	vst v63  }
0x80: {  	_ = 	snop  }
0x81: {  	[tilespmem:s22], [sflag:$0x1] =	stream.indirect_vreg.gather [hbm4b:s7+s2], $0x80, v1, vm0, $0xb8;
	[tilespmem:$0x8080] =	vst v63  }
0x82: {  	_ = 	snop  }
0x83: {  	[tilespmem:s23], [sflag:$0x1] =	stream.indirect_vreg.gather [hbm4b:s8+s2], $0x80, v1, vm0, $0xb8;
	[tilespmem:$0x8080] =	vst v63  }
0x84: {  	_ = 	snop  }
0x85: {  	[tilespmem:s24], [sflag:$0x1] =	stream.indirect_vreg.gather [hbm4b:s9+s2], $0x80, v1, vm0, $0xb8;
	[tilespmem:$0x8080] =	vst v63  }
0x86: {  	v2 =	vperm.xlane v3, v2  }
0x87: {  	[tilespmem:s20], [sflag:$0x1] =	stream.indirect_vreg.gather [hbm4b:s10+s2], $0x80, v1, vm0, $0xb8;
	[tilespmem:$0x8080] =	vst v63  }
0x88: {  	v63 =	vadd.s32 v0, v2  }
0x89: {  	[tilespmem:s14], [sflag:$0x1] =	stream.indirect_vreg.gather [hbm4b:s11+s2], $0x80, v1, vm0, $0xb8;
	[tilespmem:$0x8080] =	vst v63  }
0x8a: {  	_ = 	snop  }
0x8b: {  	[tilespmem:s15], [sflag:$0x1] =	stream.indirect_vreg.gather [hbm4b:s12+s2], $0x80, v1, vm0, $0xb8;
	[tilespmem:$0x8080] =	vst v63  }
0x8c: {  	_ = 	snop  }
0x8d: {  	[tilespmem:s16], [sflag:$0x1] =	stream.indirect_vreg.gather [hbm4b:s3+s2], $0x80, v63, vm0, $0xb8;
	[tilespmem:$0x8080] =	vst v63  }
0x8e: {  	_ = 	snop  }
0x8f: {  	[tilespmem:s17], [sflag:$0x1] =	stream.indirect_vreg.gather [hbm4b:s6+s2], $0x80, v63, vm0, $0xb8;
	[tilespmem:$0x8080] =	vst v63  }
0x90: {  	_ = 	snop  }
0x91: {  	[tilespmem:s18], [sflag:$0x1] =	stream.indirect_vreg.gather [hbm4b:s7+s2], $0x80, v63, vm0, $0xb8;
	[tilespmem:$0x8080] =	vst v63  }
0x92: {  	_ = 	snop  }
0x93: {  	[tilespmem:s19], [sflag:$0x1] =	stream.indirect_vreg.gather [hbm4b:s8+s2], $0x80, v63, vm0, $0xb8;
	[tilespmem:$0x8080] =	vst v63  }
0x94: {  	_ = 	snop  }
0x95: {  	[tilespmem:s25], [sflag:$0x1] =	stream.indirect_vreg.gather [hbm4b:s9+s2], $0x80, v63, vm0, $0xb8;
	[tilespmem:$0x8080] =	vst v63  }
0x96: {  	_ = 	snop  }
0x97: {  	[tilespmem:s26], [sflag:$0x1] =	stream.indirect_vreg.gather [hbm4b:s10+s2], $0x80, v63, vm0, $0xb8;
	[tilespmem:$0x8080] =	vst v63  }
0x98: {  	_ = 	snop  }
0x99: {  	[tilespmem:s28], [sflag:$0x1] =	stream.indirect_vreg.gather [hbm4b:s11+s2], $0x80, v63, vm0, $0xb8;
	[tilespmem:$0x8080] =	vst v63  }
0x9a: {  	_ = 	snop  }
0x9b: {  	[tilespmem:s30], [sflag:$0x1] =	stream.indirect_vreg.gather [hbm4b:s12+s2], $0x80, v63, vm0, $0xb8;
	[tilespmem:$0x8080] =	vst v63  }
0x9c: {  	_ =	swait.ge [sflag:s29], $0x8000  }
0x9d: {  	[sflag:s29] =	ssyncset.done $0x0  }
0x9e: {  	[sflag:s29] =	ssyncadd.s32 $0xFFFF8000  }
0x9f: {  	[hbm4b:s5+s2] =	stream.linear.scatter [tilespmem:s13], [sflag:$0x2], $0x8000, $0x38;
	[tilespmem:$0x8080] =	vst v63  }
0xa0: {  	_ =	swait.ge [sflag:s4], $0x8000  }
0xa1: {  	[sflag:s4] =	ssyncset.done $0x0  }
0xa2: {  	[sflag:s4] =	ssyncadd.s32 $0xFFFF8000  }
0xa3: {  	_ =	sfence.sel $0x180000  }
0xa4: {  	[bflag:$0x0] =	sbarrier.arrive $0xFFFF  }
0xa5: {  	_ =	strace $0x90000047  }
0xa6: {  	[bflag:$0x2] =	sbarrier.arrive $0xFFFF  }
0xa7: {  	p0 =	sne.s32 s0, $0x0;
	s0 =	rddreg [dreg:$0x3]  }
0xa8: {  	s0 =	sadd.s32 @!p0 $0x100000, s0  }
0xa9: {  	[sflag:s0] =	ssyncadd.tile.s32 @!p0 $0x1;
	_ =	shalt  }
.Lfunc_end2:
_tile_overlayer_lowered:
.L_overlay_start_2:
0xaa: {  	(tag) =	ssettag $0x2  }
0xab: {  	s0 =	rddreg [dreg:$0x0];
	s2 =	stileid.u32  }
0xac: {  	s1 =	rddreg [dreg:$0x1];
	p0 =	sne.s32 s2, $0x0  }
0xad: {  	s3 =	rddreg [dreg:$0x2];
	[bflag:$0x3] =	sbarrier.arrive $0xFFFF;
	s2 =	simm.s32 @!p0 $0x1C02  }
0xae: {  	[timem:s3], [sflag:s2] =	dma.local @!p0 [hbm:s0], s1  }
0xaf: {  	s0 =	simm.s32 @!p0 $0x2  }
0xb0: {  	_ =	swait.ge @!p0 [sflag:s0], s1  }
0xb1: {  	s1 =	ssub.s32 @!p0 $0x0, s1;
	[sflag:s0] =	ssyncset.done @!p0 $0x0  }
0xb2: {  	[sflag:s0] =	ssyncadd.s32 @!p0 s1  }
0xb3: {  	[bflag:$0x3] =	sbarrier.arrive $0xFFFF  }
0xb4: {  	_ =	shalt  }

</sc_bundles>
